<compile_context>
chip_gen: v7x
topology: tpu7x:2x2x1
jax: 0.10.2.dev20260603
libtpu: 0.0.44.dev20260713+nightly
codegen_flags: <defaults>
</compile_context>

<pallas_src>
import functools

import jax
import jax.numpy as jnp
from jax import lax
from jax.experimental import pallas as pl
from jax.experimental.pallas import tpu as pltpu
from jax.experimental.pallas import tpu_sc as plsc

D_MODEL = 2048
N_EXPERTS = 64
N_TOKENS = 8192
CAPACITY = 160
BLK = 1024
GRID = N_TOKENS // BLK


def _router_body(x_ref, wt_ref, probs_ref, idx_ref, tab_ref, cnt_ref):
    i = pl.program_id(0)

    @pl.when(i == 0)
    def _init():
        cnt_ref[...] = jnp.zeros_like(cnt_ref)

    x = x_ref[...]
    wt = wt_ref[...]
    logits = jnp.dot(x, wt, preferred_element_type=jnp.float32)
    m = jnp.max(logits, axis=-1, keepdims=True)
    ex = jnp.exp(logits - m)
    s = jnp.sum(ex, axis=-1, keepdims=True)
    probs = ex / s
    probs_ref[...] = probs

    probs_t = probs.T
    idx = jnp.argmax(probs_t, axis=0).astype(jnp.int32)
    idx_ref[...] = idx

    eq = (jax.lax.broadcasted_iota(jnp.int32, (N_EXPERTS, BLK), 0)
          == idx[None, :])
    tot = jnp.sum(eq.astype(jnp.float32), axis=1, keepdims=True)
    carry = cnt_ref[...][:, 0:1]
    tab_ref[...] = carry.astype(jnp.int32).reshape(1, N_EXPERTS, 1)
    cnt_ref[...] = cnt_ref[...] + tot


_SC_MESH = plsc.VectorSubcoreMesh(core_axis_name="c", subcore_axis_name="s",
                                  num_cores=1, num_subcores=16)


@functools.partial(
    pl.kernel,
    out_type=[
        jax.ShapeDtypeStruct((N_TOKENS,), jnp.int32),
        jax.ShapeDtypeStruct((8,), jnp.int32),
    ],
    mesh=_SC_MESH,
    compiler_params=pltpu.CompilerParams(needs_layout_passes=False),
    scratch_types=[
        pltpu.VMEM((BLK,), jnp.int32),
        pltpu.VMEM((BLK,), jnp.int32),
        pltpu.VMEM((N_EXPERTS,), jnp.int32),
        pltpu.VMEM((16,), jnp.int32),
    ],
)
def _sc_route(idx_hbm, tab_hbm, mask_hbm, ovf_hbm,
              idxv, maskv, cntv, ovfv):
    wid = lax.axis_index("s") + lax.axis_index("c") * 0

    @pl.when(wid < GRID)
    def _():
        base_t = wid * BLK
        pltpu.sync_copy(idx_hbm.at[pl.ds(base_t, BLK)], idxv)
        pltpu.sync_copy(tab_hbm.at[pl.ds(wid * N_EXPERTS, N_EXPERTS)], cntv)
        for g in range(BLK // 16):
            v = idxv[pl.ds(16 * g, 16)]
            occ, last = plsc.scan_count(v)
            b = plsc.load_gather(cntv, [v])
            p = b + occ - 1
            plsc.store_scatter(cntv, [v], p + 1, mask=last)
            maskv[pl.ds(16 * g, 16)] = jnp.where(p < CAPACITY, 1, 0)
        pltpu.sync_copy(maskv, mask_hbm.at[pl.ds(base_t, BLK)])

        @pl.when(wid == GRID - 1)
        def _fin():
            o = jnp.zeros((16,), jnp.int32)
            for k in range(N_EXPERTS // 16):
                t = cntv[pl.ds(16 * k, 16)]
                o = o + jnp.maximum(t - CAPACITY, 0)
            ovfv[...] = plsc.cumsum(o)
            pltpu.sync_copy(ovfv.at[pl.ds(8, 8)], ovf_hbm)


def kernel(hidden, W):
    x = hidden.reshape(N_TOKENS, D_MODEL)
    wt = W.T
    probs, idx, tab = pl.pallas_call(
        _router_body,
        grid=(GRID,),
        in_specs=[
            pl.BlockSpec((BLK, D_MODEL), lambda i: (i, 0)),
            pl.BlockSpec((D_MODEL, N_EXPERTS), lambda i: (0, 0)),
        ],
        out_specs=[
            pl.BlockSpec((BLK, N_EXPERTS), lambda i: (i, 0)),
            pl.BlockSpec((BLK,), lambda i: (i,)),
            pl.BlockSpec((1, N_EXPERTS, 1), lambda i: (i, 0, 0)),
        ],
        out_shape=[
            jax.ShapeDtypeStruct((N_TOKENS, N_EXPERTS), jnp.float32),
            jax.ShapeDtypeStruct((N_TOKENS,), jnp.int32),
            jax.ShapeDtypeStruct((GRID, N_EXPERTS, 1), jnp.int32),
        ],
        scratch_shapes=[pltpu.VMEM((N_EXPERTS, 128), jnp.float32)],
    )(x, wt)
    mask_i32, ovf = _sc_route(idx, tab.reshape(GRID * N_EXPERTS))
    return probs, idx, mask_i32.astype(jnp.bool_), ovf[7]

# --- scband reference (transcript-rebuilt; emitter-appended) ---
"""Pipeline reference for scband-switch-router-14998025797841 (READ-ONLY COPY).

The authoritative reference and input builder live on the scoring server;
editing this copy changes nothing except your own understanding.
"""

import jax, jax.numpy as jnp
import numpy as np

D_MODEL = 2048
N_EXPERTS = 64
CAPACITY_FACTOR = 1.25


def setup_inputs(seed: int = 0) -> dict:
    key = jax.random.key(seed)
    k1, k2 = jax.random.split(key)
    hidden = jax.random.normal(k1, (2, 4096, D_MODEL), dtype=jnp.float32)
    # gate weight, torch nn.Linear layout (out_features, in_features), init std=0.01
    W = jax.random.normal(k2, (N_EXPERTS, D_MODEL), dtype=jnp.float32) * 0.01
    return {"hidden": hidden, "W": W}


def reference(hidden, W):
    # Eval-mode forward (noise_std jitter disabled, as in module.eval()).
    B, T, D = hidden.shape
    N = B * T
    n_experts = W.shape[0]
    hidden_flat = hidden.reshape(N, D)
    router_logits = hidden_flat @ W.T
    router_probs = jax.nn.softmax(router_logits, axis=-1)
    expert_indices = jnp.argmax(router_probs, axis=-1)
    capacity = max(int(CAPACITY_FACTOR * N / n_experts), 1)
    # position of each token within its assigned expert's queue (token order),
    # equivalent to the torch per-expert nonzero + first-`capacity` keep loop
    one_hot = jax.nn.one_hot(expert_indices, n_experts, dtype=jnp.int32)
    pos_in_expert = jnp.sum(jnp.cumsum(one_hot, axis=0) * one_hot, axis=-1) - 1
    dispatch_mask = pos_in_expert < capacity
    overflow_count = jnp.sum(jnp.logical_not(dispatch_mask)).astype(jnp.int32)
    return (router_probs, expert_indices, dispatch_mask, overflow_count)

if __name__ == "__main__":
    import jax
    _d = setup_inputs()
    print(jax.jit(kernel)(*tuple(_d.values())))

</pallas_src>

<mosaic_0001>
#map = affine_map<(d0, d1) -> (0)>
module attributes {stable_mosaic.version = 14 : i64} {
  func.func @_sc_route(%arg0: i32, %arg1: i32, %arg2: memref<8192xi32, #tpu.memory_space<hbm>>, %arg3: memref<512xi32, #tpu.memory_space<hbm>>, %arg4: memref<8192xi32, #tpu.memory_space<hbm>>, %arg5: memref<8xi32, #tpu.memory_space<hbm>>, %arg6: memref<1024xi32, #tpu.memory_space<vmem>>, %arg7: memref<1024xi32, #tpu.memory_space<vmem>>, %arg8: memref<64xi32, #tpu.memory_space<vmem>>, %arg9: memref<16xi32, #tpu.memory_space<vmem>>) attributes {dimension_semantics = [#tpu.dimension_semantics<core_parallel>, #tpu.dimension_semantics<subcore_parallel>], iteration_bounds = array<i64: 1, 16>, scalar_prefetch = 0 : i64, scratch_operands = 4 : i64, tpu.core_type = #tpu.core_type<sc_vector_subcore>, window_params = [{transform_indices = #map}, {transform_indices = #map}, {transform_indices = #map}, {transform_indices = #map}]} {
    %mul3A = arith.constant 0 : i32
    %mul3A_0 = arith.muli %arg0, %mul3A : i32
    %add3A = arith.addi %arg1, %mul3A_0 : i32
    %lt3A = arith.constant 8 : i32
    %lt3A_1 = arith.cmpi slt, %add3A, %lt3A : i32
    %convert_element_type3A = arith.extui %lt3A_1 : i1 to i32
    %cond3A = arith.constant 0 : i32
    %cond3A_2 = arith.cmpi ne, %convert_element_type3A, %cond3A : i32
    scf.if %cond3A_2 {
      %mul3A_3 = arith.constant 1024 : i32
      %mul3A_4 = arith.muli %add3A, %mul3A_3 : i32
      "tpu.region"() ({
        %run_scoped3A = tpu.sem_alloc : memref<!tpu.dma_semaphore, #tpu.memory_space<semaphore_mem>>
        %dma_start3A = tpu.memref_slice %arg2[%mul3A_4] : memref<8192xi32, #tpu.memory_space<hbm>> -> memref<1024xi32, #tpu.memory_space<hbm>>
        %dma_start3A_1539 = tpu.memref_slice %arg2[%mul3A_4] : memref<8192xi32, #tpu.memory_space<hbm>> -> memref<1024xi32, #tpu.memory_space<hbm>>
        tpu.enqueue_dma source(%dma_start3A_1539 : memref<1024xi32, #tpu.memory_space<hbm>>) target(%arg6 : memref<1024xi32, #tpu.memory_space<vmem>>) target_semaphore(%run_scoped3A : memref<!tpu.dma_semaphore, #tpu.memory_space<semaphore_mem>>)
        %dma_wait3A = tpu.memref_slice %arg2[%mul3A_4] : memref<8192xi32, #tpu.memory_space<hbm>> -> memref<1024xi32, #tpu.memory_space<hbm>>
        %dma_wait3A_1540 = tpu.memref_slice %arg2[%mul3A_4] : memref<8192xi32, #tpu.memory_space<hbm>> -> memref<1024xi32, #tpu.memory_space<hbm>>
        tpu.wait_dma2 semaphore(%run_scoped3A : memref<!tpu.dma_semaphore, #tpu.memory_space<semaphore_mem>>) src(%dma_wait3A_1540 : memref<1024xi32, #tpu.memory_space<hbm>>) dst(%arg6 : memref<1024xi32, #tpu.memory_space<vmem>>)
        tpu.yield
      }) : () -> ()
      %mul3A_5 = arith.constant 64 : i32
      %mul3A_6 = arith.muli %add3A, %mul3A_5 : i32
      "tpu.region"() ({
        %run_scoped3A = tpu.sem_alloc : memref<!tpu.dma_semaphore, #tpu.memory_space<semaphore_mem>>
        %dma_start3A = tpu.memref_slice %arg3[%mul3A_6] : memref<512xi32, #tpu.memory_space<hbm>> -> memref<64xi32, #tpu.memory_space<hbm>>
        %dma_start3A_1539 = tpu.memref_slice %arg3[%mul3A_6] : memref<512xi32, #tpu.memory_space<hbm>> -> memref<64xi32, #tpu.memory_space<hbm>>
        tpu.enqueue_dma source(%dma_start3A_1539 : memref<64xi32, #tpu.memory_space<hbm>>) target(%arg8 : memref<64xi32, #tpu.memory_space<vmem>>) target_semaphore(%run_scoped3A : memref<!tpu.dma_semaphore, #tpu.memory_space<semaphore_mem>>)
        %dma_wait3A = tpu.memref_slice %arg3[%mul3A_6] : memref<512xi32, #tpu.memory_space<hbm>> -> memref<64xi32, #tpu.memory_space<hbm>>
        %dma_wait3A_1540 = tpu.memref_slice %arg3[%mul3A_6] : memref<512xi32, #tpu.memory_space<hbm>> -> memref<64xi32, #tpu.memory_space<hbm>>
        tpu.wait_dma2 semaphore(%run_scoped3A : memref<!tpu.dma_semaphore, #tpu.memory_space<semaphore_mem>>) src(%dma_wait3A_1540 : memref<64xi32, #tpu.memory_space<hbm>>) dst(%arg8 : memref<64xi32, #tpu.memory_space<vmem>>)
        tpu.yield
      }) : () -> ()
      %get3A = arith.constant 0 : index
      %get3A_7 = tpu.vector_load %arg6[%get3A] {strides = array<i32>} : memref<1024xi32, #tpu.memory_space<vmem>>, vector<16xi32>,
      %broadcast_in_dim3A = arith.constant true
      %broadcast_in_dim3A_8 = vector.broadcast %broadcast_in_dim3A : i1 to vector<16xi1>
      %unique3A, %unique3A_9 = tpu.scan_count mask(%broadcast_in_dim3A_8 : vector<16xi1>) value(%get3A_7 : vector<16xi32>) : vector<16xi1>, vector<16xi32>
      %gather3A = tpu.vector_load_idx %arg8[%get3A_7] : memref<64xi32, #tpu.memory_space<vmem>>[vector<16xi32>], vector<16xi32>,
      %add3A_10 = arith.addi %gather3A, %unique3A_9 : vector<16xi32>
      %sub3A = arith.constant 1 : i32
      %sub3A_11 = vector.broadcast %sub3A : i32 to vector<16xi32>
      %sub3A_12 = arith.subi %add3A_10, %sub3A_11 : vector<16xi32>
      %add3A_13 = arith.constant 1 : i32
      %add3A_14 = vector.broadcast %add3A_13 : i32 to vector<16xi32>
      %add3A_15 = arith.addi %sub3A_12, %add3A_14 : vector<16xi32>
      tpu.vector_store_idx %arg8[%get3A_7], %add3A_15 masked %unique3A : memref<64xi32, #tpu.memory_space<vmem>>[vector<16xi32>], vector<16xi32>, vector<16xi1>
      %lt3A_16 = arith.constant 160 : i32
      %lt3A_17 = vector.broadcast %lt3A_16 : i32 to vector<16xi32>
      %lt3A_18 = arith.cmpi slt, %sub3A_12, %lt3A_17 : vector<16xi32>
      %jit3A = arith.constant 1 : i32
      %jit3A_19 = arith.constant 0 : i32
      %broadcast_in_dim3A_20 = vector.broadcast %jit3A : i32 to vector<16xi32>
      %broadcast_in_dim3A_21 = vector.broadcast %jit3A_19 : i32 to vector<16xi32>
      %select_n3A = arith.select %lt3A_18, %broadcast_in_dim3A_20, %broadcast_in_dim3A_21 : vector<16xi1>, vector<16xi32>
      %swap3A = arith.constant 0 : index
      %swap3A_22 = tpu.vector_load %arg7[%swap3A] {strides = array<i32>} : memref<1024xi32, #tpu.memory_space<vmem>>, vector<16xi32>,
      tpu.vector_store %arg7[%swap3A], %select_n3A {strides = array<i32>} : memref<1024xi32, #tpu.memory_space<vmem>>, vector<16xi32>,
      %get3A_23 = arith.constant 16 : index
      %get3A_24 = tpu.vector_load %arg6[%get3A_23] {strides = array<i32>} : memref<1024xi32, #tpu.memory_space<vmem>>, vector<16xi32>,
      %broadcast_in_dim3A_25 = arith.constant true
      %broadcast_in_dim3A_26 = vector.broadcast %broadcast_in_dim3A_25 : i1 to vector<16xi1>
      %unique3A_27, %unique3A_28 = tpu.scan_count mask(%broadcast_in_dim3A_26 : vector<16xi1>) value(%get3A_24 : vector<16xi32>) : vector<16xi1>, vector<16xi32>
      %gather3A_29 = tpu.vector_load_idx %arg8[%get3A_24] : memref<64xi32, #tpu.memory_space<vmem>>[vector<16xi32>], vector<16xi32>,
      %add3A_30 = arith.addi %gather3A_29, %unique3A_28 : vector<16xi32>
      %sub3A_31 = arith.constant 1 : i32
      %sub3A_32 = vector.broadcast %sub3A_31 : i32 to vector<16xi32>
      %sub3A_33 = arith.subi %add3A_30, %sub3A_32 : vector<16xi32>
      %add3A_34 = arith.constant 1 : i32
      %add3A_35 = vector.broadcast %add3A_34 : i32 to vector<16xi32>
      %add3A_36 = arith.addi %sub3A_33, %add3A_35 : vector<16xi32>
      tpu.vector_store_idx %arg8[%get3A_24], %add3A_36 masked %unique3A_27 : memref<64xi32, #tpu.memory_space<vmem>>[vector<16xi32>], vector<16xi32>, vector<16xi1>
      %lt3A_37 = arith.constant 160 : i32
      %lt3A_38 = vector.broadcast %lt3A_37 : i32 to vector<16xi32>
      %lt3A_39 = arith.cmpi slt, %sub3A_33, %lt3A_38 : vector<16xi32>
      %jit3A_40 = arith.constant 1 : i32
      %jit3A_41 = arith.constant 0 : i32
      %broadcast_in_dim3A_42 = vector.broadcast %jit3A_40 : i32 to vector<16xi32>
      %broadcast_in_dim3A_43 = vector.broadcast %jit3A_41 : i32 to vector<16xi32>
      %select_n3A_44 = arith.select %lt3A_39, %broadcast_in_dim3A_42, %broadcast_in_dim3A_43 : vector<16xi1>, vector<16xi32>
      %swap3A_45 = arith.constant 16 : index
      %swap3A_46 = tpu.vector_load %arg7[%swap3A_45] {strides = array<i32>} : memref<1024xi32, #tpu.memory_space<vmem>>, vector<16xi32>,
      tpu.vector_store %arg7[%swap3A_45], %select_n3A_44 {strides = array<i32>} : memref<1024xi32, #tpu.memory_space<vmem>>, vector<16xi32>,
      %get3A_47 = arith.constant 32 : index
      %get3A_48 = tpu.vector_load %arg6[%get3A_47] {strides = array<i32>} : memref<1024xi32, #tpu.memory_space<vmem>>, vector<16xi32>,
      %broadcast_in_dim3A_49 = arith.constant true
      %broadcast_in_dim3A_50 = vector.broadcast %broadcast_in_dim3A_49 : i1 to vector<16xi1>
      %unique3A_51, %unique3A_52 = tpu.scan_count mask(%broadcast_in_dim3A_50 : vector<16xi1>) value(%get3A_48 : vector<16xi32>) : vector<16xi1>, vector<16xi32>
      %gather3A_53 = tpu.vector_load_idx %arg8[%get3A_48] : memref<64xi32, #tpu.memory_space<vmem>>[vector<16xi32>], vector<16xi32>,
      %add3A_54 = arith.addi %gather3A_53, %unique3A_52 : vector<16xi32>
      %sub3A_55 = arith.constant 1 : i32
      %sub3A_56 = vector.broadcast %sub3A_55 : i32 to vector<16xi32>
      %sub3A_57 = arith.subi %add3A_54, %sub3A_56 : vector<16xi32>
      %add3A_58 = arith.constant 1 : i32
      %add3A_59 = vector.broadcast %add3A_58 : i32 to vector<16xi32>
      %add3A_60 = arith.addi %sub3A_57, %add3A_59 : vector<16xi32>
      tpu.vector_store_idx %arg8[%get3A_48], %add3A_60 masked %unique3A_51 : memref<64xi32, #tpu.memory_space<vmem>>[vector<16xi32>], vector<16xi32>, vector<16xi1>
      %lt3A_61 = arith.constant 160 : i32
      %lt3A_62 = vector.broadcast %lt3A_61 : i32 to vector<16xi32>
      %lt3A_63 = arith.cmpi slt, %sub3A_57, %lt3A_62 : vector<16xi32>
      %jit3A_64 = arith.constant 1 : i32
      %jit3A_65 = arith.constant 0 : i32
      %broadcast_in_dim3A_66 = vector.broadcast %jit3A_64 : i32 to vector<16xi32>
      %broadcast_in_dim3A_67 = vector.broadcast %jit3A_65 : i32 to vector<16xi32>
      %select_n3A_68 = arith.select %lt3A_63, %broadcast_in_dim3A_66, %broadcast_in_dim3A_67 : vector<16xi1>, vector<16xi32>
      %swap3A_69 = arith.constant 32 : index
      %swap3A_70 = tpu.vector_load %arg7[%swap3A_69] {strides = array<i32>} : memref<1024xi32, #tpu.memory_space<vmem>>, vector<16xi32>,
      tpu.vector_store %arg7[%swap3A_69], %select_n3A_68 {strides = array<i32>} : memref<1024xi32, #tpu.memory_space<vmem>>, vector<16xi32>,
      %get3A_71 = arith.constant 48 : index
      %get3A_72 = tpu.vector_load %arg6[%get3A_71] {strides = array<i32>} : memref<1024xi32, #tpu.memory_space<vmem>>, vector<16xi32>,
      %broadcast_in_dim3A_73 = arith.constant true
      %broadcast_in_dim3A_74 = vector.broadcast %broadcast_in_dim3A_73 : i1 to vector<16xi1>
      %unique3A_75, %unique3A_76 = tpu.scan_count mask(%broadcast_in_dim3A_74 : vector<16xi1>) value(%get3A_72 : vector<16xi32>) : vector<16xi1>, vector<16xi32>
      %gather3A_77 = tpu.vector_load_idx %arg8[%get3A_72] : memref<64xi32, #tpu.memory_space<vmem>>[vector<16xi32>], vector<16xi32>,
      %add3A_78 = arith.addi %gather3A_77, %unique3A_76 : vector<16xi32>
      %sub3A_79 = arith.constant 1 : i32
      %sub3A_80 = vector.broadcast %sub3A_79 : i32 to vector<16xi32>
      %sub3A_81 = arith.subi %add3A_78, %sub3A_80 : vector<16xi32>
      %add3A_82 = arith.constant 1 : i32
      %add3A_83 = vector.broadcast %add3A_82 : i32 to vector<16xi32>
      %add3A_84 = arith.addi %sub3A_81, %add3A_83 : vector<16xi32>
      tpu.vector_store_idx %arg8[%get3A_72], %add3A_84 masked %unique3A_75 : memref<64xi32, #tpu.memory_space<vmem>>[vector<16xi32>], vector<16xi32>, vector<16xi1>
      %lt3A_85 = arith.constant 160 : i32
      %lt3A_86 = vector.broadcast %lt3A_85 : i32 to vector<16xi32>
      %lt3A_87 = arith.cmpi slt, %sub3A_81, %lt3A_86 : vector<16xi32>
      %jit3A_88 = arith.constant 1 : i32
      %jit3A_89 = arith.constant 0 : i32
      %broadcast_in_dim3A_90 = vector.broadcast %jit3A_88 : i32 to vector<16xi32>
      %broadcast_in_dim3A_91 = vector.broadcast %jit3A_89 : i32 to vector<16xi32>
      %select_n3A_92 = arith.select %lt3A_87, %broadcast_in_dim3A_90, %broadcast_in_dim3A_91 : vector<16xi1>, vector<16xi32>
      %swap3A_93 = arith.constant 48 : index
      %swap3A_94 = tpu.vector_load %arg7[%swap3A_93] {strides = array<i32>} : memref<1024xi32, #tpu.memory_space<vmem>>, vector<16xi32>,
      tpu.vector_store %arg7[%swap3A_93], %select_n3A_92 {strides = array<i32>} : memref<1024xi32, #tpu.memory_space<vmem>>, vector<16xi32>,
      %get3A_95 = arith.constant 64 : index
      %get3A_96 = tpu.vector_load %arg6[%get3A_95] {strides = array<i32>} : memref<1024xi32, #tpu.memory_space<vmem>>, vector<16xi32>,
      %broadcast_in_dim3A_97 = arith.constant true
      %broadcast_in_dim3A_98 = vector.broadcast %broadcast_in_dim3A_97 : i1 to vector<16xi1>
      %unique3A_99, %unique3A_100 = tpu.scan_count mask(%broadcast_in_dim3A_98 : vector<16xi1>) value(%get3A_96 : vector<16xi32>) : vector<16xi1>, vector<16xi32>
      %gather3A_101 = tpu.vector_load_idx %arg8[%get3A_96] : memref<64xi32, #tpu.memory_space<vmem>>[vector<16xi32>], vector<16xi32>,
      %add3A_102 = arith.addi %gather3A_101, %unique3A_100 : vector<16xi32>
      %sub3A_103 = arith.constant 1 : i32
      %sub3A_104 = vector.broadcast %sub3A_103 : i32 to vector<16xi32>
      %sub3A_105 = arith.subi %add3A_102, %sub3A_104 : vector<16xi32>
      %add3A_106 = arith.constant 1 : i32
      %add3A_107 = vector.broadcast %add3A_106 : i32 to vector<16xi32>
      %add3A_108 = arith.addi %sub3A_105, %add3A_107 : vector<16xi32>
      tpu.vector_store_idx %arg8[%get3A_96], %add3A_108 masked %unique3A_99 : memref<64xi32, #tpu.memory_space<vmem>>[vector<16xi32>], vector<16xi32>, vector<16xi1>
      %lt3A_109 = arith.constant 160 : i32
      %lt3A_110 = vector.broadcast %lt3A_109 : i32 to vector<16xi32>
      %lt3A_111 = arith.cmpi slt, %sub3A_105, %lt3A_110 : vector<16xi32>
      %jit3A_112 = arith.constant 1 : i32
      %jit3A_113 = arith.constant 0 : i32
      %broadcast_in_dim3A_114 = vector.broadcast %jit3A_112 : i32 to vector<16xi32>
      %broadcast_in_dim3A_115 = vector.broadcast %jit3A_113 : i32 to vector<16xi32>
      %select_n3A_116 = arith.select %lt3A_111, %broadcast_in_dim3A_114, %broadcast_in_dim3A_115 : vector<16xi1>, vector<16xi32>
      %swap3A_117 = arith.constant 64 : index
      %swap3A_118 = tpu.vector_load %arg7[%swap3A_117] {strides = array<i32>} : memref<1024xi32, #tpu.memory_space<vmem>>, vector<16xi32>,
      tpu.vector_store %arg7[%swap3A_117], %select_n3A_116 {strides = array<i32>} : memref<1024xi32, #tpu.memory_space<vmem>>, vector<16xi32>,
      %get3A_119 = arith.constant 80 : index
      %get3A_120 = tpu.vector_load %arg6[%get3A_119] {strides = array<i32>} : memref<1024xi32, #tpu.memory_space<vmem>>, vector<16xi32>,
      %broadcast_in_dim3A_121 = arith.constant true
      %broadcast_in_dim3A_122 = vector.broadcast %broadcast_in_dim3A_121 : i1 to vector<16xi1>
      %unique3A_123, %unique3A_124 = tpu.scan_count mask(%broadcast_in_dim3A_122 : vector<16xi1>) value(%get3A_120 : vector<16xi32>) : vector<16xi1>, vector<16xi32>
      %gather3A_125 = tpu.vector_load_idx %arg8[%get3A_120] : memref<64xi32, #tpu.memory_space<vmem>>[vector<16xi32>], vector<16xi32>,
      %add3A_126 = arith.addi %gather3A_125, %unique3A_124 : vector<16xi32>
      %sub3A_127 = arith.constant 1 : i32
      %sub3A_128 = vector.broadcast %sub3A_127 : i32 to vector<16xi32>
      %sub3A_129 = arith.subi %add3A_126, %sub3A_128 : vector<16xi32>
      %add3A_130 = arith.constant 1 : i32
      %add3A_131 = vector.broadcast %add3A_130 : i32 to vector<16xi32>
      %add3A_132 = arith.addi %sub3A_129, %add3A_131 : vector<16xi32>
      tpu.vector_store_idx %arg8[%get3A_120], %add3A_132 masked %unique3A_123 : memref<64xi32, #tpu.memory_space<vmem>>[vector<16xi32>], vector<16xi32>, vector<16xi1>
      %lt3A_133 = arith.constant 160 : i32
      %lt3A_134 = vector.broadcast %lt3A_133 : i32 to vector<16xi32>
      %lt3A_135 = arith.cmpi slt, %sub3A_129, %lt3A_134 : vector<16xi32>
      %jit3A_136 = arith.constant 1 : i32
      %jit3A_137 = arith.constant 0 : i32
      %broadcast_in_dim3A_138 = vector.broadcast %jit3A_136 : i32 to vector<16xi32>
      %broadcast_in_dim3A_139 = vector.broadcast %jit3A_137 : i32 to vector<16xi32>
      %select_n3A_140 = arith.select %lt3A_135, %broadcast_in_dim3A_138, %broadcast_in_dim3A_139 : vector<16xi1>, vector<16xi32>
      %swap3A_141 = arith.constant 80 : index
      %swap3A_142 = tpu.vector_load %arg7[%swap3A_141] {strides = array<i32>} : memref<1024xi32, #tpu.memory_space<vmem>>, vector<16xi32>,
      tpu.vector_store %arg7[%swap3A_141], %select_n3A_140 {strides = array<i32>} : memref<1024xi32, #tpu.memory_space<vmem>>, vector<16xi32>,
      %get3A_143 = arith.constant 96 : index
      %get3A_144 = tpu.vector_load %arg6[%get3A_143] {strides = array<i32>} : memref<1024xi32, #tpu.memory_space<vmem>>, vector<16xi32>,
      %broadcast_in_dim3A_145 = arith.constant true
      %broadcast_in_dim3A_146 = vector.broadcast %broadcast_in_dim3A_145 : i1 to vector<16xi1>
      %unique3A_147, %unique3A_148 = tpu.scan_count mask(%broadcast_in_dim3A_146 : vector<16xi1>) value(%get3A_144 : vector<16xi32>) : vector<16xi1>, vector<16xi32>
      %gather3A_149 = tpu.vector_load_idx %arg8[%get3A_144] : memref<64xi32, #tpu.memory_space<vmem>>[vector<16xi32>], vector<16xi32>,
      %add3A_150 = arith.addi %gather3A_149, %unique3A_148 : vector<16xi32>
      %sub3A_151 = arith.constant 1 : i32
      %sub3A_152 = vector.broadcast %sub3A_151 : i32 to vector<16xi32>
      %sub3A_153 = arith.subi %add3A_150, %sub3A_152 : vector<16xi32>
      %add3A_154 = arith.constant 1 : i32
      %add3A_155 = vector.broadcast %add3A_154 : i32 to vector<16xi32>
      %add3A_156 = arith.addi %sub3A_153, %add3A_155 : vector<16xi32>
      tpu.vector_store_idx %arg8[%get3A_144], %add3A_156 masked %unique3A_147 : memref<64xi32, #tpu.memory_space<vmem>>[vector<16xi32>], vector<16xi32>, vector<16xi1>
      %lt3A_157 = arith.constant 160 : i32
      %lt3A_158 = vector.broadcast %lt3A_157 : i32 to vector<16xi32>
      %lt3A_159 = arith.cmpi slt, %sub3A_153, %lt3A_158 : vector<16xi32>
      %jit3A_160 = arith.constant 1 : i32
      %jit3A_161 = arith.constant 0 : i32
      %broadcast_in_dim3A_162 = vector.broadcast %jit3A_160 : i32 to vector<16xi32>
      %broadcast_in_dim3A_163 = vector.broadcast %jit3A_161 : i32 to vector<16xi32>
      %select_n3A_164 = arith.select %lt3A_159, %broadcast_in_dim3A_162, %broadcast_in_dim3A_163 : vector<16xi1>, vector<16xi32>
      %swap3A_165 = arith.constant 96 : index
      %swap3A_166 = tpu.vector_load %arg7[%swap3A_165] {strides = array<i32>} : memref<1024xi32, #tpu.memory_space<vmem>>, vector<16xi32>,
      tpu.vector_store %arg7[%swap3A_165], %select_n3A_164 {strides = array<i32>} : memref<1024xi32, #tpu.memory_space<vmem>>, vector<16xi32>,
      %get3A_167 = arith.constant 112 : index
      %get3A_168 = tpu.vector_load %arg6[%get3A_167] {strides = array<i32>} : memref<1024xi32, #tpu.memory_space<vmem>>, vector<16xi32>,
      %broadcast_in_dim3A_169 = arith.constant true
      %broadcast_in_dim3A_170 = vector.broadcast %broadcast_in_dim3A_169 : i1 to vector<16xi1>
      %unique3A_171, %unique3A_172 = tpu.scan_count mask(%broadcast_in_dim3A_170 : vector<16xi1>) value(%get3A_168 : vector<16xi32>) : vector<16xi1>, vector<16xi32>
      %gather3A_173 = tpu.vector_load_idx %arg8[%get3A_168] : memref<64xi32, #tpu.memory_space<vmem>>[vector<16xi32>], vector<16xi32>,
      %add3A_174 = arith.addi %gather3A_173, %unique3A_172 : vector<16xi32>
      %sub3A_175 = arith.constant 1 : i32
      %sub3A_176 = vector.broadcast %sub3A_175 : i32 to vector<16xi32>
      %sub3A_177 = arith.subi %add3A_174, %sub3A_176 : vector<16xi32>
      %add3A_178 = arith.constant 1 : i32
      %add3A_179 = vector.broadcast %add3A_178 : i32 to vector<16xi32>
      %add3A_180 = arith.addi %sub3A_177, %add3A_179 : vector<16xi32>
      tpu.vector_store_idx %arg8[%get3A_168], %add3A_180 masked %unique3A_171 : memref<64xi32, #tpu.memory_space<vmem>>[vector<16xi32>], vector<16xi32>, vector<16xi1>
      %lt3A_181 = arith.constant 160 : i32
      %lt3A_182 = vector.broadcast %lt3A_181 : i32 to vector<16xi32>
      %lt3A_183 = arith.cmpi slt, %sub3A_177, %lt3A_182 : vector<16xi32>
      %jit3A_184 = arith.constant 1 : i32
      %jit3A_185 = arith.constant 0 : i32
      %broadcast_in_dim3A_186 = vector.broadcast %jit3A_184 : i32 to vector<16xi32>
      %broadcast_in_dim3A_187 = vector.broadcast %jit3A_185 : i32 to vector<16xi32>
      %select_n3A_188 = arith.select %lt3A_183, %broadcast_in_dim3A_186, %broadcast_in_dim3A_187 : vector<16xi1>, vector<16xi32>
      %swap3A_189 = arith.constant 112 : index
      %swap3A_190 = tpu.vector_load %arg7[%swap3A_189] {strides = array<i32>} : memref<1024xi32, #tpu.memory_space<vmem>>, vector<16xi32>,
      tpu.vector_store %arg7[%swap3A_189], %select_n3A_188 {strides = array<i32>} : memref<1024xi32, #tpu.memory_space<vmem>>, vector<16xi32>,
      %get3A_191 = arith.constant 128 : index
      %get3A_192 = tpu.vector_load %arg6[%get3A_191] {strides = array<i32>} : memref<1024xi32, #tpu.memory_space<vmem>>, vector<16xi32>,
      %broadcast_in_dim3A_193 = arith.constant true
      %broadcast_in_dim3A_194 = vector.broadcast %broadcast_in_dim3A_193 : i1 to vector<16xi1>
      %unique3A_195, %unique3A_196 = tpu.scan_count mask(%broadcast_in_dim3A_194 : vector<16xi1>) value(%get3A_192 : vector<16xi32>) : vector<16xi1>, vector<16xi32>
      %gather3A_197 = tpu.vector_load_idx %arg8[%get3A_192] : memref<64xi32, #tpu.memory_space<vmem>>[vector<16xi32>], vector<16xi32>,
      %add3A_198 = arith.addi %gather3A_197, %unique3A_196 : vector<16xi32>
      %sub3A_199 = arith.constant 1 : i32
      %sub3A_200 = vector.broadcast %sub3A_199 : i32 to vector<16xi32>
      %sub3A_201 = arith.subi %add3A_198, %sub3A_200 : vector<16xi32>
      %add3A_202 = arith.constant 1 : i32
      %add3A_203 = vector.broadcast %add3A_202 : i32 to vector<16xi32>
      %add3A_204 = arith.addi %sub3A_201, %add3A_203 : vector<16xi32>
      tpu.vector_store_idx %arg8[%get3A_192], %add3A_204 masked %unique3A_195 : memref<64xi32, #tpu.memory_space<vmem>>[vector<16xi32>], vector<16xi32>, vector<16xi1>
      %lt3A_205 = arith.constant 160 : i32
      %lt3A_206 = vector.broadcast %lt3A_205 : i32 to vector<16xi32>
      %lt3A_207 = arith.cmpi slt, %sub3A_201, %lt3A_206 : vector<16xi32>
      %jit3A_208 = arith.constant 1 : i32
      %jit3A_209 = arith.constant 0 : i32
      %broadcast_in_dim3A_210 = vector.broadcast %jit3A_208 : i32 to vector<16xi32>
      %broadcast_in_dim3A_211 = vector.broadcast %jit3A_209 : i32 to vector<16xi32>
      %select_n3A_212 = arith.select %lt3A_207, %broadcast_in_dim3A_210, %broadcast_in_dim3A_211 : vector<16xi1>, vector<16xi32>
      %swap3A_213 = arith.constant 128 : index
      %swap3A_214 = tpu.vector_load %arg7[%swap3A_213] {strides = array<i32>} : memref<1024xi32, #tpu.memory_space<vmem>>, vector<16xi32>,
      tpu.vector_store %arg7[%swap3A_213], %select_n3A_212 {strides = array<i32>} : memref<1024xi32, #tpu.memory_space<vmem>>, vector<16xi32>,
      %get3A_215 = arith.constant 144 : index
      %get3A_216 = tpu.vector_load %arg6[%get3A_215] {strides = array<i32>} : memref<1024xi32, #tpu.memory_space<vmem>>, vector<16xi32>,
      %broadcast_in_dim3A_217 = arith.constant true
      %broadcast_in_dim3A_218 = vector.broadcast %broadcast_in_dim3A_217 : i1 to vector<16xi1>
      %unique3A_219, %unique3A_220 = tpu.scan_count mask(%broadcast_in_dim3A_218 : vector<16xi1>) value(%get3A_216 : vector<16xi32>) : vector<16xi1>, vector<16xi32>
      %gather3A_221 = tpu.vector_load_idx %arg8[%get3A_216] : memref<64xi32, #tpu.memory_space<vmem>>[vector<16xi32>], vector<16xi32>,
      %add3A_222 = arith.addi %gather3A_221, %unique3A_220 : vector<16xi32>
      %sub3A_223 = arith.constant 1 : i32
      %sub3A_224 = vector.broadcast %sub3A_223 : i32 to vector<16xi32>
      %sub3A_225 = arith.subi %add3A_222, %sub3A_224 : vector<16xi32>
      %add3A_226 = arith.constant 1 : i32
      %add3A_227 = vector.broadcast %add3A_226 : i32 to vector<16xi32>
      %add3A_228 = arith.addi %sub3A_225, %add3A_227 : vector<16xi32>
      tpu.vector_store_idx %arg8[%get3A_216], %add3A_228 masked %unique3A_219 : memref<64xi32, #tpu.memory_space<vmem>>[vector<16xi32>], vector<16xi32>, vector<16xi1>
      %lt3A_229 = arith.constant 160 : i32
      %lt3A_230 = vector.broadcast %lt3A_229 : i32 to vector<16xi32>
      %lt3A_231 = arith.cmpi slt, %sub3A_225, %lt3A_230 : vector<16xi32>
      %jit3A_232 = arith.constant 1 : i32
      %jit3A_233 = arith.constant 0 : i32
      %broadcast_in_dim3A_234 = vector.broadcast %jit3A_232 : i32 to vector<16xi32>
      %broadcast_in_dim3A_235 = vector.broadcast %jit3A_233 : i32 to vector<16xi32>
      %select_n3A_236 = arith.select %lt3A_231, %broadcast_in_dim3A_234, %broadcast_in_dim3A_235 : vector<16xi1>, vector<16xi32>
      %swap3A_237 = arith.constant 144 : index
      %swap3A_238 = tpu.vector_load %arg7[%swap3A_237] {strides = array<i32>} : memref<1024xi32, #tpu.memory_space<vmem>>, vector<16xi32>,
      tpu.vector_store %arg7[%swap3A_237], %select_n3A_236 {strides = array<i32>} : memref<1024xi32, #tpu.memory_space<vmem>>, vector<16xi32>,
      %get3A_239 = arith.constant 160 : index
      %get3A_240 = tpu.vector_load %arg6[%get3A_239] {strides = array<i32>} : memref<1024xi32, #tpu.memory_space<vmem>>, vector<16xi32>,
      %broadcast_in_dim3A_241 = arith.constant true
      %broadcast_in_dim3A_242 = vector.broadcast %broadcast_in_dim3A_241 : i1 to vector<16xi1>
      %unique3A_243, %unique3A_244 = tpu.scan_count mask(%broadcast_in_dim3A_242 : vector<16xi1>) value(%get3A_240 : vector<16xi32>) : vector<16xi1>, vector<16xi32>
      %gather3A_245 = tpu.vector_load_idx %arg8[%get3A_240] : memref<64xi32, #tpu.memory_space<vmem>>[vector<16xi32>], vector<16xi32>,
      %add3A_246 = arith.addi %gather3A_245, %unique3A_244 : vector<16xi32>
      %sub3A_247 = arith.constant 1 : i32
      %sub3A_248 = vector.broadcast %sub3A_247 : i32 to vector<16xi32>
      %sub3A_249 = arith.subi %add3A_246, %sub3A_248 : vector<16xi32>
      %add3A_250 = arith.constant 1 : i32
      %add3A_251 = vector.broadcast %add3A_250 : i32 to vector<16xi32>
      %add3A_252 = arith.addi %sub3A_249, %add3A_251 : vector<16xi32>
      tpu.vector_store_idx %arg8[%get3A_240], %add3A_252 masked %unique3A_243 : memref<64xi32, #tpu.memory_space<vmem>>[vector<16xi32>], vector<16xi32>, vector<16xi1>
      %lt3A_253 = arith.constant 160 : i32
      %lt3A_254 = vector.broadcast %lt3A_253 : i32 to vector<16xi32>
      %lt3A_255 = arith.cmpi slt, %sub3A_249, %lt3A_254 : vector<16xi32>
      %jit3A_256 = arith.constant 1 : i32
      %jit3A_257 = arith.constant 0 : i32
      %broadcast_in_dim3A_258 = vector.broadcast %jit3A_256 : i32 to vector<16xi32>
      %broadcast_in_dim3A_259 = vector.broadcast %jit3A_257 : i32 to vector<16xi32>
      %select_n3A_260 = arith.select %lt3A_255, %broadcast_in_dim3A_258, %broadcast_in_dim3A_259 : vector<16xi1>, vector<16xi32>
      %swap3A_261 = arith.constant 160 : index
      %swap3A_262 = tpu.vector_load %arg7[%swap3A_261] {strides = array<i32>} : memref<1024xi32, #tpu.memory_space<vmem>>, vector<16xi32>,
      tpu.vector_store %arg7[%swap3A_261], %select_n3A_260 {strides = array<i32>} : memref<1024xi32, #tpu.memory_space<vmem>>, vector<16xi32>,
      %get3A_263 = arith.constant 176 : index
      %get3A_264 = tpu.vector_load %arg6[%get3A_263] {strides = array<i32>} : memref<1024xi32, #tpu.memory_space<vmem>>, vector<16xi32>,
      %broadcast_in_dim3A_265 = arith.constant true
      %broadcast_in_dim3A_266 = vector.broadcast %broadcast_in_dim3A_265 : i1 to vector<16xi1>
      %unique3A_267, %unique3A_268 = tpu.scan_count mask(%broadcast_in_dim3A_266 : vector<16xi1>) value(%get3A_264 : vector<16xi32>) : vector<16xi1>, vector<16xi32>
      %gather3A_269 = tpu.vector_load_idx %arg8[%get3A_264] : memref<64xi32, #tpu.memory_space<vmem>>[vector<16xi32>], vector<16xi32>,
      %add3A_270 = arith.addi %gather3A_269, %unique3A_268 : vector<16xi32>
      %sub3A_271 = arith.constant 1 : i32
      %sub3A_272 = vector.broadcast %sub3A_271 : i32 to vector<16xi32>
      %sub3A_273 = arith.subi %add3A_270, %sub3A_272 : vector<16xi32>
      %add3A_274 = arith.constant 1 : i32
      %add3A_275 = vector.broadcast %add3A_274 : i32 to vector<16xi32>
      %add3A_276 = arith.addi %sub3A_273, %add3A_275 : vector<16xi32>
      tpu.vector_store_idx %arg8[%get3A_264], %add3A_276 masked %unique3A_267 : memref<64xi32, #tpu.memory_space<vmem>>[vector<16xi32>], vector<16xi32>, vector<16xi1>
      %lt3A_277 = arith.constant 160 : i32
      %lt3A_278 = vector.broadcast %lt3A_277 : i32 to vector<16xi32>
      %lt3A_279 = arith.cmpi slt, %sub3A_273, %lt3A_278 : vector<16xi32>
      %jit3A_280 = arith.constant 1 : i32
      %jit3A_281 = arith.constant 0 : i32
      %broadcast_in_dim3A_282 = vector.broadcast %jit3A_280 : i32 to vector<16xi32>
      %broadcast_in_dim3A_283 = vector.broadcast %jit3A_281 : i32 to vector<16xi32>
      %select_n3A_284 = arith.select %lt3A_279, %broadcast_in_dim3A_282, %broadcast_in_dim3A_283 : vector<16xi1>, vector<16xi32>
      %swap3A_285 = arith.constant 176 : index
      %swap3A_286 = tpu.vector_load %arg7[%swap3A_285] {strides = array<i32>} : memref<1024xi32, #tpu.memory_space<vmem>>, vector<16xi32>,
      tpu.vector_store %arg7[%swap3A_285], %select_n3A_284 {strides = array<i32>} : memref<1024xi32, #tpu.memory_space<vmem>>, vector<16xi32>,
      %get3A_287 = arith.constant 192 : index
      %get3A_288 = tpu.vector_load %arg6[%get3A_287] {strides = array<i32>} : memref<1024xi32, #tpu.memory_space<vmem>>, vector<16xi32>,
      %broadcast_in_dim3A_289 = arith.constant true
      %broadcast_in_dim3A_290 = vector.broadcast %broadcast_in_dim3A_289 : i1 to vector<16xi1>
      %unique3A_291, %unique3A_292 = tpu.scan_count mask(%broadcast_in_dim3A_290 : vector<16xi1>) value(%get3A_288 : vector<16xi32>) : vector<16xi1>, vector<16xi32>
      %gather3A_293 = tpu.vector_load_idx %arg8[%get3A_288] : memref<64xi32, #tpu.memory_space<vmem>>[vector<16xi32>], vector<16xi32>,
      %add3A_294 = arith.addi %gather3A_293, %unique3A_292 : vector<16xi32>
      %sub3A_295 = arith.constant 1 : i32
      %sub3A_296 = vector.broadcast %sub3A_295 : i32 to vector<16xi32>
      %sub3A_297 = arith.subi %add3A_294, %sub3A_296 : vector<16xi32>
      %add3A_298 = arith.constant 1 : i32
      %add3A_299 = vector.broadcast %add3A_298 : i32 to vector<16xi32>
      %add3A_300 = arith.addi %sub3A_297, %add3A_299 : vector<16xi32>
      tpu.vector_store_idx %arg8[%get3A_288], %add3A_300 masked %unique3A_291 : memref<64xi32, #tpu.memory_space<vmem>>[vector<16xi32>], vector<16xi32>, vector<16xi1>
      %lt3A_301 = arith.constant 160 : i32
      %lt3A_302 = vector.broadcast %lt3A_301 : i32 to vector<16xi32>
      %lt3A_303 = arith.cmpi slt, %sub3A_297, %lt3A_302 : vector<16xi32>
      %jit3A_304 = arith.constant 1 : i32
      %jit3A_305 = arith.constant 0 : i32
      %broadcast_in_dim3A_306 = vector.broadcast %jit3A_304 : i32 to vector<16xi32>
      %broadcast_in_dim3A_307 = vector.broadcast %jit3A_305 : i32 to vector<16xi32>
      %select_n3A_308 = arith.select %lt3A_303, %broadcast_in_dim3A_306, %broadcast_in_dim3A_307 : vector<16xi1>, vector<16xi32>
      %swap3A_309 = arith.constant 192 : index
      %swap3A_310 = tpu.vector_load %arg7[%swap3A_309] {strides = array<i32>} : memref<1024xi32, #tpu.memory_space<vmem>>, vector<16xi32>,
      tpu.vector_store %arg7[%swap3A_309], %select_n3A_308 {strides = array<i32>} : memref<1024xi32, #tpu.memory_space<vmem>>, vector<16xi32>,
      %get3A_311 = arith.constant 208 : index
      %get3A_312 = tpu.vector_load %arg6[%get3A_311] {strides = array<i32>} : memref<1024xi32, #tpu.memory_space<vmem>>, vector<16xi32>,
      %broadcast_in_dim3A_313 = arith.constant true
      %broadcast_in_dim3A_314 = vector.broadcast %broadcast_in_dim3A_313 : i1 to vector<16xi1>
      %unique3A_315, %unique3A_316 = tpu.scan_count mask(%broadcast_in_dim3A_314 : vector<16xi1>) value(%get3A_312 : vector<16xi32>) : vector<16xi1>, vector<16xi32>
      %gather3A_317 = tpu.vector_load_idx %arg8[%get3A_312] : memref<64xi32, #tpu.memory_space<vmem>>[vector<16xi32>], vector<16xi32>,
      %add3A_318 = arith.addi %gather3A_317, %unique3A_316 : vector<16xi32>
      %sub3A_319 = arith.constant 1 : i32
      %sub3A_320 = vector.broadcast %sub3A_319 : i32 to vector<16xi32>
      %sub3A_321 = arith.subi %add3A_318, %sub3A_320 : vector<16xi32>
      %add3A_322 = arith.constant 1 : i32
      %add3A_323 = vector.broadcast %add3A_322 : i32 to vector<16xi32>
      %add3A_324 = arith.addi %sub3A_321, %add3A_323 : vector<16xi32>
      tpu.vector_store_idx %arg8[%get3A_312], %add3A_324 masked %unique3A_315 : memref<64xi32, #tpu.memory_space<vmem>>[vector<16xi32>], vector<16xi32>, vector<16xi1>
      %lt3A_325 = arith.constant 160 : i32
      %lt3A_326 = vector.broadcast %lt3A_325 : i32 to vector<16xi32>
      %lt3A_327 = arith.cmpi slt, %sub3A_321, %lt3A_326 : vector<16xi32>
      %jit3A_328 = arith.constant 1 : i32
      %jit3A_329 = arith.constant 0 : i32
      %broadcast_in_dim3A_330 = vector.broadcast %jit3A_328 : i32 to vector<16xi32>
      %broadcast_in_dim3A_331 = vector.broadcast %jit3A_329 : i32 to vector<16xi32>
      %select_n3A_332 = arith.select %lt3A_327, %broadcast_in_dim3A_330, %broadcast_in_dim3A_331 : vector<16xi1>, vector<16xi32>
      %swap3A_333 = arith.constant 208 : index
      %swap3A_334 = tpu.vector_load %arg7[%swap3A_333] {strides = array<i32>} : memref<1024xi32, #tpu.memory_space<vmem>>, vector<16xi32>,
      tpu.vector_store %arg7[%swap3A_333], %select_n3A_332 {strides = array<i32>} : memref<1024xi32, #tpu.memory_space<vmem>>, vector<16xi32>,
      %get3A_335 = arith.constant 224 : index
      %get3A_336 = tpu.vector_load %arg6[%get3A_335] {strides = array<i32>} : memref<1024xi32, #tpu.memory_space<vmem>>, vector<16xi32>,
      %broadcast_in_dim3A_337 = arith.constant true
      %broadcast_in_dim3A_338 = vector.broadcast %broadcast_in_dim3A_337 : i1 to vector<16xi1>
      %unique3A_339, %unique3A_340 = tpu.scan_count mask(%broadcast_in_dim3A_338 : vector<16xi1>) value(%get3A_336 : vector<16xi32>) : vector<16xi1>, vector<16xi32>
      %gather3A_341 = tpu.vector_load_idx %arg8[%get3A_336] : memref<64xi32, #tpu.memory_space<vmem>>[vector<16xi32>], vector<16xi32>,
      %add3A_342 = arith.addi %gather3A_341, %unique3A_340 : vector<16xi32>
      %sub3A_343 = arith.constant 1 : i32
      %sub3A_344 = vector.broadcast %sub3A_343 : i32 to vector<16xi32>
      %sub3A_345 = arith.subi %add3A_342, %sub3A_344 : vector<16xi32>
      %add3A_346 = arith.constant 1 : i32
      %add3A_347 = vector.broadcast %add3A_346 : i32 to vector<16xi32>
      %add3A_348 = arith.addi %sub3A_345, %add3A_347 : vector<16xi32>
      tpu.vector_store_idx %arg8[%get3A_336], %add3A_348 masked %unique3A_339 : memref<64xi32, #tpu.memory_space<vmem>>[vector<16xi32>], vector<16xi32>, vector<16xi1>
      %lt3A_349 = arith.constant 160 : i32
      %lt3A_350 = vector.broadcast %lt3A_349 : i32 to vector<16xi32>
      %lt3A_351 = arith.cmpi slt, %sub3A_345, %lt3A_350 : vector<16xi32>
      %jit3A_352 = arith.constant 1 : i32
      %jit3A_353 = arith.constant 0 : i32
      %broadcast_in_dim3A_354 = vector.broadcast %jit3A_352 : i32 to vector<16xi32>
      %broadcast_in_dim3A_355 = vector.broadcast %jit3A_353 : i32 to vector<16xi32>
      %select_n3A_356 = arith.select %lt3A_351, %broadcast_in_dim3A_354, %broadcast_in_dim3A_355 : vector<16xi1>, vector<16xi32>
      %swap3A_357 = arith.constant 224 : index
      %swap3A_358 = tpu.vector_load %arg7[%swap3A_357] {strides = array<i32>} : memref<1024xi32, #tpu.memory_space<vmem>>, vector<16xi32>,
      tpu.vector_store %arg7[%swap3A_357], %select_n3A_356 {strides = array<i32>} : memref<1024xi32, #tpu.memory_space<vmem>>, vector<16xi32>,
      %get3A_359 = arith.constant 240 : index
      %get3A_360 = tpu.vector_load %arg6[%get3A_359] {strides = array<i32>} : memref<1024xi32, #tpu.memory_space<vmem>>, vector<16xi32>,
      %broadcast_in_dim3A_361 = arith.constant true
      %broadcast_in_dim3A_362 = vector.broadcast %broadcast_in_dim3A_361 : i1 to vector<16xi1>
      %unique3A_363, %unique3A_364 = tpu.scan_count mask(%broadcast_in_dim3A_362 : vector<16xi1>) value(%get3A_360 : vector<16xi32>) : vector<16xi1>, vector<16xi32>
      %gather3A_365 = tpu.vector_load_idx %arg8[%get3A_360] : memref<64xi32, #tpu.memory_space<vmem>>[vector<16xi32>], vector<16xi32>,
      %add3A_366 = arith.addi %gather3A_365, %unique3A_364 : vector<16xi32>
      %sub3A_367 = arith.constant 1 : i32
      %sub3A_368 = vector.broadcast %sub3A_367 : i32 to vector<16xi32>
      %sub3A_369 = arith.subi %add3A_366, %sub3A_368 : vector<16xi32>
      %add3A_370 = arith.constant 1 : i32
      %add3A_371 = vector.broadcast %add3A_370 : i32 to vector<16xi32>
      %add3A_372 = arith.addi %sub3A_369, %add3A_371 : vector<16xi32>
      tpu.vector_store_idx %arg8[%get3A_360], %add3A_372 masked %unique3A_363 : memref<64xi32, #tpu.memory_space<vmem>>[vector<16xi32>], vector<16xi32>, vector<16xi1>
      %lt3A_373 = arith.constant 160 : i32
      %lt3A_374 = vector.broadcast %lt3A_373 : i32 to vector<16xi32>
      %lt3A_375 = arith.cmpi slt, %sub3A_369, %lt3A_374 : vector<16xi32>
      %jit3A_376 = arith.constant 1 : i32
      %jit3A_377 = arith.constant 0 : i32
      %broadcast_in_dim3A_378 = vector.broadcast %jit3A_376 : i32 to vector<16xi32>
      %broadcast_in_dim3A_379 = vector.broadcast %jit3A_377 : i32 to vector<16xi32>
      %select_n3A_380 = arith.select %lt3A_375, %broadcast_in_dim3A_378, %broadcast_in_dim3A_379 : vector<16xi1>, vector<16xi32>
      %swap3A_381 = arith.constant 240 : index
      %swap3A_382 = tpu.vector_load %arg7[%swap3A_381] {strides = array<i32>} : memref<1024xi32, #tpu.memory_space<vmem>>, vector<16xi32>,
      tpu.vector_store %arg7[%swap3A_381], %select_n3A_380 {strides = array<i32>} : memref<1024xi32, #tpu.memory_space<vmem>>, vector<16xi32>,
      %get3A_383 = arith.constant 256 : index
      %get3A_384 = tpu.vector_load %arg6[%get3A_383] {strides = array<i32>} : memref<1024xi32, #tpu.memory_space<vmem>>, vector<16xi32>,
      %broadcast_in_dim3A_385 = arith.constant true
      %broadcast_in_dim3A_386 = vector.broadcast %broadcast_in_dim3A_385 : i1 to vector<16xi1>
      %unique3A_387, %unique3A_388 = tpu.scan_count mask(%broadcast_in_dim3A_386 : vector<16xi1>) value(%get3A_384 : vector<16xi32>) : vector<16xi1>, vector<16xi32>
      %gather3A_389 = tpu.vector_load_idx %arg8[%get3A_384] : memref<64xi32, #tpu.memory_space<vmem>>[vector<16xi32>], vector<16xi32>,
      %add3A_390 = arith.addi %gather3A_389, %unique3A_388 : vector<16xi32>
      %sub3A_391 = arith.constant 1 : i32
      %sub3A_392 = vector.broadcast %sub3A_391 : i32 to vector<16xi32>
      %sub3A_393 = arith.subi %add3A_390, %sub3A_392 : vector<16xi32>
      %add3A_394 = arith.constant 1 : i32
      %add3A_395 = vector.broadcast %add3A_394 : i32 to vector<16xi32>
      %add3A_396 = arith.addi %sub3A_393, %add3A_395 : vector<16xi32>
      tpu.vector_store_idx %arg8[%get3A_384], %add3A_396 masked %unique3A_387 : memref<64xi32, #tpu.memory_space<vmem>>[vector<16xi32>], vector<16xi32>, vector<16xi1>
      %lt3A_397 = arith.constant 160 : i32
      %lt3A_398 = vector.broadcast %lt3A_397 : i32 to vector<16xi32>
      %lt3A_399 = arith.cmpi slt, %sub3A_393, %lt3A_398 : vector<16xi32>
      %jit3A_400 = arith.constant 1 : i32
      %jit3A_401 = arith.constant 0 : i32
      %broadcast_in_dim3A_402 = vector.broadcast %jit3A_400 : i32 to vector<16xi32>
      %broadcast_in_dim3A_403 = vector.broadcast %jit3A_401 : i32 to vector<16xi32>
      %select_n3A_404 = arith.select %lt3A_399, %broadcast_in_dim3A_402, %broadcast_in_dim3A_403 : vector<16xi1>, vector<16xi32>
      %swap3A_405 = arith.constant 256 : index
      %swap3A_406 = tpu.vector_load %arg7[%swap3A_405] {strides = array<i32>} : memref<1024xi32, #tpu.memory_space<vmem>>, vector<16xi32>,
      tpu.vector_store %arg7[%swap3A_405], %select_n3A_404 {strides = array<i32>} : memref<1024xi32, #tpu.memory_space<vmem>>, vector<16xi32>,
      %get3A_407 = arith.constant 272 : index
      %get3A_408 = tpu.vector_load %arg6[%get3A_407] {strides = array<i32>} : memref<1024xi32, #tpu.memory_space<vmem>>, vector<16xi32>,
      %broadcast_in_dim3A_409 = arith.constant true
      %broadcast_in_dim3A_410 = vector.broadcast %broadcast_in_dim3A_409 : i1 to vector<16xi1>
      %unique3A_411, %unique3A_412 = tpu.scan_count mask(%broadcast_in_dim3A_410 : vector<16xi1>) value(%get3A_408 : vector<16xi32>) : vector<16xi1>, vector<16xi32>
      %gather3A_413 = tpu.vector_load_idx %arg8[%get3A_408] : memref<64xi32, #tpu.memory_space<vmem>>[vector<16xi32>], vector<16xi32>,
      %add3A_414 = arith.addi %gather3A_413, %unique3A_412 : vector<16xi32>
      %sub3A_415 = arith.constant 1 : i32
      %sub3A_416 = vector.broadcast %sub3A_415 : i32 to vector<16xi32>
      %sub3A_417 = arith.subi %add3A_414, %sub3A_416 : vector<16xi32>
      %add3A_418 = arith.constant 1 : i32
      %add3A_419 = vector.broadcast %add3A_418 : i32 to vector<16xi32>
      %add3A_420 = arith.addi %sub3A_417, %add3A_419 : vector<16xi32>
      tpu.vector_store_idx %arg8[%get3A_408], %add3A_420 masked %unique3A_411 : memref<64xi32, #tpu.memory_space<vmem>>[vector<16xi32>], vector<16xi32>, vector<16xi1>
      %lt3A_421 = arith.constant 160 : i32
      %lt3A_422 = vector.broadcast %lt3A_421 : i32 to vector<16xi32>
      %lt3A_423 = arith.cmpi slt, %sub3A_417, %lt3A_422 : vector<16xi32>
      %jit3A_424 = arith.constant 1 : i32
      %jit3A_425 = arith.constant 0 : i32
      %broadcast_in_dim3A_426 = vector.broadcast %jit3A_424 : i32 to vector<16xi32>
      %broadcast_in_dim3A_427 = vector.broadcast %jit3A_425 : i32 to vector<16xi32>
      %select_n3A_428 = arith.select %lt3A_423, %broadcast_in_dim3A_426, %broadcast_in_dim3A_427 : vector<16xi1>, vector<16xi32>
      %swap3A_429 = arith.constant 272 : index
      %swap3A_430 = tpu.vector_load %arg7[%swap3A_429] {strides = array<i32>} : memref<1024xi32, #tpu.memory_space<vmem>>, vector<16xi32>,
      tpu.vector_store %arg7[%swap3A_429], %select_n3A_428 {strides = array<i32>} : memref<1024xi32, #tpu.memory_space<vmem>>, vector<16xi32>,
      %get3A_431 = arith.constant 288 : index
      %get3A_432 = tpu.vector_load %arg6[%get3A_431] {strides = array<i32>} : memref<1024xi32, #tpu.memory_space<vmem>>, vector<16xi32>,
      %broadcast_in_dim3A_433 = arith.constant true
      %broadcast_in_dim3A_434 = vector.broadcast %broadcast_in_dim3A_433 : i1 to vector<16xi1>
      %unique3A_435, %unique3A_436 = tpu.scan_count mask(%broadcast_in_dim3A_434 : vector<16xi1>) value(%get3A_432 : vector<16xi32>) : vector<16xi1>, vector<16xi32>
      %gather3A_437 = tpu.vector_load_idx %arg8[%get3A_432] : memref<64xi32, #tpu.memory_space<vmem>>[vector<16xi32>], vector<16xi32>,
      %add3A_438 = arith.addi %gather3A_437, %unique3A_436 : vector<16xi32>
      %sub3A_439 = arith.constant 1 : i32
      %sub3A_440 = vector.broadcast %sub3A_439 : i32 to vector<16xi32>
      %sub3A_441 = arith.subi %add3A_438, %sub3A_440 : vector<16xi32>
      %add3A_442 = arith.constant 1 : i32
      %add3A_443 = vector.broadcast %add3A_442 : i32 to vector<16xi32>
      %add3A_444 = arith.addi %sub3A_441, %add3A_443 : vector<16xi32>
      tpu.vector_store_idx %arg8[%get3A_432], %add3A_444 masked %unique3A_435 : memref<64xi32, #tpu.memory_space<vmem>>[vector<16xi32>], vector<16xi32>, vector<16xi1>
      %lt3A_445 = arith.constant 160 : i32
      %lt3A_446 = vector.broadcast %lt3A_445 : i32 to vector<16xi32>
      %lt3A_447 = arith.cmpi slt, %sub3A_441, %lt3A_446 : vector<16xi32>
      %jit3A_448 = arith.constant 1 : i32
      %jit3A_449 = arith.constant 0 : i32
      %broadcast_in_dim3A_450 = vector.broadcast %jit3A_448 : i32 to vector<16xi32>
      %broadcast_in_dim3A_451 = vector.broadcast %jit3A_449 : i32 to vector<16xi32>
      %select_n3A_452 = arith.select %lt3A_447, %broadcast_in_dim3A_450, %broadcast_in_dim3A_451 : vector<16xi1>, vector<16xi32>
      %swap3A_453 = arith.constant 288 : index
      %swap3A_454 = tpu.vector_load %arg7[%swap3A_453] {strides = array<i32>} : memref<1024xi32, #tpu.memory_space<vmem>>, vector<16xi32>,
      tpu.vector_store %arg7[%swap3A_453], %select_n3A_452 {strides = array<i32>} : memref<1024xi32, #tpu.memory_space<vmem>>, vector<16xi32>,
      %get3A_455 = arith.constant 304 : index
      %get3A_456 = tpu.vector_load %arg6[%get3A_455] {strides = array<i32>} : memref<1024xi32, #tpu.memory_space<vmem>>, vector<16xi32>,
      %broadcast_in_dim3A_457 = arith.constant true
      %broadcast_in_dim3A_458 = vector.broadcast %broadcast_in_dim3A_457 : i1 to vector<16xi1>
      %unique3A_459, %unique3A_460 = tpu.scan_count mask(%broadcast_in_dim3A_458 : vector<16xi1>) value(%get3A_456 : vector<16xi32>) : vector<16xi1>, vector<16xi32>
      %gather3A_461 = tpu.vector_load_idx %arg8[%get3A_456] : memref<64xi32, #tpu.memory_space<vmem>>[vector<16xi32>], vector<16xi32>,
      %add3A_462 = arith.addi %gather3A_461, %unique3A_460 : vector<16xi32>
      %sub3A_463 = arith.constant 1 : i32
      %sub3A_464 = vector.broadcast %sub3A_463 : i32 to vector<16xi32>
      %sub3A_465 = arith.subi %add3A_462, %sub3A_464 : vector<16xi32>
      %add3A_466 = arith.constant 1 : i32
      %add3A_467 = vector.broadcast %add3A_466 : i32 to vector<16xi32>
      %add3A_468 = arith.addi %sub3A_465, %add3A_467 : vector<16xi32>
      tpu.vector_store_idx %arg8[%get3A_456], %add3A_468 masked %unique3A_459 : memref<64xi32, #tpu.memory_space<vmem>>[vector<16xi32>], vector<16xi32>, vector<16xi1>
      %lt3A_469 = arith.constant 160 : i32
      %lt3A_470 = vector.broadcast %lt3A_469 : i32 to vector<16xi32>
      %lt3A_471 = arith.cmpi slt, %sub3A_465, %lt3A_470 : vector<16xi32>
      %jit3A_472 = arith.constant 1 : i32
      %jit3A_473 = arith.constant 0 : i32
      %broadcast_in_dim3A_474 = vector.broadcast %jit3A_472 : i32 to vector<16xi32>
      %broadcast_in_dim3A_475 = vector.broadcast %jit3A_473 : i32 to vector<16xi32>
      %select_n3A_476 = arith.select %lt3A_471, %broadcast_in_dim3A_474, %broadcast_in_dim3A_475 : vector<16xi1>, vector<16xi32>
      %swap3A_477 = arith.constant 304 : index
      %swap3A_478 = tpu.vector_load %arg7[%swap3A_477] {strides = array<i32>} : memref<1024xi32, #tpu.memory_space<vmem>>, vector<16xi32>,
      tpu.vector_store %arg7[%swap3A_477], %select_n3A_476 {strides = array<i32>} : memref<1024xi32, #tpu.memory_space<vmem>>, vector<16xi32>,
      %get3A_479 = arith.constant 320 : index
      %get3A_480 = tpu.vector_load %arg6[%get3A_479] {strides = array<i32>} : memref<1024xi32, #tpu.memory_space<vmem>>, vector<16xi32>,
      %broadcast_in_dim3A_481 = arith.constant true
      %broadcast_in_dim3A_482 = vector.broadcast %broadcast_in_dim3A_481 : i1 to vector<16xi1>
      %unique3A_483, %unique3A_484 = tpu.scan_count mask(%broadcast_in_dim3A_482 : vector<16xi1>) value(%get3A_480 : vector<16xi32>) : vector<16xi1>, vector<16xi32>
      %gather3A_485 = tpu.vector_load_idx %arg8[%get3A_480] : memref<64xi32, #tpu.memory_space<vmem>>[vector<16xi32>], vector<16xi32>,
      %add3A_486 = arith.addi %gather3A_485, %unique3A_484 : vector<16xi32>
      %sub3A_487 = arith.constant 1 : i32
      %sub3A_488 = vector.broadcast %sub3A_487 : i32 to vector<16xi32>
      %sub3A_489 = arith.subi %add3A_486, %sub3A_488 : vector<16xi32>
      %add3A_490 = arith.constant 1 : i32
      %add3A_491 = vector.broadcast %add3A_490 : i32 to vector<16xi32>
      %add3A_492 = arith.addi %sub3A_489, %add3A_491 : vector<16xi32>
      tpu.vector_store_idx %arg8[%get3A_480], %add3A_492 masked %unique3A_483 : memref<64xi32, #tpu.memory_space<vmem>>[vector<16xi32>], vector<16xi32>, vector<16xi1>
      %lt3A_493 = arith.constant 160 : i32
      %lt3A_494 = vector.broadcast %lt3A_493 : i32 to vector<16xi32>
      %lt3A_495 = arith.cmpi slt, %sub3A_489, %lt3A_494 : vector<16xi32>
      %jit3A_496 = arith.constant 1 : i32
      %jit3A_497 = arith.constant 0 : i32
      %broadcast_in_dim3A_498 = vector.broadcast %jit3A_496 : i32 to vector<16xi32>
      %broadcast_in_dim3A_499 = vector.broadcast %jit3A_497 : i32 to vector<16xi32>
      %select_n3A_500 = arith.select %lt3A_495, %broadcast_in_dim3A_498, %broadcast_in_dim3A_499 : vector<16xi1>, vector<16xi32>
      %swap3A_501 = arith.constant 320 : index
      %swap3A_502 = tpu.vector_load %arg7[%swap3A_501] {strides = array<i32>} : memref<1024xi32, #tpu.memory_space<vmem>>, vector<16xi32>,
      tpu.vector_store %arg7[%swap3A_501], %select_n3A_500 {strides = array<i32>} : memref<1024xi32, #tpu.memory_space<vmem>>, vector<16xi32>,
      %get3A_503 = arith.constant 336 : index
      %get3A_504 = tpu.vector_load %arg6[%get3A_503] {strides = array<i32>} : memref<1024xi32, #tpu.memory_space<vmem>>, vector<16xi32>,
      %broadcast_in_dim3A_505 = arith.constant true
      %broadcast_in_dim3A_506 = vector.broadcast %broadcast_in_dim3A_505 : i1 to vector<16xi1>
      %unique3A_507, %unique3A_508 = tpu.scan_count mask(%broadcast_in_dim3A_506 : vector<16xi1>) value(%get3A_504 : vector<16xi32>) : vector<16xi1>, vector<16xi32>
      %gather3A_509 = tpu.vector_load_idx %arg8[%get3A_504] : memref<64xi32, #tpu.memory_space<vmem>>[vector<16xi32>], vector<16xi32>,
      %add3A_510 = arith.addi %gather3A_509, %unique3A_508 : vector<16xi32>
      %sub3A_511 = arith.constant 1 : i32
      %sub3A_512 = vector.broadcast %sub3A_511 : i32 to vector<16xi32>
      %sub3A_513 = arith.subi %add3A_510, %sub3A_512 : vector<16xi32>
      %add3A_514 = arith.constant 1 : i32
      %add3A_515 = vector.broadcast %add3A_514 : i32 to vector<16xi32>
      %add3A_516 = arith.addi %sub3A_513, %add3A_515 : vector<16xi32>
      tpu.vector_store_idx %arg8[%get3A_504], %add3A_516 masked %unique3A_507 : memref<64xi32, #tpu.memory_space<vmem>>[vector<16xi32>], vector<16xi32>, vector<16xi1>
      %lt3A_517 = arith.constant 160 : i32
      %lt3A_518 = vector.broadcast %lt3A_517 : i32 to vector<16xi32>
      %lt3A_519 = arith.cmpi slt, %sub3A_513, %lt3A_518 : vector<16xi32>
      %jit3A_520 = arith.constant 1 : i32
      %jit3A_521 = arith.constant 0 : i32
      %broadcast_in_dim3A_522 = vector.broadcast %jit3A_520 : i32 to vector<16xi32>
      %broadcast_in_dim3A_523 = vector.broadcast %jit3A_521 : i32 to vector<16xi32>
      %select_n3A_524 = arith.select %lt3A_519, %broadcast_in_dim3A_522, %broadcast_in_dim3A_523 : vector<16xi1>, vector<16xi32>
      %swap3A_525 = arith.constant 336 : index
      %swap3A_526 = tpu.vector_load %arg7[%swap3A_525] {strides = array<i32>} : memref<1024xi32, #tpu.memory_space<vmem>>, vector<16xi32>,
      tpu.vector_store %arg7[%swap3A_525], %select_n3A_524 {strides = array<i32>} : memref<1024xi32, #tpu.memory_space<vmem>>, vector<16xi32>,
      %get3A_527 = arith.constant 352 : index
      %get3A_528 = tpu.vector_load %arg6[%get3A_527] {strides = array<i32>} : memref<1024xi32, #tpu.memory_space<vmem>>, vector<16xi32>,
      %broadcast_in_dim3A_529 = arith.constant true
      %broadcast_in_dim3A_530 = vector.broadcast %broadcast_in_dim3A_529 : i1 to vector<16xi1>
      %unique3A_531, %unique3A_532 = tpu.scan_count mask(%broadcast_in_dim3A_530 : vector<16xi1>) value(%get3A_528 : vector<16xi32>) : vector<16xi1>, vector<16xi32>
      %gather3A_533 = tpu.vector_load_idx %arg8[%get3A_528] : memref<64xi32, #tpu.memory_space<vmem>>[vector<16xi32>], vector<16xi32>,
      %add3A_534 = arith.addi %gather3A_533, %unique3A_532 : vector<16xi32>
      %sub3A_535 = arith.constant 1 : i32
      %sub3A_536 = vector.broadcast %sub3A_535 : i32 to vector<16xi32>
      %sub3A_537 = arith.subi %add3A_534, %sub3A_536 : vector<16xi32>
      %add3A_538 = arith.constant 1 : i32
      %add3A_539 = vector.broadcast %add3A_538 : i32 to vector<16xi32>
      %add3A_540 = arith.addi %sub3A_537, %add3A_539 : vector<16xi32>
      tpu.vector_store_idx %arg8[%get3A_528], %add3A_540 masked %unique3A_531 : memref<64xi32, #tpu.memory_space<vmem>>[vector<16xi32>], vector<16xi32>, vector<16xi1>
      %lt3A_541 = arith.constant 160 : i32
      %lt3A_542 = vector.broadcast %lt3A_541 : i32 to vector<16xi32>
      %lt3A_543 = arith.cmpi slt, %sub3A_537, %lt3A_542 : vector<16xi32>
      %jit3A_544 = arith.constant 1 : i32
      %jit3A_545 = arith.constant 0 : i32
      %broadcast_in_dim3A_546 = vector.broadcast %jit3A_544 : i32 to vector<16xi32>
      %broadcast_in_dim3A_547 = vector.broadcast %jit3A_545 : i32 to vector<16xi32>
      %select_n3A_548 = arith.select %lt3A_543, %broadcast_in_dim3A_546, %broadcast_in_dim3A_547 : vector<16xi1>, vector<16xi32>
      %swap3A_549 = arith.constant 352 : index
      %swap3A_550 = tpu.vector_load %arg7[%swap3A_549] {strides = array<i32>} : memref<1024xi32, #tpu.memory_space<vmem>>, vector<16xi32>,
      tpu.vector_store %arg7[%swap3A_549], %select_n3A_548 {strides = array<i32>} : memref<1024xi32, #tpu.memory_space<vmem>>, vector<16xi32>,
      %get3A_551 = arith.constant 368 : index
      %get3A_552 = tpu.vector_load %arg6[%get3A_551] {strides = array<i32>} : memref<1024xi32, #tpu.memory_space<vmem>>, vector<16xi32>,
      %broadcast_in_dim3A_553 = arith.constant true
      %broadcast_in_dim3A_554 = vector.broadcast %broadcast_in_dim3A_553 : i1 to vector<16xi1>
      %unique3A_555, %unique3A_556 = tpu.scan_count mask(%broadcast_in_dim3A_554 : vector<16xi1>) value(%get3A_552 : vector<16xi32>) : vector<16xi1>, vector<16xi32>
      %gather3A_557 = tpu.vector_load_idx %arg8[%get3A_552] : memref<64xi32, #tpu.memory_space<vmem>>[vector<16xi32>], vector<16xi32>,
      %add3A_558 = arith.addi %gather3A_557, %unique3A_556 : vector<16xi32>
      %sub3A_559 = arith.constant 1 : i32
      %sub3A_560 = vector.broadcast %sub3A_559 : i32 to vector<16xi32>
      %sub3A_561 = arith.subi %add3A_558, %sub3A_560 : vector<16xi32>
      %add3A_562 = arith.constant 1 : i32
      %add3A_563 = vector.broadcast %add3A_562 : i32 to vector<16xi32>
      %add3A_564 = arith.addi %sub3A_561, %add3A_563 : vector<16xi32>
      tpu.vector_store_idx %arg8[%get3A_552], %add3A_564 masked %unique3A_555 : memref<64xi32, #tpu.memory_space<vmem>>[vector<16xi32>], vector<16xi32>, vector<16xi1>
      %lt3A_565 = arith.constant 160 : i32
      %lt3A_566 = vector.broadcast %lt3A_565 : i32 to vector<16xi32>
      %lt3A_567 = arith.cmpi slt, %sub3A_561, %lt3A_566 : vector<16xi32>
      %jit3A_568 = arith.constant 1 : i32
      %jit3A_569 = arith.constant 0 : i32
      %broadcast_in_dim3A_570 = vector.broadcast %jit3A_568 : i32 to vector<16xi32>
      %broadcast_in_dim3A_571 = vector.broadcast %jit3A_569 : i32 to vector<16xi32>
      %select_n3A_572 = arith.select %lt3A_567, %broadcast_in_dim3A_570, %broadcast_in_dim3A_571 : vector<16xi1>, vector<16xi32>
      %swap3A_573 = arith.constant 368 : index
      %swap3A_574 = tpu.vector_load %arg7[%swap3A_573] {strides = array<i32>} : memref<1024xi32, #tpu.memory_space<vmem>>, vector<16xi32>,
      tpu.vector_store %arg7[%swap3A_573], %select_n3A_572 {strides = array<i32>} : memref<1024xi32, #tpu.memory_space<vmem>>, vector<16xi32>,
      %get3A_575 = arith.constant 384 : index
      %get3A_576 = tpu.vector_load %arg6[%get3A_575] {strides = array<i32>} : memref<1024xi32, #tpu.memory_space<vmem>>, vector<16xi32>,
      %broadcast_in_dim3A_577 = arith.constant true
      %broadcast_in_dim3A_578 = vector.broadcast %broadcast_in_dim3A_577 : i1 to vector<16xi1>
      %unique3A_579, %unique3A_580 = tpu.scan_count mask(%broadcast_in_dim3A_578 : vector<16xi1>) value(%get3A_576 : vector<16xi32>) : vector<16xi1>, vector<16xi32>
      %gather3A_581 = tpu.vector_load_idx %arg8[%get3A_576] : memref<64xi32, #tpu.memory_space<vmem>>[vector<16xi32>], vector<16xi32>,
      %add3A_582 = arith.addi %gather3A_581, %unique3A_580 : vector<16xi32>
      %sub3A_583 = arith.constant 1 : i32
      %sub3A_584 = vector.broadcast %sub3A_583 : i32 to vector<16xi32>
      %sub3A_585 = arith.subi %add3A_582, %sub3A_584 : vector<16xi32>
      %add3A_586 = arith.constant 1 : i32
      %add3A_587 = vector.broadcast %add3A_586 : i32 to vector<16xi32>
      %add3A_588 = arith.addi %sub3A_585, %add3A_587 : vector<16xi32>
      tpu.vector_store_idx %arg8[%get3A_576], %add3A_588 masked %unique3A_579 : memref<64xi32, #tpu.memory_space<vmem>>[vector<16xi32>], vector<16xi32>, vector<16xi1>
      %lt3A_589 = arith.constant 160 : i32
      %lt3A_590 = vector.broadcast %lt3A_589 : i32 to vector<16xi32>
      %lt3A_591 = arith.cmpi slt, %sub3A_585, %lt3A_590 : vector<16xi32>
      %jit3A_592 = arith.constant 1 : i32
      %jit3A_593 = arith.constant 0 : i32
      %broadcast_in_dim3A_594 = vector.broadcast %jit3A_592 : i32 to vector<16xi32>
      %broadcast_in_dim3A_595 = vector.broadcast %jit3A_593 : i32 to vector<16xi32>
      %select_n3A_596 = arith.select %lt3A_591, %broadcast_in_dim3A_594, %broadcast_in_dim3A_595 : vector<16xi1>, vector<16xi32>
      %swap3A_597 = arith.constant 384 : index
      %swap3A_598 = tpu.vector_load %arg7[%swap3A_597] {strides = array<i32>} : memref<1024xi32, #tpu.memory_space<vmem>>, vector<16xi32>,
      tpu.vector_store %arg7[%swap3A_597], %select_n3A_596 {strides = array<i32>} : memref<1024xi32, #tpu.memory_space<vmem>>, vector<16xi32>,
      %get3A_599 = arith.constant 400 : index
      %get3A_600 = tpu.vector_load %arg6[%get3A_599] {strides = array<i32>} : memref<1024xi32, #tpu.memory_space<vmem>>, vector<16xi32>,
      %broadcast_in_dim3A_601 = arith.constant true
      %broadcast_in_dim3A_602 = vector.broadcast %broadcast_in_dim3A_601 : i1 to vector<16xi1>
      %unique3A_603, %unique3A_604 = tpu.scan_count mask(%broadcast_in_dim3A_602 : vector<16xi1>) value(%get3A_600 : vector<16xi32>) : vector<16xi1>, vector<16xi32>
      %gather3A_605 = tpu.vector_load_idx %arg8[%get3A_600] : memref<64xi32, #tpu.memory_space<vmem>>[vector<16xi32>], vector<16xi32>,
      %add3A_606 = arith.addi %gather3A_605, %unique3A_604 : vector<16xi32>
      %sub3A_607 = arith.constant 1 : i32
      %sub3A_608 = vector.broadcast %sub3A_607 : i32 to vector<16xi32>
      %sub3A_609 = arith.subi %add3A_606, %sub3A_608 : vector<16xi32>
      %add3A_610 = arith.constant 1 : i32
      %add3A_611 = vector.broadcast %add3A_610 : i32 to vector<16xi32>
      %add3A_612 = arith.addi %sub3A_609, %add3A_611 : vector<16xi32>
      tpu.vector_store_idx %arg8[%get3A_600], %add3A_612 masked %unique3A_603 : memref<64xi32, #tpu.memory_space<vmem>>[vector<16xi32>], vector<16xi32>, vector<16xi1>
      %lt3A_613 = arith.constant 160 : i32
      %lt3A_614 = vector.broadcast %lt3A_613 : i32 to vector<16xi32>
      %lt3A_615 = arith.cmpi slt, %sub3A_609, %lt3A_614 : vector<16xi32>
      %jit3A_616 = arith.constant 1 : i32
      %jit3A_617 = arith.constant 0 : i32
      %broadcast_in_dim3A_618 = vector.broadcast %jit3A_616 : i32 to vector<16xi32>
      %broadcast_in_dim3A_619 = vector.broadcast %jit3A_617 : i32 to vector<16xi32>
      %select_n3A_620 = arith.select %lt3A_615, %broadcast_in_dim3A_618, %broadcast_in_dim3A_619 : vector<16xi1>, vector<16xi32>
      %swap3A_621 = arith.constant 400 : index
      %swap3A_622 = tpu.vector_load %arg7[%swap3A_621] {strides = array<i32>} : memref<1024xi32, #tpu.memory_space<vmem>>, vector<16xi32>,
      tpu.vector_store %arg7[%swap3A_621], %select_n3A_620 {strides = array<i32>} : memref<1024xi32, #tpu.memory_space<vmem>>, vector<16xi32>,
      %get3A_623 = arith.constant 416 : index
      %get3A_624 = tpu.vector_load %arg6[%get3A_623] {strides = array<i32>} : memref<1024xi32, #tpu.memory_space<vmem>>, vector<16xi32>,
      %broadcast_in_dim3A_625 = arith.constant true
      %broadcast_in_dim3A_626 = vector.broadcast %broadcast_in_dim3A_625 : i1 to vector<16xi1>
      %unique3A_627, %unique3A_628 = tpu.scan_count mask(%broadcast_in_dim3A_626 : vector<16xi1>) value(%get3A_624 : vector<16xi32>) : vector<16xi1>, vector<16xi32>
      %gather3A_629 = tpu.vector_load_idx %arg8[%get3A_624] : memref<64xi32, #tpu.memory_space<vmem>>[vector<16xi32>], vector<16xi32>,
      %add3A_630 = arith.addi %gather3A_629, %unique3A_628 : vector<16xi32>
      %sub3A_631 = arith.constant 1 : i32
      %sub3A_632 = vector.broadcast %sub3A_631 : i32 to vector<16xi32>
      %sub3A_633 = arith.subi %add3A_630, %sub3A_632 : vector<16xi32>
      %add3A_634 = arith.constant 1 : i32
      %add3A_635 = vector.broadcast %add3A_634 : i32 to vector<16xi32>
      %add3A_636 = arith.addi %sub3A_633, %add3A_635 : vector<16xi32>
      tpu.vector_store_idx %arg8[%get3A_624], %add3A_636 masked %unique3A_627 : memref<64xi32, #tpu.memory_space<vmem>>[vector<16xi32>], vector<16xi32>, vector<16xi1>
      %lt3A_637 = arith.constant 160 : i32
      %lt3A_638 = vector.broadcast %lt3A_637 : i32 to vector<16xi32>
      %lt3A_639 = arith.cmpi slt, %sub3A_633, %lt3A_638 : vector<16xi32>
      %jit3A_640 = arith.constant 1 : i32
      %jit3A_641 = arith.constant 0 : i32
      %broadcast_in_dim3A_642 = vector.broadcast %jit3A_640 : i32 to vector<16xi32>
      %broadcast_in_dim3A_643 = vector.broadcast %jit3A_641 : i32 to vector<16xi32>
      %select_n3A_644 = arith.select %lt3A_639, %broadcast_in_dim3A_642, %broadcast_in_dim3A_643 : vector<16xi1>, vector<16xi32>
      %swap3A_645 = arith.constant 416 : index
      %swap3A_646 = tpu.vector_load %arg7[%swap3A_645] {strides = array<i32>} : memref<1024xi32, #tpu.memory_space<vmem>>, vector<16xi32>,
      tpu.vector_store %arg7[%swap3A_645], %select_n3A_644 {strides = array<i32>} : memref<1024xi32, #tpu.memory_space<vmem>>, vector<16xi32>,
      %get3A_647 = arith.constant 432 : index
      %get3A_648 = tpu.vector_load %arg6[%get3A_647] {strides = array<i32>} : memref<1024xi32, #tpu.memory_space<vmem>>, vector<16xi32>,
      %broadcast_in_dim3A_649 = arith.constant true
      %broadcast_in_dim3A_650 = vector.broadcast %broadcast_in_dim3A_649 : i1 to vector<16xi1>
      %unique3A_651, %unique3A_652 = tpu.scan_count mask(%broadcast_in_dim3A_650 : vector<16xi1>) value(%get3A_648 : vector<16xi32>) : vector<16xi1>, vector<16xi32>
      %gather3A_653 = tpu.vector_load_idx %arg8[%get3A_648] : memref<64xi32, #tpu.memory_space<vmem>>[vector<16xi32>], vector<16xi32>,
      %add3A_654 = arith.addi %gather3A_653, %unique3A_652 : vector<16xi32>
      %sub3A_655 = arith.constant 1 : i32
      %sub3A_656 = vector.broadcast %sub3A_655 : i32 to vector<16xi32>
      %sub3A_657 = arith.subi %add3A_654, %sub3A_656 : vector<16xi32>
      %add3A_658 = arith.constant 1 : i32
      %add3A_659 = vector.broadcast %add3A_658 : i32 to vector<16xi32>
      %add3A_660 = arith.addi %sub3A_657, %add3A_659 : vector<16xi32>
      tpu.vector_store_idx %arg8[%get3A_648], %add3A_660 masked %unique3A_651 : memref<64xi32, #tpu.memory_space<vmem>>[vector<16xi32>], vector<16xi32>, vector<16xi1>
      %lt3A_661 = arith.constant 160 : i32
      %lt3A_662 = vector.broadcast %lt3A_661 : i32 to vector<16xi32>
      %lt3A_663 = arith.cmpi slt, %sub3A_657, %lt3A_662 : vector<16xi32>
      %jit3A_664 = arith.constant 1 : i32
      %jit3A_665 = arith.constant 0 : i32
      %broadcast_in_dim3A_666 = vector.broadcast %jit3A_664 : i32 to vector<16xi32>
      %broadcast_in_dim3A_667 = vector.broadcast %jit3A_665 : i32 to vector<16xi32>
      %select_n3A_668 = arith.select %lt3A_663, %broadcast_in_dim3A_666, %broadcast_in_dim3A_667 : vector<16xi1>, vector<16xi32>
      %swap3A_669 = arith.constant 432 : index
      %swap3A_670 = tpu.vector_load %arg7[%swap3A_669] {strides = array<i32>} : memref<1024xi32, #tpu.memory_space<vmem>>, vector<16xi32>,
      tpu.vector_store %arg7[%swap3A_669], %select_n3A_668 {strides = array<i32>} : memref<1024xi32, #tpu.memory_space<vmem>>, vector<16xi32>,
      %get3A_671 = arith.constant 448 : index
      %get3A_672 = tpu.vector_load %arg6[%get3A_671] {strides = array<i32>} : memref<1024xi32, #tpu.memory_space<vmem>>, vector<16xi32>,
      %broadcast_in_dim3A_673 = arith.constant true
      %broadcast_in_dim3A_674 = vector.broadcast %broadcast_in_dim3A_673 : i1 to vector<16xi1>
      %unique3A_675, %unique3A_676 = tpu.scan_count mask(%broadcast_in_dim3A_674 : vector<16xi1>) value(%get3A_672 : vector<16xi32>) : vector<16xi1>, vector<16xi32>
      %gather3A_677 = tpu.vector_load_idx %arg8[%get3A_672] : memref<64xi32, #tpu.memory_space<vmem>>[vector<16xi32>], vector<16xi32>,
      %add3A_678 = arith.addi %gather3A_677, %unique3A_676 : vector<16xi32>
      %sub3A_679 = arith.constant 1 : i32
      %sub3A_680 = vector.broadcast %sub3A_679 : i32 to vector<16xi32>
      %sub3A_681 = arith.subi %add3A_678, %sub3A_680 : vector<16xi32>
      %add3A_682 = arith.constant 1 : i32
      %add3A_683 = vector.broadcast %add3A_682 : i32 to vector<16xi32>
      %add3A_684 = arith.addi %sub3A_681, %add3A_683 : vector<16xi32>
      tpu.vector_store_idx %arg8[%get3A_672], %add3A_684 masked %unique3A_675 : memref<64xi32, #tpu.memory_space<vmem>>[vector<16xi32>], vector<16xi32>, vector<16xi1>
      %lt3A_685 = arith.constant 160 : i32
      %lt3A_686 = vector.broadcast %lt3A_685 : i32 to vector<16xi32>
      %lt3A_687 = arith.cmpi slt, %sub3A_681, %lt3A_686 : vector<16xi32>
      %jit3A_688 = arith.constant 1 : i32
      %jit3A_689 = arith.constant 0 : i32
      %broadcast_in_dim3A_690 = vector.broadcast %jit3A_688 : i32 to vector<16xi32>
      %broadcast_in_dim3A_691 = vector.broadcast %jit3A_689 : i32 to vector<16xi32>
      %select_n3A_692 = arith.select %lt3A_687, %broadcast_in_dim3A_690, %broadcast_in_dim3A_691 : vector<16xi1>, vector<16xi32>
      %swap3A_693 = arith.constant 448 : index
      %swap3A_694 = tpu.vector_load %arg7[%swap3A_693] {strides = array<i32>} : memref<1024xi32, #tpu.memory_space<vmem>>, vector<16xi32>,
      tpu.vector_store %arg7[%swap3A_693], %select_n3A_692 {strides = array<i32>} : memref<1024xi32, #tpu.memory_space<vmem>>, vector<16xi32>,
      %get3A_695 = arith.constant 464 : index
      %get3A_696 = tpu.vector_load %arg6[%get3A_695] {strides = array<i32>} : memref<1024xi32, #tpu.memory_space<vmem>>, vector<16xi32>,
      %broadcast_in_dim3A_697 = arith.constant true
      %broadcast_in_dim3A_698 = vector.broadcast %broadcast_in_dim3A_697 : i1 to vector<16xi1>
      %unique3A_699, %unique3A_700 = tpu.scan_count mask(%broadcast_in_dim3A_698 : vector<16xi1>) value(%get3A_696 : vector<16xi32>) : vector<16xi1>, vector<16xi32>
      %gather3A_701 = tpu.vector_load_idx %arg8[%get3A_696] : memref<64xi32, #tpu.memory_space<vmem>>[vector<16xi32>], vector<16xi32>,
      %add3A_702 = arith.addi %gather3A_701, %unique3A_700 : vector<16xi32>
      %sub3A_703 = arith.constant 1 : i32
      %sub3A_704 = vector.broadcast %sub3A_703 : i32 to vector<16xi32>
      %sub3A_705 = arith.subi %add3A_702, %sub3A_704 : vector<16xi32>
      %add3A_706 = arith.constant 1 : i32
      %add3A_707 = vector.broadcast %add3A_706 : i32 to vector<16xi32>
      %add3A_708 = arith.addi %sub3A_705, %add3A_707 : vector<16xi32>
      tpu.vector_store_idx %arg8[%get3A_696], %add3A_708 masked %unique3A_699 : memref<64xi32, #tpu.memory_space<vmem>>[vector<16xi32>], vector<16xi32>, vector<16xi1>
      %lt3A_709 = arith.constant 160 : i32
      %lt3A_710 = vector.broadcast %lt3A_709 : i32 to vector<16xi32>
      %lt3A_711 = arith.cmpi slt, %sub3A_705, %lt3A_710 : vector<16xi32>
      %jit3A_712 = arith.constant 1 : i32
      %jit3A_713 = arith.constant 0 : i32
      %broadcast_in_dim3A_714 = vector.broadcast %jit3A_712 : i32 to vector<16xi32>
      %broadcast_in_dim3A_715 = vector.broadcast %jit3A_713 : i32 to vector<16xi32>
      %select_n3A_716 = arith.select %lt3A_711, %broadcast_in_dim3A_714, %broadcast_in_dim3A_715 : vector<16xi1>, vector<16xi32>
      %swap3A_717 = arith.constant 464 : index
      %swap3A_718 = tpu.vector_load %arg7[%swap3A_717] {strides = array<i32>} : memref<1024xi32, #tpu.memory_space<vmem>>, vector<16xi32>,
      tpu.vector_store %arg7[%swap3A_717], %select_n3A_716 {strides = array<i32>} : memref<1024xi32, #tpu.memory_space<vmem>>, vector<16xi32>,
      %get3A_719 = arith.constant 480 : index
      %get3A_720 = tpu.vector_load %arg6[%get3A_719] {strides = array<i32>} : memref<1024xi32, #tpu.memory_space<vmem>>, vector<16xi32>,
      %broadcast_in_dim3A_721 = arith.constant true
      %broadcast_in_dim3A_722 = vector.broadcast %broadcast_in_dim3A_721 : i1 to vector<16xi1>
      %unique3A_723, %unique3A_724 = tpu.scan_count mask(%broadcast_in_dim3A_722 : vector<16xi1>) value(%get3A_720 : vector<16xi32>) : vector<16xi1>, vector<16xi32>
      %gather3A_725 = tpu.vector_load_idx %arg8[%get3A_720] : memref<64xi32, #tpu.memory_space<vmem>>[vector<16xi32>], vector<16xi32>,
      %add3A_726 = arith.addi %gather3A_725, %unique3A_724 : vector<16xi32>
      %sub3A_727 = arith.constant 1 : i32
      %sub3A_728 = vector.broadcast %sub3A_727 : i32 to vector<16xi32>
      %sub3A_729 = arith.subi %add3A_726, %sub3A_728 : vector<16xi32>
      %add3A_730 = arith.constant 1 : i32
      %add3A_731 = vector.broadcast %add3A_730 : i32 to vector<16xi32>
      %add3A_732 = arith.addi %sub3A_729, %add3A_731 : vector<16xi32>
      tpu.vector_store_idx %arg8[%get3A_720], %add3A_732 masked %unique3A_723 : memref<64xi32, #tpu.memory_space<vmem>>[vector<16xi32>], vector<16xi32>, vector<16xi1>
      %lt3A_733 = arith.constant 160 : i32
      %lt3A_734 = vector.broadcast %lt3A_733 : i32 to vector<16xi32>
      %lt3A_735 = arith.cmpi slt, %sub3A_729, %lt3A_734 : vector<16xi32>
      %jit3A_736 = arith.constant 1 : i32
      %jit3A_737 = arith.constant 0 : i32
      %broadcast_in_dim3A_738 = vector.broadcast %jit3A_736 : i32 to vector<16xi32>
      %broadcast_in_dim3A_739 = vector.broadcast %jit3A_737 : i32 to vector<16xi32>
      %select_n3A_740 = arith.select %lt3A_735, %broadcast_in_dim3A_738, %broadcast_in_dim3A_739 : vector<16xi1>, vector<16xi32>
      %swap3A_741 = arith.constant 480 : index
      %swap3A_742 = tpu.vector_load %arg7[%swap3A_741] {strides = array<i32>} : memref<1024xi32, #tpu.memory_space<vmem>>, vector<16xi32>,
      tpu.vector_store %arg7[%swap3A_741], %select_n3A_740 {strides = array<i32>} : memref<1024xi32, #tpu.memory_space<vmem>>, vector<16xi32>,
      %get3A_743 = arith.constant 496 : index
      %get3A_744 = tpu.vector_load %arg6[%get3A_743] {strides = array<i32>} : memref<1024xi32, #tpu.memory_space<vmem>>, vector<16xi32>,
      %broadcast_in_dim3A_745 = arith.constant true
      %broadcast_in_dim3A_746 = vector.broadcast %broadcast_in_dim3A_745 : i1 to vector<16xi1>
      %unique3A_747, %unique3A_748 = tpu.scan_count mask(%broadcast_in_dim3A_746 : vector<16xi1>) value(%get3A_744 : vector<16xi32>) : vector<16xi1>, vector<16xi32>
      %gather3A_749 = tpu.vector_load_idx %arg8[%get3A_744] : memref<64xi32, #tpu.memory_space<vmem>>[vector<16xi32>], vector<16xi32>,
      %add3A_750 = arith.addi %gather3A_749, %unique3A_748 : vector<16xi32>
      %sub3A_751 = arith.constant 1 : i32
      %sub3A_752 = vector.broadcast %sub3A_751 : i32 to vector<16xi32>
      %sub3A_753 = arith.subi %add3A_750, %sub3A_752 : vector<16xi32>
      %add3A_754 = arith.constant 1 : i32
      %add3A_755 = vector.broadcast %add3A_754 : i32 to vector<16xi32>
      %add3A_756 = arith.addi %sub3A_753, %add3A_755 : vector<16xi32>
      tpu.vector_store_idx %arg8[%get3A_744], %add3A_756 masked %unique3A_747 : memref<64xi32, #tpu.memory_space<vmem>>[vector<16xi32>], vector<16xi32>, vector<16xi1>
      %lt3A_757 = arith.constant 160 : i32
      %lt3A_758 = vector.broadcast %lt3A_757 : i32 to vector<16xi32>
      %lt3A_759 = arith.cmpi slt, %sub3A_753, %lt3A_758 : vector<16xi32>
      %jit3A_760 = arith.constant 1 : i32
      %jit3A_761 = arith.constant 0 : i32
      %broadcast_in_dim3A_762 = vector.broadcast %jit3A_760 : i32 to vector<16xi32>
      %broadcast_in_dim3A_763 = vector.broadcast %jit3A_761 : i32 to vector<16xi32>
      %select_n3A_764 = arith.select %lt3A_759, %broadcast_in_dim3A_762, %broadcast_in_dim3A_763 : vector<16xi1>, vector<16xi32>
      %swap3A_765 = arith.constant 496 : index
      %swap3A_766 = tpu.vector_load %arg7[%swap3A_765] {strides = array<i32>} : memref<1024xi32, #tpu.memory_space<vmem>>, vector<16xi32>,
      tpu.vector_store %arg7[%swap3A_765], %select_n3A_764 {strides = array<i32>} : memref<1024xi32, #tpu.memory_space<vmem>>, vector<16xi32>,
      %get3A_767 = arith.constant 512 : index
      %get3A_768 = tpu.vector_load %arg6[%get3A_767] {strides = array<i32>} : memref<1024xi32, #tpu.memory_space<vmem>>, vector<16xi32>,
      %broadcast_in_dim3A_769 = arith.constant true
      %broadcast_in_dim3A_770 = vector.broadcast %broadcast_in_dim3A_769 : i1 to vector<16xi1>
      %unique3A_771, %unique3A_772 = tpu.scan_count mask(%broadcast_in_dim3A_770 : vector<16xi1>) value(%get3A_768 : vector<16xi32>) : vector<16xi1>, vector<16xi32>
      %gather3A_773 = tpu.vector_load_idx %arg8[%get3A_768] : memref<64xi32, #tpu.memory_space<vmem>>[vector<16xi32>], vector<16xi32>,
      %add3A_774 = arith.addi %gather3A_773, %unique3A_772 : vector<16xi32>
      %sub3A_775 = arith.constant 1 : i32
      %sub3A_776 = vector.broadcast %sub3A_775 : i32 to vector<16xi32>
      %sub3A_777 = arith.subi %add3A_774, %sub3A_776 : vector<16xi32>
      %add3A_778 = arith.constant 1 : i32
      %add3A_779 = vector.broadcast %add3A_778 : i32 to vector<16xi32>
      %add3A_780 = arith.addi %sub3A_777, %add3A_779 : vector<16xi32>
      tpu.vector_store_idx %arg8[%get3A_768], %add3A_780 masked %unique3A_771 : memref<64xi32, #tpu.memory_space<vmem>>[vector<16xi32>], vector<16xi32>, vector<16xi1>
      %lt3A_781 = arith.constant 160 : i32
      %lt3A_782 = vector.broadcast %lt3A_781 : i32 to vector<16xi32>
      %lt3A_783 = arith.cmpi slt, %sub3A_777, %lt3A_782 : vector<16xi32>
      %jit3A_784 = arith.constant 1 : i32
      %jit3A_785 = arith.constant 0 : i32
      %broadcast_in_dim3A_786 = vector.broadcast %jit3A_784 : i32 to vector<16xi32>
      %broadcast_in_dim3A_787 = vector.broadcast %jit3A_785 : i32 to vector<16xi32>
      %select_n3A_788 = arith.select %lt3A_783, %broadcast_in_dim3A_786, %broadcast_in_dim3A_787 : vector<16xi1>, vector<16xi32>
      %swap3A_789 = arith.constant 512 : index
      %swap3A_790 = tpu.vector_load %arg7[%swap3A_789] {strides = array<i32>} : memref<1024xi32, #tpu.memory_space<vmem>>, vector<16xi32>,
      tpu.vector_store %arg7[%swap3A_789], %select_n3A_788 {strides = array<i32>} : memref<1024xi32, #tpu.memory_space<vmem>>, vector<16xi32>,
      %get3A_791 = arith.constant 528 : index
      %get3A_792 = tpu.vector_load %arg6[%get3A_791] {strides = array<i32>} : memref<1024xi32, #tpu.memory_space<vmem>>, vector<16xi32>,
      %broadcast_in_dim3A_793 = arith.constant true
      %broadcast_in_dim3A_794 = vector.broadcast %broadcast_in_dim3A_793 : i1 to vector<16xi1>
      %unique3A_795, %unique3A_796 = tpu.scan_count mask(%broadcast_in_dim3A_794 : vector<16xi1>) value(%get3A_792 : vector<16xi32>) : vector<16xi1>, vector<16xi32>
      %gather3A_797 = tpu.vector_load_idx %arg8[%get3A_792] : memref<64xi32, #tpu.memory_space<vmem>>[vector<16xi32>], vector<16xi32>,
      %add3A_798 = arith.addi %gather3A_797, %unique3A_796 : vector<16xi32>
      %sub3A_799 = arith.constant 1 : i32
      %sub3A_800 = vector.broadcast %sub3A_799 : i32 to vector<16xi32>
      %sub3A_801 = arith.subi %add3A_798, %sub3A_800 : vector<16xi32>
      %add3A_802 = arith.constant 1 : i32
      %add3A_803 = vector.broadcast %add3A_802 : i32 to vector<16xi32>
      %add3A_804 = arith.addi %sub3A_801, %add3A_803 : vector<16xi32>
      tpu.vector_store_idx %arg8[%get3A_792], %add3A_804 masked %unique3A_795 : memref<64xi32, #tpu.memory_space<vmem>>[vector<16xi32>], vector<16xi32>, vector<16xi1>
      %lt3A_805 = arith.constant 160 : i32
      %lt3A_806 = vector.broadcast %lt3A_805 : i32 to vector<16xi32>
      %lt3A_807 = arith.cmpi slt, %sub3A_801, %lt3A_806 : vector<16xi32>
      %jit3A_808 = arith.constant 1 : i32
      %jit3A_809 = arith.constant 0 : i32
      %broadcast_in_dim3A_810 = vector.broadcast %jit3A_808 : i32 to vector<16xi32>
      %broadcast_in_dim3A_811 = vector.broadcast %jit3A_809 : i32 to vector<16xi32>
      %select_n3A_812 = arith.select %lt3A_807, %broadcast_in_dim3A_810, %broadcast_in_dim3A_811 : vector<16xi1>, vector<16xi32>
      %swap3A_813 = arith.constant 528 : index
      %swap3A_814 = tpu.vector_load %arg7[%swap3A_813] {strides = array<i32>} : memref<1024xi32, #tpu.memory_space<vmem>>, vector<16xi32>,
      tpu.vector_store %arg7[%swap3A_813], %select_n3A_812 {strides = array<i32>} : memref<1024xi32, #tpu.memory_space<vmem>>, vector<16xi32>,
      %get3A_815 = arith.constant 544 : index
      %get3A_816 = tpu.vector_load %arg6[%get3A_815] {strides = array<i32>} : memref<1024xi32, #tpu.memory_space<vmem>>, vector<16xi32>,
      %broadcast_in_dim3A_817 = arith.constant true
      %broadcast_in_dim3A_818 = vector.broadcast %broadcast_in_dim3A_817 : i1 to vector<16xi1>
      %unique3A_819, %unique3A_820 = tpu.scan_count mask(%broadcast_in_dim3A_818 : vector<16xi1>) value(%get3A_816 : vector<16xi32>) : vector<16xi1>, vector<16xi32>
      %gather3A_821 = tpu.vector_load_idx %arg8[%get3A_816] : memref<64xi32, #tpu.memory_space<vmem>>[vector<16xi32>], vector<16xi32>,
      %add3A_822 = arith.addi %gather3A_821, %unique3A_820 : vector<16xi32>
      %sub3A_823 = arith.constant 1 : i32
      %sub3A_824 = vector.broadcast %sub3A_823 : i32 to vector<16xi32>
      %sub3A_825 = arith.subi %add3A_822, %sub3A_824 : vector<16xi32>
      %add3A_826 = arith.constant 1 : i32
      %add3A_827 = vector.broadcast %add3A_826 : i32 to vector<16xi32>
      %add3A_828 = arith.addi %sub3A_825, %add3A_827 : vector<16xi32>
      tpu.vector_store_idx %arg8[%get3A_816], %add3A_828 masked %unique3A_819 : memref<64xi32, #tpu.memory_space<vmem>>[vector<16xi32>], vector<16xi32>, vector<16xi1>
      %lt3A_829 = arith.constant 160 : i32
      %lt3A_830 = vector.broadcast %lt3A_829 : i32 to vector<16xi32>
      %lt3A_831 = arith.cmpi slt, %sub3A_825, %lt3A_830 : vector<16xi32>
      %jit3A_832 = arith.constant 1 : i32
      %jit3A_833 = arith.constant 0 : i32
      %broadcast_in_dim3A_834 = vector.broadcast %jit3A_832 : i32 to vector<16xi32>
      %broadcast_in_dim3A_835 = vector.broadcast %jit3A_833 : i32 to vector<16xi32>
      %select_n3A_836 = arith.select %lt3A_831, %broadcast_in_dim3A_834, %broadcast_in_dim3A_835 : vector<16xi1>, vector<16xi32>
      %swap3A_837 = arith.constant 544 : index
      %swap3A_838 = tpu.vector_load %arg7[%swap3A_837] {strides = array<i32>} : memref<1024xi32, #tpu.memory_space<vmem>>, vector<16xi32>,
      tpu.vector_store %arg7[%swap3A_837], %select_n3A_836 {strides = array<i32>} : memref<1024xi32, #tpu.memory_space<vmem>>, vector<16xi32>,
      %get3A_839 = arith.constant 560 : index
      %get3A_840 = tpu.vector_load %arg6[%get3A_839] {strides = array<i32>} : memref<1024xi32, #tpu.memory_space<vmem>>, vector<16xi32>,
      %broadcast_in_dim3A_841 = arith.constant true
      %broadcast_in_dim3A_842 = vector.broadcast %broadcast_in_dim3A_841 : i1 to vector<16xi1>
      %unique3A_843, %unique3A_844 = tpu.scan_count mask(%broadcast_in_dim3A_842 : vector<16xi1>) value(%get3A_840 : vector<16xi32>) : vector<16xi1>, vector<16xi32>
      %gather3A_845 = tpu.vector_load_idx %arg8[%get3A_840] : memref<64xi32, #tpu.memory_space<vmem>>[vector<16xi32>], vector<16xi32>,
      %add3A_846 = arith.addi %gather3A_845, %unique3A_844 : vector<16xi32>
      %sub3A_847 = arith.constant 1 : i32
      %sub3A_848 = vector.broadcast %sub3A_847 : i32 to vector<16xi32>
      %sub3A_849 = arith.subi %add3A_846, %sub3A_848 : vector<16xi32>
      %add3A_850 = arith.constant 1 : i32
      %add3A_851 = vector.broadcast %add3A_850 : i32 to vector<16xi32>
      %add3A_852 = arith.addi %sub3A_849, %add3A_851 : vector<16xi32>
      tpu.vector_store_idx %arg8[%get3A_840], %add3A_852 masked %unique3A_843 : memref<64xi32, #tpu.memory_space<vmem>>[vector<16xi32>], vector<16xi32>, vector<16xi1>
      %lt3A_853 = arith.constant 160 : i32
      %lt3A_854 = vector.broadcast %lt3A_853 : i32 to vector<16xi32>
      %lt3A_855 = arith.cmpi slt, %sub3A_849, %lt3A_854 : vector<16xi32>
      %jit3A_856 = arith.constant 1 : i32
      %jit3A_857 = arith.constant 0 : i32
      %broadcast_in_dim3A_858 = vector.broadcast %jit3A_856 : i32 to vector<16xi32>
      %broadcast_in_dim3A_859 = vector.broadcast %jit3A_857 : i32 to vector<16xi32>
      %select_n3A_860 = arith.select %lt3A_855, %broadcast_in_dim3A_858, %broadcast_in_dim3A_859 : vector<16xi1>, vector<16xi32>
      %swap3A_861 = arith.constant 560 : index
      %swap3A_862 = tpu.vector_load %arg7[%swap3A_861] {strides = array<i32>} : memref<1024xi32, #tpu.memory_space<vmem>>, vector<16xi32>,
      tpu.vector_store %arg7[%swap3A_861], %select_n3A_860 {strides = array<i32>} : memref<1024xi32, #tpu.memory_space<vmem>>, vector<16xi32>,
      %get3A_863 = arith.constant 576 : index
      %get3A_864 = tpu.vector_load %arg6[%get3A_863] {strides = array<i32>} : memref<1024xi32, #tpu.memory_space<vmem>>, vector<16xi32>,
      %broadcast_in_dim3A_865 = arith.constant true
      %broadcast_in_dim3A_866 = vector.broadcast %broadcast_in_dim3A_865 : i1 to vector<16xi1>
      %unique3A_867, %unique3A_868 = tpu.scan_count mask(%broadcast_in_dim3A_866 : vector<16xi1>) value(%get3A_864 : vector<16xi32>) : vector<16xi1>, vector<16xi32>
      %gather3A_869 = tpu.vector_load_idx %arg8[%get3A_864] : memref<64xi32, #tpu.memory_space<vmem>>[vector<16xi32>], vector<16xi32>,
      %add3A_870 = arith.addi %gather3A_869, %unique3A_868 : vector<16xi32>
      %sub3A_871 = arith.constant 1 : i32
      %sub3A_872 = vector.broadcast %sub3A_871 : i32 to vector<16xi32>
      %sub3A_873 = arith.subi %add3A_870, %sub3A_872 : vector<16xi32>
      %add3A_874 = arith.constant 1 : i32
      %add3A_875 = vector.broadcast %add3A_874 : i32 to vector<16xi32>
      %add3A_876 = arith.addi %sub3A_873, %add3A_875 : vector<16xi32>
      tpu.vector_store_idx %arg8[%get3A_864], %add3A_876 masked %unique3A_867 : memref<64xi32, #tpu.memory_space<vmem>>[vector<16xi32>], vector<16xi32>, vector<16xi1>
      %lt3A_877 = arith.constant 160 : i32
      %lt3A_878 = vector.broadcast %lt3A_877 : i32 to vector<16xi32>
      %lt3A_879 = arith.cmpi slt, %sub3A_873, %lt3A_878 : vector<16xi32>
      %jit3A_880 = arith.constant 1 : i32
      %jit3A_881 = arith.constant 0 : i32
      %broadcast_in_dim3A_882 = vector.broadcast %jit3A_880 : i32 to vector<16xi32>
      %broadcast_in_dim3A_883 = vector.broadcast %jit3A_881 : i32 to vector<16xi32>
      %select_n3A_884 = arith.select %lt3A_879, %broadcast_in_dim3A_882, %broadcast_in_dim3A_883 : vector<16xi1>, vector<16xi32>
      %swap3A_885 = arith.constant 576 : index
      %swap3A_886 = tpu.vector_load %arg7[%swap3A_885] {strides = array<i32>} : memref<1024xi32, #tpu.memory_space<vmem>>, vector<16xi32>,
      tpu.vector_store %arg7[%swap3A_885], %select_n3A_884 {strides = array<i32>} : memref<1024xi32, #tpu.memory_space<vmem>>, vector<16xi32>,
      %get3A_887 = arith.constant 592 : index
      %get3A_888 = tpu.vector_load %arg6[%get3A_887] {strides = array<i32>} : memref<1024xi32, #tpu.memory_space<vmem>>, vector<16xi32>,
      %broadcast_in_dim3A_889 = arith.constant true
      %broadcast_in_dim3A_890 = vector.broadcast %broadcast_in_dim3A_889 : i1 to vector<16xi1>
      %unique3A_891, %unique3A_892 = tpu.scan_count mask(%broadcast_in_dim3A_890 : vector<16xi1>) value(%get3A_888 : vector<16xi32>) : vector<16xi1>, vector<16xi32>
      %gather3A_893 = tpu.vector_load_idx %arg8[%get3A_888] : memref<64xi32, #tpu.memory_space<vmem>>[vector<16xi32>], vector<16xi32>,
      %add3A_894 = arith.addi %gather3A_893, %unique3A_892 : vector<16xi32>
      %sub3A_895 = arith.constant 1 : i32
      %sub3A_896 = vector.broadcast %sub3A_895 : i32 to vector<16xi32>
      %sub3A_897 = arith.subi %add3A_894, %sub3A_896 : vector<16xi32>
      %add3A_898 = arith.constant 1 : i32
      %add3A_899 = vector.broadcast %add3A_898 : i32 to vector<16xi32>
      %add3A_900 = arith.addi %sub3A_897, %add3A_899 : vector<16xi32>
      tpu.vector_store_idx %arg8[%get3A_888], %add3A_900 masked %unique3A_891 : memref<64xi32, #tpu.memory_space<vmem>>[vector<16xi32>], vector<16xi32>, vector<16xi1>
      %lt3A_901 = arith.constant 160 : i32
      %lt3A_902 = vector.broadcast %lt3A_901 : i32 to vector<16xi32>
      %lt3A_903 = arith.cmpi slt, %sub3A_897, %lt3A_902 : vector<16xi32>
      %jit3A_904 = arith.constant 1 : i32
      %jit3A_905 = arith.constant 0 : i32
      %broadcast_in_dim3A_906 = vector.broadcast %jit3A_904 : i32 to vector<16xi32>
      %broadcast_in_dim3A_907 = vector.broadcast %jit3A_905 : i32 to vector<16xi32>
      %select_n3A_908 = arith.select %lt3A_903, %broadcast_in_dim3A_906, %broadcast_in_dim3A_907 : vector<16xi1>, vector<16xi32>
      %swap3A_909 = arith.constant 592 : index
      %swap3A_910 = tpu.vector_load %arg7[%swap3A_909] {strides = array<i32>} : memref<1024xi32, #tpu.memory_space<vmem>>, vector<16xi32>,
      tpu.vector_store %arg7[%swap3A_909], %select_n3A_908 {strides = array<i32>} : memref<1024xi32, #tpu.memory_space<vmem>>, vector<16xi32>,
      %get3A_911 = arith.constant 608 : index
      %get3A_912 = tpu.vector_load %arg6[%get3A_911] {strides = array<i32>} : memref<1024xi32, #tpu.memory_space<vmem>>, vector<16xi32>,
      %broadcast_in_dim3A_913 = arith.constant true
      %broadcast_in_dim3A_914 = vector.broadcast %broadcast_in_dim3A_913 : i1 to vector<16xi1>
      %unique3A_915, %unique3A_916 = tpu.scan_count mask(%broadcast_in_dim3A_914 : vector<16xi1>) value(%get3A_912 : vector<16xi32>) : vector<16xi1>, vector<16xi32>
      %gather3A_917 = tpu.vector_load_idx %arg8[%get3A_912] : memref<64xi32, #tpu.memory_space<vmem>>[vector<16xi32>], vector<16xi32>,
      %add3A_918 = arith.addi %gather3A_917, %unique3A_916 : vector<16xi32>
      %sub3A_919 = arith.constant 1 : i32
      %sub3A_920 = vector.broadcast %sub3A_919 : i32 to vector<16xi32>
      %sub3A_921 = arith.subi %add3A_918, %sub3A_920 : vector<16xi32>
      %add3A_922 = arith.constant 1 : i32
      %add3A_923 = vector.broadcast %add3A_922 : i32 to vector<16xi32>
      %add3A_924 = arith.addi %sub3A_921, %add3A_923 : vector<16xi32>
      tpu.vector_store_idx %arg8[%get3A_912], %add3A_924 masked %unique3A_915 : memref<64xi32, #tpu.memory_space<vmem>>[vector<16xi32>], vector<16xi32>, vector<16xi1>
      %lt3A_925 = arith.constant 160 : i32
      %lt3A_926 = vector.broadcast %lt3A_925 : i32 to vector<16xi32>
      %lt3A_927 = arith.cmpi slt, %sub3A_921, %lt3A_926 : vector<16xi32>
      %jit3A_928 = arith.constant 1 : i32
      %jit3A_929 = arith.constant 0 : i32
      %broadcast_in_dim3A_930 = vector.broadcast %jit3A_928 : i32 to vector<16xi32>
      %broadcast_in_dim3A_931 = vector.broadcast %jit3A_929 : i32 to vector<16xi32>
      %select_n3A_932 = arith.select %lt3A_927, %broadcast_in_dim3A_930, %broadcast_in_dim3A_931 : vector<16xi1>, vector<16xi32>
      %swap3A_933 = arith.constant 608 : index
      %swap3A_934 = tpu.vector_load %arg7[%swap3A_933] {strides = array<i32>} : memref<1024xi32, #tpu.memory_space<vmem>>, vector<16xi32>,
      tpu.vector_store %arg7[%swap3A_933], %select_n3A_932 {strides = array<i32>} : memref<1024xi32, #tpu.memory_space<vmem>>, vector<16xi32>,
      %get3A_935 = arith.constant 624 : index
      %get3A_936 = tpu.vector_load %arg6[%get3A_935] {strides = array<i32>} : memref<1024xi32, #tpu.memory_space<vmem>>, vector<16xi32>,
      %broadcast_in_dim3A_937 = arith.constant true
      %broadcast_in_dim3A_938 = vector.broadcast %broadcast_in_dim3A_937 : i1 to vector<16xi1>
      %unique3A_939, %unique3A_940 = tpu.scan_count mask(%broadcast_in_dim3A_938 : vector<16xi1>) value(%get3A_936 : vector<16xi32>) : vector<16xi1>, vector<16xi32>
      %gather3A_941 = tpu.vector_load_idx %arg8[%get3A_936] : memref<64xi32, #tpu.memory_space<vmem>>[vector<16xi32>], vector<16xi32>,
      %add3A_942 = arith.addi %gather3A_941, %unique3A_940 : vector<16xi32>
      %sub3A_943 = arith.constant 1 : i32
      %sub3A_944 = vector.broadcast %sub3A_943 : i32 to vector<16xi32>
      %sub3A_945 = arith.subi %add3A_942, %sub3A_944 : vector<16xi32>
      %add3A_946 = arith.constant 1 : i32
      %add3A_947 = vector.broadcast %add3A_946 : i32 to vector<16xi32>
      %add3A_948 = arith.addi %sub3A_945, %add3A_947 : vector<16xi32>
      tpu.vector_store_idx %arg8[%get3A_936], %add3A_948 masked %unique3A_939 : memref<64xi32, #tpu.memory_space<vmem>>[vector<16xi32>], vector<16xi32>, vector<16xi1>
      %lt3A_949 = arith.constant 160 : i32
      %lt3A_950 = vector.broadcast %lt3A_949 : i32 to vector<16xi32>
      %lt3A_951 = arith.cmpi slt, %sub3A_945, %lt3A_950 : vector<16xi32>
      %jit3A_952 = arith.constant 1 : i32
      %jit3A_953 = arith.constant 0 : i32
      %broadcast_in_dim3A_954 = vector.broadcast %jit3A_952 : i32 to vector<16xi32>
      %broadcast_in_dim3A_955 = vector.broadcast %jit3A_953 : i32 to vector<16xi32>
      %select_n3A_956 = arith.select %lt3A_951, %broadcast_in_dim3A_954, %broadcast_in_dim3A_955 : vector<16xi1>, vector<16xi32>
      %swap3A_957 = arith.constant 624 : index
      %swap3A_958 = tpu.vector_load %arg7[%swap3A_957] {strides = array<i32>} : memref<1024xi32, #tpu.memory_space<vmem>>, vector<16xi32>,
      tpu.vector_store %arg7[%swap3A_957], %select_n3A_956 {strides = array<i32>} : memref<1024xi32, #tpu.memory_space<vmem>>, vector<16xi32>,
      %get3A_959 = arith.constant 640 : index
      %get3A_960 = tpu.vector_load %arg6[%get3A_959] {strides = array<i32>} : memref<1024xi32, #tpu.memory_space<vmem>>, vector<16xi32>,
      %broadcast_in_dim3A_961 = arith.constant true
      %broadcast_in_dim3A_962 = vector.broadcast %broadcast_in_dim3A_961 : i1 to vector<16xi1>
      %unique3A_963, %unique3A_964 = tpu.scan_count mask(%broadcast_in_dim3A_962 : vector<16xi1>) value(%get3A_960 : vector<16xi32>) : vector<16xi1>, vector<16xi32>
      %gather3A_965 = tpu.vector_load_idx %arg8[%get3A_960] : memref<64xi32, #tpu.memory_space<vmem>>[vector<16xi32>], vector<16xi32>,
      %add3A_966 = arith.addi %gather3A_965, %unique3A_964 : vector<16xi32>
      %sub3A_967 = arith.constant 1 : i32
      %sub3A_968 = vector.broadcast %sub3A_967 : i32 to vector<16xi32>
      %sub3A_969 = arith.subi %add3A_966, %sub3A_968 : vector<16xi32>
      %add3A_970 = arith.constant 1 : i32
      %add3A_971 = vector.broadcast %add3A_970 : i32 to vector<16xi32>
      %add3A_972 = arith.addi %sub3A_969, %add3A_971 : vector<16xi32>
      tpu.vector_store_idx %arg8[%get3A_960], %add3A_972 masked %unique3A_963 : memref<64xi32, #tpu.memory_space<vmem>>[vector<16xi32>], vector<16xi32>, vector<16xi1>
      %lt3A_973 = arith.constant 160 : i32
      %lt3A_974 = vector.broadcast %lt3A_973 : i32 to vector<16xi32>
      %lt3A_975 = arith.cmpi slt, %sub3A_969, %lt3A_974 : vector<16xi32>
      %jit3A_976 = arith.constant 1 : i32
      %jit3A_977 = arith.constant 0 : i32
      %broadcast_in_dim3A_978 = vector.broadcast %jit3A_976 : i32 to vector<16xi32>
      %broadcast_in_dim3A_979 = vector.broadcast %jit3A_977 : i32 to vector<16xi32>
      %select_n3A_980 = arith.select %lt3A_975, %broadcast_in_dim3A_978, %broadcast_in_dim3A_979 : vector<16xi1>, vector<16xi32>
      %swap3A_981 = arith.constant 640 : index
      %swap3A_982 = tpu.vector_load %arg7[%swap3A_981] {strides = array<i32>} : memref<1024xi32, #tpu.memory_space<vmem>>, vector<16xi32>,
      tpu.vector_store %arg7[%swap3A_981], %select_n3A_980 {strides = array<i32>} : memref<1024xi32, #tpu.memory_space<vmem>>, vector<16xi32>,
      %get3A_983 = arith.constant 656 : index
      %get3A_984 = tpu.vector_load %arg6[%get3A_983] {strides = array<i32>} : memref<1024xi32, #tpu.memory_space<vmem>>, vector<16xi32>,
      %broadcast_in_dim3A_985 = arith.constant true
      %broadcast_in_dim3A_986 = vector.broadcast %broadcast_in_dim3A_985 : i1 to vector<16xi1>
      %unique3A_987, %unique3A_988 = tpu.scan_count mask(%broadcast_in_dim3A_986 : vector<16xi1>) value(%get3A_984 : vector<16xi32>) : vector<16xi1>, vector<16xi32>
      %gather3A_989 = tpu.vector_load_idx %arg8[%get3A_984] : memref<64xi32, #tpu.memory_space<vmem>>[vector<16xi32>], vector<16xi32>,
      %add3A_990 = arith.addi %gather3A_989, %unique3A_988 : vector<16xi32>
      %sub3A_991 = arith.constant 1 : i32
      %sub3A_992 = vector.broadcast %sub3A_991 : i32 to vector<16xi32>
      %sub3A_993 = arith.subi %add3A_990, %sub3A_992 : vector<16xi32>
      %add3A_994 = arith.constant 1 : i32
      %add3A_995 = vector.broadcast %add3A_994 : i32 to vector<16xi32>
      %add3A_996 = arith.addi %sub3A_993, %add3A_995 : vector<16xi32>
      tpu.vector_store_idx %arg8[%get3A_984], %add3A_996 masked %unique3A_987 : memref<64xi32, #tpu.memory_space<vmem>>[vector<16xi32>], vector<16xi32>, vector<16xi1>
      %lt3A_997 = arith.constant 160 : i32
      %lt3A_998 = vector.broadcast %lt3A_997 : i32 to vector<16xi32>
      %lt3A_999 = arith.cmpi slt, %sub3A_993, %lt3A_998 : vector<16xi32>
      %jit3A_1000 = arith.constant 1 : i32
      %jit3A_1001 = arith.constant 0 : i32
      %broadcast_in_dim3A_1002 = vector.broadcast %jit3A_1000 : i32 to vector<16xi32>
      %broadcast_in_dim3A_1003 = vector.broadcast %jit3A_1001 : i32 to vector<16xi32>
      %select_n3A_1004 = arith.select %lt3A_999, %broadcast_in_dim3A_1002, %broadcast_in_dim3A_1003 : vector<16xi1>, vector<16xi32>
      %swap3A_1005 = arith.constant 656 : index
      %swap3A_1006 = tpu.vector_load %arg7[%swap3A_1005] {strides = array<i32>} : memref<1024xi32, #tpu.memory_space<vmem>>, vector<16xi32>,
      tpu.vector_store %arg7[%swap3A_1005], %select_n3A_1004 {strides = array<i32>} : memref<1024xi32, #tpu.memory_space<vmem>>, vector<16xi32>,
      %get3A_1007 = arith.constant 672 : index
      %get3A_1008 = tpu.vector_load %arg6[%get3A_1007] {strides = array<i32>} : memref<1024xi32, #tpu.memory_space<vmem>>, vector<16xi32>,
      %broadcast_in_dim3A_1009 = arith.constant true
      %broadcast_in_dim3A_1010 = vector.broadcast %broadcast_in_dim3A_1009 : i1 to vector<16xi1>
      %unique3A_1011, %unique3A_1012 = tpu.scan_count mask(%broadcast_in_dim3A_1010 : vector<16xi1>) value(%get3A_1008 : vector<16xi32>) : vector<16xi1>, vector<16xi32>
      %gather3A_1013 = tpu.vector_load_idx %arg8[%get3A_1008] : memref<64xi32, #tpu.memory_space<vmem>>[vector<16xi32>], vector<16xi32>,
      %add3A_1014 = arith.addi %gather3A_1013, %unique3A_1012 : vector<16xi32>
      %sub3A_1015 = arith.constant 1 : i32
      %sub3A_1016 = vector.broadcast %sub3A_1015 : i32 to vector<16xi32>
      %sub3A_1017 = arith.subi %add3A_1014, %sub3A_1016 : vector<16xi32>
      %add3A_1018 = arith.constant 1 : i32
      %add3A_1019 = vector.broadcast %add3A_1018 : i32 to vector<16xi32>
      %add3A_1020 = arith.addi %sub3A_1017, %add3A_1019 : vector<16xi32>
      tpu.vector_store_idx %arg8[%get3A_1008], %add3A_1020 masked %unique3A_1011 : memref<64xi32, #tpu.memory_space<vmem>>[vector<16xi32>], vector<16xi32>, vector<16xi1>
      %lt3A_1021 = arith.constant 160 : i32
      %lt3A_1022 = vector.broadcast %lt3A_1021 : i32 to vector<16xi32>
      %lt3A_1023 = arith.cmpi slt, %sub3A_1017, %lt3A_1022 : vector<16xi32>
      %jit3A_1024 = arith.constant 1 : i32
      %jit3A_1025 = arith.constant 0 : i32
      %broadcast_in_dim3A_1026 = vector.broadcast %jit3A_1024 : i32 to vector<16xi32>
      %broadcast_in_dim3A_1027 = vector.broadcast %jit3A_1025 : i32 to vector<16xi32>
      %select_n3A_1028 = arith.select %lt3A_1023, %broadcast_in_dim3A_1026, %broadcast_in_dim3A_1027 : vector<16xi1>, vector<16xi32>
      %swap3A_1029 = arith.constant 672 : index
      %swap3A_1030 = tpu.vector_load %arg7[%swap3A_1029] {strides = array<i32>} : memref<1024xi32, #tpu.memory_space<vmem>>, vector<16xi32>,
      tpu.vector_store %arg7[%swap3A_1029], %select_n3A_1028 {strides = array<i32>} : memref<1024xi32, #tpu.memory_space<vmem>>, vector<16xi32>,
      %get3A_1031 = arith.constant 688 : index
      %get3A_1032 = tpu.vector_load %arg6[%get3A_1031] {strides = array<i32>} : memref<1024xi32, #tpu.memory_space<vmem>>, vector<16xi32>,
      %broadcast_in_dim3A_1033 = arith.constant true
      %broadcast_in_dim3A_1034 = vector.broadcast %broadcast_in_dim3A_1033 : i1 to vector<16xi1>
      %unique3A_1035, %unique3A_1036 = tpu.scan_count mask(%broadcast_in_dim3A_1034 : vector<16xi1>) value(%get3A_1032 : vector<16xi32>) : vector<16xi1>, vector<16xi32>
      %gather3A_1037 = tpu.vector_load_idx %arg8[%get3A_1032] : memref<64xi32, #tpu.memory_space<vmem>>[vector<16xi32>], vector<16xi32>,
      %add3A_1038 = arith.addi %gather3A_1037, %unique3A_1036 : vector<16xi32>
      %sub3A_1039 = arith.constant 1 : i32
      %sub3A_1040 = vector.broadcast %sub3A_1039 : i32 to vector<16xi32>
      %sub3A_1041 = arith.subi %add3A_1038, %sub3A_1040 : vector<16xi32>
      %add3A_1042 = arith.constant 1 : i32
      %add3A_1043 = vector.broadcast %add3A_1042 : i32 to vector<16xi32>
      %add3A_1044 = arith.addi %sub3A_1041, %add3A_1043 : vector<16xi32>
      tpu.vector_store_idx %arg8[%get3A_1032], %add3A_1044 masked %unique3A_1035 : memref<64xi32, #tpu.memory_space<vmem>>[vector<16xi32>], vector<16xi32>, vector<16xi1>
      %lt3A_1045 = arith.constant 160 : i32
      %lt3A_1046 = vector.broadcast %lt3A_1045 : i32 to vector<16xi32>
      %lt3A_1047 = arith.cmpi slt, %sub3A_1041, %lt3A_1046 : vector<16xi32>
      %jit3A_1048 = arith.constant 1 : i32
      %jit3A_1049 = arith.constant 0 : i32
      %broadcast_in_dim3A_1050 = vector.broadcast %jit3A_1048 : i32 to vector<16xi32>
      %broadcast_in_dim3A_1051 = vector.broadcast %jit3A_1049 : i32 to vector<16xi32>
      %select_n3A_1052 = arith.select %lt3A_1047, %broadcast_in_dim3A_1050, %broadcast_in_dim3A_1051 : vector<16xi1>, vector<16xi32>
      %swap3A_1053 = arith.constant 688 : index
      %swap3A_1054 = tpu.vector_load %arg7[%swap3A_1053] {strides = array<i32>} : memref<1024xi32, #tpu.memory_space<vmem>>, vector<16xi32>,
      tpu.vector_store %arg7[%swap3A_1053], %select_n3A_1052 {strides = array<i32>} : memref<1024xi32, #tpu.memory_space<vmem>>, vector<16xi32>,
      %get3A_1055 = arith.constant 704 : index
      %get3A_1056 = tpu.vector_load %arg6[%get3A_1055] {strides = array<i32>} : memref<1024xi32, #tpu.memory_space<vmem>>, vector<16xi32>,
      %broadcast_in_dim3A_1057 = arith.constant true
      %broadcast_in_dim3A_1058 = vector.broadcast %broadcast_in_dim3A_1057 : i1 to vector<16xi1>
      %unique3A_1059, %unique3A_1060 = tpu.scan_count mask(%broadcast_in_dim3A_1058 : vector<16xi1>) value(%get3A_1056 : vector<16xi32>) : vector<16xi1>, vector<16xi32>
      %gather3A_1061 = tpu.vector_load_idx %arg8[%get3A_1056] : memref<64xi32, #tpu.memory_space<vmem>>[vector<16xi32>], vector<16xi32>,
      %add3A_1062 = arith.addi %gather3A_1061, %unique3A_1060 : vector<16xi32>
      %sub3A_1063 = arith.constant 1 : i32
      %sub3A_1064 = vector.broadcast %sub3A_1063 : i32 to vector<16xi32>
      %sub3A_1065 = arith.subi %add3A_1062, %sub3A_1064 : vector<16xi32>
      %add3A_1066 = arith.constant 1 : i32
      %add3A_1067 = vector.broadcast %add3A_1066 : i32 to vector<16xi32>
      %add3A_1068 = arith.addi %sub3A_1065, %add3A_1067 : vector<16xi32>
      tpu.vector_store_idx %arg8[%get3A_1056], %add3A_1068 masked %unique3A_1059 : memref<64xi32, #tpu.memory_space<vmem>>[vector<16xi32>], vector<16xi32>, vector<16xi1>
      %lt3A_1069 = arith.constant 160 : i32
      %lt3A_1070 = vector.broadcast %lt3A_1069 : i32 to vector<16xi32>
      %lt3A_1071 = arith.cmpi slt, %sub3A_1065, %lt3A_1070 : vector<16xi32>
      %jit3A_1072 = arith.constant 1 : i32
      %jit3A_1073 = arith.constant 0 : i32
      %broadcast_in_dim3A_1074 = vector.broadcast %jit3A_1072 : i32 to vector<16xi32>
      %broadcast_in_dim3A_1075 = vector.broadcast %jit3A_1073 : i32 to vector<16xi32>
      %select_n3A_1076 = arith.select %lt3A_1071, %broadcast_in_dim3A_1074, %broadcast_in_dim3A_1075 : vector<16xi1>, vector<16xi32>
      %swap3A_1077 = arith.constant 704 : index
      %swap3A_1078 = tpu.vector_load %arg7[%swap3A_1077] {strides = array<i32>} : memref<1024xi32, #tpu.memory_space<vmem>>, vector<16xi32>,
      tpu.vector_store %arg7[%swap3A_1077], %select_n3A_1076 {strides = array<i32>} : memref<1024xi32, #tpu.memory_space<vmem>>, vector<16xi32>,
      %get3A_1079 = arith.constant 720 : index
      %get3A_1080 = tpu.vector_load %arg6[%get3A_1079] {strides = array<i32>} : memref<1024xi32, #tpu.memory_space<vmem>>, vector<16xi32>,
      %broadcast_in_dim3A_1081 = arith.constant true
      %broadcast_in_dim3A_1082 = vector.broadcast %broadcast_in_dim3A_1081 : i1 to vector<16xi1>
      %unique3A_1083, %unique3A_1084 = tpu.scan_count mask(%broadcast_in_dim3A_1082 : vector<16xi1>) value(%get3A_1080 : vector<16xi32>) : vector<16xi1>, vector<16xi32>
      %gather3A_1085 = tpu.vector_load_idx %arg8[%get3A_1080] : memref<64xi32, #tpu.memory_space<vmem>>[vector<16xi32>], vector<16xi32>,
      %add3A_1086 = arith.addi %gather3A_1085, %unique3A_1084 : vector<16xi32>
      %sub3A_1087 = arith.constant 1 : i32
      %sub3A_1088 = vector.broadcast %sub3A_1087 : i32 to vector<16xi32>
      %sub3A_1089 = arith.subi %add3A_1086, %sub3A_1088 : vector<16xi32>
      %add3A_1090 = arith.constant 1 : i32
      %add3A_1091 = vector.broadcast %add3A_1090 : i32 to vector<16xi32>
      %add3A_1092 = arith.addi %sub3A_1089, %add3A_1091 : vector<16xi32>
      tpu.vector_store_idx %arg8[%get3A_1080], %add3A_1092 masked %unique3A_1083 : memref<64xi32, #tpu.memory_space<vmem>>[vector<16xi32>], vector<16xi32>, vector<16xi1>
      %lt3A_1093 = arith.constant 160 : i32
      %lt3A_1094 = vector.broadcast %lt3A_1093 : i32 to vector<16xi32>
      %lt3A_1095 = arith.cmpi slt, %sub3A_1089, %lt3A_1094 : vector<16xi32>
      %jit3A_1096 = arith.constant 1 : i32
      %jit3A_1097 = arith.constant 0 : i32
      %broadcast_in_dim3A_1098 = vector.broadcast %jit3A_1096 : i32 to vector<16xi32>
      %broadcast_in_dim3A_1099 = vector.broadcast %jit3A_1097 : i32 to vector<16xi32>
      %select_n3A_1100 = arith.select %lt3A_1095, %broadcast_in_dim3A_1098, %broadcast_in_dim3A_1099 : vector<16xi1>, vector<16xi32>
      %swap3A_1101 = arith.constant 720 : index
      %swap3A_1102 = tpu.vector_load %arg7[%swap3A_1101] {strides = array<i32>} : memref<1024xi32, #tpu.memory_space<vmem>>, vector<16xi32>,
      tpu.vector_store %arg7[%swap3A_1101], %select_n3A_1100 {strides = array<i32>} : memref<1024xi32, #tpu.memory_space<vmem>>, vector<16xi32>,
      %get3A_1103 = arith.constant 736 : index
      %get3A_1104 = tpu.vector_load %arg6[%get3A_1103] {strides = array<i32>} : memref<1024xi32, #tpu.memory_space<vmem>>, vector<16xi32>,
      %broadcast_in_dim3A_1105 = arith.constant true
      %broadcast_in_dim3A_1106 = vector.broadcast %broadcast_in_dim3A_1105 : i1 to vector<16xi1>
      %unique3A_1107, %unique3A_1108 = tpu.scan_count mask(%broadcast_in_dim3A_1106 : vector<16xi1>) value(%get3A_1104 : vector<16xi32>) : vector<16xi1>, vector<16xi32>
      %gather3A_1109 = tpu.vector_load_idx %arg8[%get3A_1104] : memref<64xi32, #tpu.memory_space<vmem>>[vector<16xi32>], vector<16xi32>,
      %add3A_1110 = arith.addi %gather3A_1109, %unique3A_1108 : vector<16xi32>
      %sub3A_1111 = arith.constant 1 : i32
      %sub3A_1112 = vector.broadcast %sub3A_1111 : i32 to vector<16xi32>
      %sub3A_1113 = arith.subi %add3A_1110, %sub3A_1112 : vector<16xi32>
      %add3A_1114 = arith.constant 1 : i32
      %add3A_1115 = vector.broadcast %add3A_1114 : i32 to vector<16xi32>
      %add3A_1116 = arith.addi %sub3A_1113, %add3A_1115 : vector<16xi32>
      tpu.vector_store_idx %arg8[%get3A_1104], %add3A_1116 masked %unique3A_1107 : memref<64xi32, #tpu.memory_space<vmem>>[vector<16xi32>], vector<16xi32>, vector<16xi1>
      %lt3A_1117 = arith.constant 160 : i32
      %lt3A_1118 = vector.broadcast %lt3A_1117 : i32 to vector<16xi32>
      %lt3A_1119 = arith.cmpi slt, %sub3A_1113, %lt3A_1118 : vector<16xi32>
      %jit3A_1120 = arith.constant 1 : i32
      %jit3A_1121 = arith.constant 0 : i32
      %broadcast_in_dim3A_1122 = vector.broadcast %jit3A_1120 : i32 to vector<16xi32>
      %broadcast_in_dim3A_1123 = vector.broadcast %jit3A_1121 : i32 to vector<16xi32>
      %select_n3A_1124 = arith.select %lt3A_1119, %broadcast_in_dim3A_1122, %broadcast_in_dim3A_1123 : vector<16xi1>, vector<16xi32>
      %swap3A_1125 = arith.constant 736 : index
      %swap3A_1126 = tpu.vector_load %arg7[%swap3A_1125] {strides = array<i32>} : memref<1024xi32, #tpu.memory_space<vmem>>, vector<16xi32>,
      tpu.vector_store %arg7[%swap3A_1125], %select_n3A_1124 {strides = array<i32>} : memref<1024xi32, #tpu.memory_space<vmem>>, vector<16xi32>,
      %get3A_1127 = arith.constant 752 : index
      %get3A_1128 = tpu.vector_load %arg6[%get3A_1127] {strides = array<i32>} : memref<1024xi32, #tpu.memory_space<vmem>>, vector<16xi32>,
      %broadcast_in_dim3A_1129 = arith.constant true
      %broadcast_in_dim3A_1130 = vector.broadcast %broadcast_in_dim3A_1129 : i1 to vector<16xi1>
      %unique3A_1131, %unique3A_1132 = tpu.scan_count mask(%broadcast_in_dim3A_1130 : vector<16xi1>) value(%get3A_1128 : vector<16xi32>) : vector<16xi1>, vector<16xi32>
      %gather3A_1133 = tpu.vector_load_idx %arg8[%get3A_1128] : memref<64xi32, #tpu.memory_space<vmem>>[vector<16xi32>], vector<16xi32>,
      %add3A_1134 = arith.addi %gather3A_1133, %unique3A_1132 : vector<16xi32>
      %sub3A_1135 = arith.constant 1 : i32
      %sub3A_1136 = vector.broadcast %sub3A_1135 : i32 to vector<16xi32>
      %sub3A_1137 = arith.subi %add3A_1134, %sub3A_1136 : vector<16xi32>
      %add3A_1138 = arith.constant 1 : i32
      %add3A_1139 = vector.broadcast %add3A_1138 : i32 to vector<16xi32>
      %add3A_1140 = arith.addi %sub3A_1137, %add3A_1139 : vector<16xi32>
      tpu.vector_store_idx %arg8[%get3A_1128], %add3A_1140 masked %unique3A_1131 : memref<64xi32, #tpu.memory_space<vmem>>[vector<16xi32>], vector<16xi32>, vector<16xi1>
      %lt3A_1141 = arith.constant 160 : i32
      %lt3A_1142 = vector.broadcast %lt3A_1141 : i32 to vector<16xi32>
      %lt3A_1143 = arith.cmpi slt, %sub3A_1137, %lt3A_1142 : vector<16xi32>
      %jit3A_1144 = arith.constant 1 : i32
      %jit3A_1145 = arith.constant 0 : i32
      %broadcast_in_dim3A_1146 = vector.broadcast %jit3A_1144 : i32 to vector<16xi32>
      %broadcast_in_dim3A_1147 = vector.broadcast %jit3A_1145 : i32 to vector<16xi32>
      %select_n3A_1148 = arith.select %lt3A_1143, %broadcast_in_dim3A_1146, %broadcast_in_dim3A_1147 : vector<16xi1>, vector<16xi32>
      %swap3A_1149 = arith.constant 752 : index
      %swap3A_1150 = tpu.vector_load %arg7[%swap3A_1149] {strides = array<i32>} : memref<1024xi32, #tpu.memory_space<vmem>>, vector<16xi32>,
      tpu.vector_store %arg7[%swap3A_1149], %select_n3A_1148 {strides = array<i32>} : memref<1024xi32, #tpu.memory_space<vmem>>, vector<16xi32>,
      %get3A_1151 = arith.constant 768 : index
      %get3A_1152 = tpu.vector_load %arg6[%get3A_1151] {strides = array<i32>} : memref<1024xi32, #tpu.memory_space<vmem>>, vector<16xi32>,
      %broadcast_in_dim3A_1153 = arith.constant true
      %broadcast_in_dim3A_1154 = vector.broadcast %broadcast_in_dim3A_1153 : i1 to vector<16xi1>
      %unique3A_1155, %unique3A_1156 = tpu.scan_count mask(%broadcast_in_dim3A_1154 : vector<16xi1>) value(%get3A_1152 : vector<16xi32>) : vector<16xi1>, vector<16xi32>
      %gather3A_1157 = tpu.vector_load_idx %arg8[%get3A_1152] : memref<64xi32, #tpu.memory_space<vmem>>[vector<16xi32>], vector<16xi32>,
      %add3A_1158 = arith.addi %gather3A_1157, %unique3A_1156 : vector<16xi32>
      %sub3A_1159 = arith.constant 1 : i32
      %sub3A_1160 = vector.broadcast %sub3A_1159 : i32 to vector<16xi32>
      %sub3A_1161 = arith.subi %add3A_1158, %sub3A_1160 : vector<16xi32>
      %add3A_1162 = arith.constant 1 : i32
      %add3A_1163 = vector.broadcast %add3A_1162 : i32 to vector<16xi32>
      %add3A_1164 = arith.addi %sub3A_1161, %add3A_1163 : vector<16xi32>
      tpu.vector_store_idx %arg8[%get3A_1152], %add3A_1164 masked %unique3A_1155 : memref<64xi32, #tpu.memory_space<vmem>>[vector<16xi32>], vector<16xi32>, vector<16xi1>
      %lt3A_1165 = arith.constant 160 : i32
      %lt3A_1166 = vector.broadcast %lt3A_1165 : i32 to vector<16xi32>
      %lt3A_1167 = arith.cmpi slt, %sub3A_1161, %lt3A_1166 : vector<16xi32>
      %jit3A_1168 = arith.constant 1 : i32
      %jit3A_1169 = arith.constant 0 : i32
      %broadcast_in_dim3A_1170 = vector.broadcast %jit3A_1168 : i32 to vector<16xi32>
      %broadcast_in_dim3A_1171 = vector.broadcast %jit3A_1169 : i32 to vector<16xi32>
      %select_n3A_1172 = arith.select %lt3A_1167, %broadcast_in_dim3A_1170, %broadcast_in_dim3A_1171 : vector<16xi1>, vector<16xi32>
      %swap3A_1173 = arith.constant 768 : index
      %swap3A_1174 = tpu.vector_load %arg7[%swap3A_1173] {strides = array<i32>} : memref<1024xi32, #tpu.memory_space<vmem>>, vector<16xi32>,
      tpu.vector_store %arg7[%swap3A_1173], %select_n3A_1172 {strides = array<i32>} : memref<1024xi32, #tpu.memory_space<vmem>>, vector<16xi32>,
      %get3A_1175 = arith.constant 784 : index
      %get3A_1176 = tpu.vector_load %arg6[%get3A_1175] {strides = array<i32>} : memref<1024xi32, #tpu.memory_space<vmem>>, vector<16xi32>,
      %broadcast_in_dim3A_1177 = arith.constant true
      %broadcast_in_dim3A_1178 = vector.broadcast %broadcast_in_dim3A_1177 : i1 to vector<16xi1>
      %unique3A_1179, %unique3A_1180 = tpu.scan_count mask(%broadcast_in_dim3A_1178 : vector<16xi1>) value(%get3A_1176 : vector<16xi32>) : vector<16xi1>, vector<16xi32>
      %gather3A_1181 = tpu.vector_load_idx %arg8[%get3A_1176] : memref<64xi32, #tpu.memory_space<vmem>>[vector<16xi32>], vector<16xi32>,
      %add3A_1182 = arith.addi %gather3A_1181, %unique3A_1180 : vector<16xi32>
      %sub3A_1183 = arith.constant 1 : i32
      %sub3A_1184 = vector.broadcast %sub3A_1183 : i32 to vector<16xi32>
      %sub3A_1185 = arith.subi %add3A_1182, %sub3A_1184 : vector<16xi32>
      %add3A_1186 = arith.constant 1 : i32
      %add3A_1187 = vector.broadcast %add3A_1186 : i32 to vector<16xi32>
      %add3A_1188 = arith.addi %sub3A_1185, %add3A_1187 : vector<16xi32>
      tpu.vector_store_idx %arg8[%get3A_1176], %add3A_1188 masked %unique3A_1179 : memref<64xi32, #tpu.memory_space<vmem>>[vector<16xi32>], vector<16xi32>, vector<16xi1>
      %lt3A_1189 = arith.constant 160 : i32
      %lt3A_1190 = vector.broadcast %lt3A_1189 : i32 to vector<16xi32>
      %lt3A_1191 = arith.cmpi slt, %sub3A_1185, %lt3A_1190 : vector<16xi32>
      %jit3A_1192 = arith.constant 1 : i32
      %jit3A_1193 = arith.constant 0 : i32
      %broadcast_in_dim3A_1194 = vector.broadcast %jit3A_1192 : i32 to vector<16xi32>
      %broadcast_in_dim3A_1195 = vector.broadcast %jit3A_1193 : i32 to vector<16xi32>
      %select_n3A_1196 = arith.select %lt3A_1191, %broadcast_in_dim3A_1194, %broadcast_in_dim3A_1195 : vector<16xi1>, vector<16xi32>
      %swap3A_1197 = arith.constant 784 : index
      %swap3A_1198 = tpu.vector_load %arg7[%swap3A_1197] {strides = array<i32>} : memref<1024xi32, #tpu.memory_space<vmem>>, vector<16xi32>,
      tpu.vector_store %arg7[%swap3A_1197], %select_n3A_1196 {strides = array<i32>} : memref<1024xi32, #tpu.memory_space<vmem>>, vector<16xi32>,
      %get3A_1199 = arith.constant 800 : index
      %get3A_1200 = tpu.vector_load %arg6[%get3A_1199] {strides = array<i32>} : memref<1024xi32, #tpu.memory_space<vmem>>, vector<16xi32>,
      %broadcast_in_dim3A_1201 = arith.constant true
      %broadcast_in_dim3A_1202 = vector.broadcast %broadcast_in_dim3A_1201 : i1 to vector<16xi1>
      %unique3A_1203, %unique3A_1204 = tpu.scan_count mask(%broadcast_in_dim3A_1202 : vector<16xi1>) value(%get3A_1200 : vector<16xi32>) : vector<16xi1>, vector<16xi32>
      %gather3A_1205 = tpu.vector_load_idx %arg8[%get3A_1200] : memref<64xi32, #tpu.memory_space<vmem>>[vector<16xi32>], vector<16xi32>,
      %add3A_1206 = arith.addi %gather3A_1205, %unique3A_1204 : vector<16xi32>
      %sub3A_1207 = arith.constant 1 : i32
      %sub3A_1208 = vector.broadcast %sub3A_1207 : i32 to vector<16xi32>
      %sub3A_1209 = arith.subi %add3A_1206, %sub3A_1208 : vector<16xi32>
      %add3A_1210 = arith.constant 1 : i32
      %add3A_1211 = vector.broadcast %add3A_1210 : i32 to vector<16xi32>
      %add3A_1212 = arith.addi %sub3A_1209, %add3A_1211 : vector<16xi32>
      tpu.vector_store_idx %arg8[%get3A_1200], %add3A_1212 masked %unique3A_1203 : memref<64xi32, #tpu.memory_space<vmem>>[vector<16xi32>], vector<16xi32>, vector<16xi1>
      %lt3A_1213 = arith.constant 160 : i32
      %lt3A_1214 = vector.broadcast %lt3A_1213 : i32 to vector<16xi32>
      %lt3A_1215 = arith.cmpi slt, %sub3A_1209, %lt3A_1214 : vector<16xi32>
      %jit3A_1216 = arith.constant 1 : i32
      %jit3A_1217 = arith.constant 0 : i32
      %broadcast_in_dim3A_1218 = vector.broadcast %jit3A_1216 : i32 to vector<16xi32>
      %broadcast_in_dim3A_1219 = vector.broadcast %jit3A_1217 : i32 to vector<16xi32>
      %select_n3A_1220 = arith.select %lt3A_1215, %broadcast_in_dim3A_1218, %broadcast_in_dim3A_1219 : vector<16xi1>, vector<16xi32>
      %swap3A_1221 = arith.constant 800 : index
      %swap3A_1222 = tpu.vector_load %arg7[%swap3A_1221] {strides = array<i32>} : memref<1024xi32, #tpu.memory_space<vmem>>, vector<16xi32>,
      tpu.vector_store %arg7[%swap3A_1221], %select_n3A_1220 {strides = array<i32>} : memref<1024xi32, #tpu.memory_space<vmem>>, vector<16xi32>,
      %get3A_1223 = arith.constant 816 : index
      %get3A_1224 = tpu.vector_load %arg6[%get3A_1223] {strides = array<i32>} : memref<1024xi32, #tpu.memory_space<vmem>>, vector<16xi32>,
      %broadcast_in_dim3A_1225 = arith.constant true
      %broadcast_in_dim3A_1226 = vector.broadcast %broadcast_in_dim3A_1225 : i1 to vector<16xi1>
      %unique3A_1227, %unique3A_1228 = tpu.scan_count mask(%broadcast_in_dim3A_1226 : vector<16xi1>) value(%get3A_1224 : vector<16xi32>) : vector<16xi1>, vector<16xi32>
      %gather3A_1229 = tpu.vector_load_idx %arg8[%get3A_1224] : memref<64xi32, #tpu.memory_space<vmem>>[vector<16xi32>], vector<16xi32>,
      %add3A_1230 = arith.addi %gather3A_1229, %unique3A_1228 : vector<16xi32>
      %sub3A_1231 = arith.constant 1 : i32
      %sub3A_1232 = vector.broadcast %sub3A_1231 : i32 to vector<16xi32>
      %sub3A_1233 = arith.subi %add3A_1230, %sub3A_1232 : vector<16xi32>
      %add3A_1234 = arith.constant 1 : i32
      %add3A_1235 = vector.broadcast %add3A_1234 : i32 to vector<16xi32>
      %add3A_1236 = arith.addi %sub3A_1233, %add3A_1235 : vector<16xi32>
      tpu.vector_store_idx %arg8[%get3A_1224], %add3A_1236 masked %unique3A_1227 : memref<64xi32, #tpu.memory_space<vmem>>[vector<16xi32>], vector<16xi32>, vector<16xi1>
      %lt3A_1237 = arith.constant 160 : i32
      %lt3A_1238 = vector.broadcast %lt3A_1237 : i32 to vector<16xi32>
      %lt3A_1239 = arith.cmpi slt, %sub3A_1233, %lt3A_1238 : vector<16xi32>
      %jit3A_1240 = arith.constant 1 : i32
      %jit3A_1241 = arith.constant 0 : i32
      %broadcast_in_dim3A_1242 = vector.broadcast %jit3A_1240 : i32 to vector<16xi32>
      %broadcast_in_dim3A_1243 = vector.broadcast %jit3A_1241 : i32 to vector<16xi32>
      %select_n3A_1244 = arith.select %lt3A_1239, %broadcast_in_dim3A_1242, %broadcast_in_dim3A_1243 : vector<16xi1>, vector<16xi32>
      %swap3A_1245 = arith.constant 816 : index
      %swap3A_1246 = tpu.vector_load %arg7[%swap3A_1245] {strides = array<i32>} : memref<1024xi32, #tpu.memory_space<vmem>>, vector<16xi32>,
      tpu.vector_store %arg7[%swap3A_1245], %select_n3A_1244 {strides = array<i32>} : memref<1024xi32, #tpu.memory_space<vmem>>, vector<16xi32>,
      %get3A_1247 = arith.constant 832 : index
      %get3A_1248 = tpu.vector_load %arg6[%get3A_1247] {strides = array<i32>} : memref<1024xi32, #tpu.memory_space<vmem>>, vector<16xi32>,
      %broadcast_in_dim3A_1249 = arith.constant true
      %broadcast_in_dim3A_1250 = vector.broadcast %broadcast_in_dim3A_1249 : i1 to vector<16xi1>
      %unique3A_1251, %unique3A_1252 = tpu.scan_count mask(%broadcast_in_dim3A_1250 : vector<16xi1>) value(%get3A_1248 : vector<16xi32>) : vector<16xi1>, vector<16xi32>
      %gather3A_1253 = tpu.vector_load_idx %arg8[%get3A_1248] : memref<64xi32, #tpu.memory_space<vmem>>[vector<16xi32>], vector<16xi32>,
      %add3A_1254 = arith.addi %gather3A_1253, %unique3A_1252 : vector<16xi32>
      %sub3A_1255 = arith.constant 1 : i32
      %sub3A_1256 = vector.broadcast %sub3A_1255 : i32 to vector<16xi32>
      %sub3A_1257 = arith.subi %add3A_1254, %sub3A_1256 : vector<16xi32>
      %add3A_1258 = arith.constant 1 : i32
      %add3A_1259 = vector.broadcast %add3A_1258 : i32 to vector<16xi32>
      %add3A_1260 = arith.addi %sub3A_1257, %add3A_1259 : vector<16xi32>
      tpu.vector_store_idx %arg8[%get3A_1248], %add3A_1260 masked %unique3A_1251 : memref<64xi32, #tpu.memory_space<vmem>>[vector<16xi32>], vector<16xi32>, vector<16xi1>
      %lt3A_1261 = arith.constant 160 : i32
      %lt3A_1262 = vector.broadcast %lt3A_1261 : i32 to vector<16xi32>
      %lt3A_1263 = arith.cmpi slt, %sub3A_1257, %lt3A_1262 : vector<16xi32>
      %jit3A_1264 = arith.constant 1 : i32
      %jit3A_1265 = arith.constant 0 : i32
      %broadcast_in_dim3A_1266 = vector.broadcast %jit3A_1264 : i32 to vector<16xi32>
      %broadcast_in_dim3A_1267 = vector.broadcast %jit3A_1265 : i32 to vector<16xi32>
      %select_n3A_1268 = arith.select %lt3A_1263, %broadcast_in_dim3A_1266, %broadcast_in_dim3A_1267 : vector<16xi1>, vector<16xi32>
      %swap3A_1269 = arith.constant 832 : index
      %swap3A_1270 = tpu.vector_load %arg7[%swap3A_1269] {strides = array<i32>} : memref<1024xi32, #tpu.memory_space<vmem>>, vector<16xi32>,
      tpu.vector_store %arg7[%swap3A_1269], %select_n3A_1268 {strides = array<i32>} : memref<1024xi32, #tpu.memory_space<vmem>>, vector<16xi32>,
      %get3A_1271 = arith.constant 848 : index
      %get3A_1272 = tpu.vector_load %arg6[%get3A_1271] {strides = array<i32>} : memref<1024xi32, #tpu.memory_space<vmem>>, vector<16xi32>,
      %broadcast_in_dim3A_1273 = arith.constant true
      %broadcast_in_dim3A_1274 = vector.broadcast %broadcast_in_dim3A_1273 : i1 to vector<16xi1>
      %unique3A_1275, %unique3A_1276 = tpu.scan_count mask(%broadcast_in_dim3A_1274 : vector<16xi1>) value(%get3A_1272 : vector<16xi32>) : vector<16xi1>, vector<16xi32>
      %gather3A_1277 = tpu.vector_load_idx %arg8[%get3A_1272] : memref<64xi32, #tpu.memory_space<vmem>>[vector<16xi32>], vector<16xi32>,
      %add3A_1278 = arith.addi %gather3A_1277, %unique3A_1276 : vector<16xi32>
      %sub3A_1279 = arith.constant 1 : i32
      %sub3A_1280 = vector.broadcast %sub3A_1279 : i32 to vector<16xi32>
      %sub3A_1281 = arith.subi %add3A_1278, %sub3A_1280 : vector<16xi32>
      %add3A_1282 = arith.constant 1 : i32
      %add3A_1283 = vector.broadcast %add3A_1282 : i32 to vector<16xi32>
      %add3A_1284 = arith.addi %sub3A_1281, %add3A_1283 : vector<16xi32>
      tpu.vector_store_idx %arg8[%get3A_1272], %add3A_1284 masked %unique3A_1275 : memref<64xi32, #tpu.memory_space<vmem>>[vector<16xi32>], vector<16xi32>, vector<16xi1>
      %lt3A_1285 = arith.constant 160 : i32
      %lt3A_1286 = vector.broadcast %lt3A_1285 : i32 to vector<16xi32>
      %lt3A_1287 = arith.cmpi slt, %sub3A_1281, %lt3A_1286 : vector<16xi32>
      %jit3A_1288 = arith.constant 1 : i32
      %jit3A_1289 = arith.constant 0 : i32
      %broadcast_in_dim3A_1290 = vector.broadcast %jit3A_1288 : i32 to vector<16xi32>
      %broadcast_in_dim3A_1291 = vector.broadcast %jit3A_1289 : i32 to vector<16xi32>
      %select_n3A_1292 = arith.select %lt3A_1287, %broadcast_in_dim3A_1290, %broadcast_in_dim3A_1291 : vector<16xi1>, vector<16xi32>
      %swap3A_1293 = arith.constant 848 : index
      %swap3A_1294 = tpu.vector_load %arg7[%swap3A_1293] {strides = array<i32>} : memref<1024xi32, #tpu.memory_space<vmem>>, vector<16xi32>,
      tpu.vector_store %arg7[%swap3A_1293], %select_n3A_1292 {strides = array<i32>} : memref<1024xi32, #tpu.memory_space<vmem>>, vector<16xi32>,
      %get3A_1295 = arith.constant 864 : index
      %get3A_1296 = tpu.vector_load %arg6[%get3A_1295] {strides = array<i32>} : memref<1024xi32, #tpu.memory_space<vmem>>, vector<16xi32>,
      %broadcast_in_dim3A_1297 = arith.constant true
      %broadcast_in_dim3A_1298 = vector.broadcast %broadcast_in_dim3A_1297 : i1 to vector<16xi1>
      %unique3A_1299, %unique3A_1300 = tpu.scan_count mask(%broadcast_in_dim3A_1298 : vector<16xi1>) value(%get3A_1296 : vector<16xi32>) : vector<16xi1>, vector<16xi32>
      %gather3A_1301 = tpu.vector_load_idx %arg8[%get3A_1296] : memref<64xi32, #tpu.memory_space<vmem>>[vector<16xi32>], vector<16xi32>,
      %add3A_1302 = arith.addi %gather3A_1301, %unique3A_1300 : vector<16xi32>
      %sub3A_1303 = arith.constant 1 : i32
      %sub3A_1304 = vector.broadcast %sub3A_1303 : i32 to vector<16xi32>
      %sub3A_1305 = arith.subi %add3A_1302, %sub3A_1304 : vector<16xi32>
      %add3A_1306 = arith.constant 1 : i32
      %add3A_1307 = vector.broadcast %add3A_1306 : i32 to vector<16xi32>
      %add3A_1308 = arith.addi %sub3A_1305, %add3A_1307 : vector<16xi32>
      tpu.vector_store_idx %arg8[%get3A_1296], %add3A_1308 masked %unique3A_1299 : memref<64xi32, #tpu.memory_space<vmem>>[vector<16xi32>], vector<16xi32>, vector<16xi1>
      %lt3A_1309 = arith.constant 160 : i32
      %lt3A_1310 = vector.broadcast %lt3A_1309 : i32 to vector<16xi32>
      %lt3A_1311 = arith.cmpi slt, %sub3A_1305, %lt3A_1310 : vector<16xi32>
      %jit3A_1312 = arith.constant 1 : i32
      %jit3A_1313 = arith.constant 0 : i32
      %broadcast_in_dim3A_1314 = vector.broadcast %jit3A_1312 : i32 to vector<16xi32>
      %broadcast_in_dim3A_1315 = vector.broadcast %jit3A_1313 : i32 to vector<16xi32>
      %select_n3A_1316 = arith.select %lt3A_1311, %broadcast_in_dim3A_1314, %broadcast_in_dim3A_1315 : vector<16xi1>, vector<16xi32>
      %swap3A_1317 = arith.constant 864 : index
      %swap3A_1318 = tpu.vector_load %arg7[%swap3A_1317] {strides = array<i32>} : memref<1024xi32, #tpu.memory_space<vmem>>, vector<16xi32>,
      tpu.vector_store %arg7[%swap3A_1317], %select_n3A_1316 {strides = array<i32>} : memref<1024xi32, #tpu.memory_space<vmem>>, vector<16xi32>,
      %get3A_1319 = arith.constant 880 : index
      %get3A_1320 = tpu.vector_load %arg6[%get3A_1319] {strides = array<i32>} : memref<1024xi32, #tpu.memory_space<vmem>>, vector<16xi32>,
      %broadcast_in_dim3A_1321 = arith.constant true
      %broadcast_in_dim3A_1322 = vector.broadcast %broadcast_in_dim3A_1321 : i1 to vector<16xi1>
      %unique3A_1323, %unique3A_1324 = tpu.scan_count mask(%broadcast_in_dim3A_1322 : vector<16xi1>) value(%get3A_1320 : vector<16xi32>) : vector<16xi1>, vector<16xi32>
      %gather3A_1325 = tpu.vector_load_idx %arg8[%get3A_1320] : memref<64xi32, #tpu.memory_space<vmem>>[vector<16xi32>], vector<16xi32>,
      %add3A_1326 = arith.addi %gather3A_1325, %unique3A_1324 : vector<16xi32>
      %sub3A_1327 = arith.constant 1 : i32
      %sub3A_1328 = vector.broadcast %sub3A_1327 : i32 to vector<16xi32>
      %sub3A_1329 = arith.subi %add3A_1326, %sub3A_1328 : vector<16xi32>
      %add3A_1330 = arith.constant 1 : i32
      %add3A_1331 = vector.broadcast %add3A_1330 : i32 to vector<16xi32>
      %add3A_1332 = arith.addi %sub3A_1329, %add3A_1331 : vector<16xi32>
      tpu.vector_store_idx %arg8[%get3A_1320], %add3A_1332 masked %unique3A_1323 : memref<64xi32, #tpu.memory_space<vmem>>[vector<16xi32>], vector<16xi32>, vector<16xi1>
      %lt3A_1333 = arith.constant 160 : i32
      %lt3A_1334 = vector.broadcast %lt3A_1333 : i32 to vector<16xi32>
      %lt3A_1335 = arith.cmpi slt, %sub3A_1329, %lt3A_1334 : vector<16xi32>
      %jit3A_1336 = arith.constant 1 : i32
      %jit3A_1337 = arith.constant 0 : i32
      %broadcast_in_dim3A_1338 = vector.broadcast %jit3A_1336 : i32 to vector<16xi32>
      %broadcast_in_dim3A_1339 = vector.broadcast %jit3A_1337 : i32 to vector<16xi32>
      %select_n3A_1340 = arith.select %lt3A_1335, %broadcast_in_dim3A_1338, %broadcast_in_dim3A_1339 : vector<16xi1>, vector<16xi32>
      %swap3A_1341 = arith.constant 880 : index
      %swap3A_1342 = tpu.vector_load %arg7[%swap3A_1341] {strides = array<i32>} : memref<1024xi32, #tpu.memory_space<vmem>>, vector<16xi32>,
      tpu.vector_store %arg7[%swap3A_1341], %select_n3A_1340 {strides = array<i32>} : memref<1024xi32, #tpu.memory_space<vmem>>, vector<16xi32>,
      %get3A_1343 = arith.constant 896 : index
      %get3A_1344 = tpu.vector_load %arg6[%get3A_1343] {strides = array<i32>} : memref<1024xi32, #tpu.memory_space<vmem>>, vector<16xi32>,
      %broadcast_in_dim3A_1345 = arith.constant true
      %broadcast_in_dim3A_1346 = vector.broadcast %broadcast_in_dim3A_1345 : i1 to vector<16xi1>
      %unique3A_1347, %unique3A_1348 = tpu.scan_count mask(%broadcast_in_dim3A_1346 : vector<16xi1>) value(%get3A_1344 : vector<16xi32>) : vector<16xi1>, vector<16xi32>
      %gather3A_1349 = tpu.vector_load_idx %arg8[%get3A_1344] : memref<64xi32, #tpu.memory_space<vmem>>[vector<16xi32>], vector<16xi32>,
      %add3A_1350 = arith.addi %gather3A_1349, %unique3A_1348 : vector<16xi32>
      %sub3A_1351 = arith.constant 1 : i32
      %sub3A_1352 = vector.broadcast %sub3A_1351 : i32 to vector<16xi32>
      %sub3A_1353 = arith.subi %add3A_1350, %sub3A_1352 : vector<16xi32>
      %add3A_1354 = arith.constant 1 : i32
      %add3A_1355 = vector.broadcast %add3A_1354 : i32 to vector<16xi32>
      %add3A_1356 = arith.addi %sub3A_1353, %add3A_1355 : vector<16xi32>
      tpu.vector_store_idx %arg8[%get3A_1344], %add3A_1356 masked %unique3A_1347 : memref<64xi32, #tpu.memory_space<vmem>>[vector<16xi32>], vector<16xi32>, vector<16xi1>
      %lt3A_1357 = arith.constant 160 : i32
      %lt3A_1358 = vector.broadcast %lt3A_1357 : i32 to vector<16xi32>
      %lt3A_1359 = arith.cmpi slt, %sub3A_1353, %lt3A_1358 : vector<16xi32>
      %jit3A_1360 = arith.constant 1 : i32
      %jit3A_1361 = arith.constant 0 : i32
      %broadcast_in_dim3A_1362 = vector.broadcast %jit3A_1360 : i32 to vector<16xi32>
      %broadcast_in_dim3A_1363 = vector.broadcast %jit3A_1361 : i32 to vector<16xi32>
      %select_n3A_1364 = arith.select %lt3A_1359, %broadcast_in_dim3A_1362, %broadcast_in_dim3A_1363 : vector<16xi1>, vector<16xi32>
      %swap3A_1365 = arith.constant 896 : index
      %swap3A_1366 = tpu.vector_load %arg7[%swap3A_1365] {strides = array<i32>} : memref<1024xi32, #tpu.memory_space<vmem>>, vector<16xi32>,
      tpu.vector_store %arg7[%swap3A_1365], %select_n3A_1364 {strides = array<i32>} : memref<1024xi32, #tpu.memory_space<vmem>>, vector<16xi32>,
      %get3A_1367 = arith.constant 912 : index
      %get3A_1368 = tpu.vector_load %arg6[%get3A_1367] {strides = array<i32>} : memref<1024xi32, #tpu.memory_space<vmem>>, vector<16xi32>,
      %broadcast_in_dim3A_1369 = arith.constant true
      %broadcast_in_dim3A_1370 = vector.broadcast %broadcast_in_dim3A_1369 : i1 to vector<16xi1>
      %unique3A_1371, %unique3A_1372 = tpu.scan_count mask(%broadcast_in_dim3A_1370 : vector<16xi1>) value(%get3A_1368 : vector<16xi32>) : vector<16xi1>, vector<16xi32>
      %gather3A_1373 = tpu.vector_load_idx %arg8[%get3A_1368] : memref<64xi32, #tpu.memory_space<vmem>>[vector<16xi32>], vector<16xi32>,
      %add3A_1374 = arith.addi %gather3A_1373, %unique3A_1372 : vector<16xi32>
      %sub3A_1375 = arith.constant 1 : i32
      %sub3A_1376 = vector.broadcast %sub3A_1375 : i32 to vector<16xi32>
      %sub3A_1377 = arith.subi %add3A_1374, %sub3A_1376 : vector<16xi32>
      %add3A_1378 = arith.constant 1 : i32
      %add3A_1379 = vector.broadcast %add3A_1378 : i32 to vector<16xi32>
      %add3A_1380 = arith.addi %sub3A_1377, %add3A_1379 : vector<16xi32>
      tpu.vector_store_idx %arg8[%get3A_1368], %add3A_1380 masked %unique3A_1371 : memref<64xi32, #tpu.memory_space<vmem>>[vector<16xi32>], vector<16xi32>, vector<16xi1>
      %lt3A_1381 = arith.constant 160 : i32
      %lt3A_1382 = vector.broadcast %lt3A_1381 : i32 to vector<16xi32>
      %lt3A_1383 = arith.cmpi slt, %sub3A_1377, %lt3A_1382 : vector<16xi32>
      %jit3A_1384 = arith.constant 1 : i32
      %jit3A_1385 = arith.constant 0 : i32
      %broadcast_in_dim3A_1386 = vector.broadcast %jit3A_1384 : i32 to vector<16xi32>
      %broadcast_in_dim3A_1387 = vector.broadcast %jit3A_1385 : i32 to vector<16xi32>
      %select_n3A_1388 = arith.select %lt3A_1383, %broadcast_in_dim3A_1386, %broadcast_in_dim3A_1387 : vector<16xi1>, vector<16xi32>
      %swap3A_1389 = arith.constant 912 : index
      %swap3A_1390 = tpu.vector_load %arg7[%swap3A_1389] {strides = array<i32>} : memref<1024xi32, #tpu.memory_space<vmem>>, vector<16xi32>,
      tpu.vector_store %arg7[%swap3A_1389], %select_n3A_1388 {strides = array<i32>} : memref<1024xi32, #tpu.memory_space<vmem>>, vector<16xi32>,
      %get3A_1391 = arith.constant 928 : index
      %get3A_1392 = tpu.vector_load %arg6[%get3A_1391] {strides = array<i32>} : memref<1024xi32, #tpu.memory_space<vmem>>, vector<16xi32>,
      %broadcast_in_dim3A_1393 = arith.constant true
      %broadcast_in_dim3A_1394 = vector.broadcast %broadcast_in_dim3A_1393 : i1 to vector<16xi1>
      %unique3A_1395, %unique3A_1396 = tpu.scan_count mask(%broadcast_in_dim3A_1394 : vector<16xi1>) value(%get3A_1392 : vector<16xi32>) : vector<16xi1>, vector<16xi32>
      %gather3A_1397 = tpu.vector_load_idx %arg8[%get3A_1392] : memref<64xi32, #tpu.memory_space<vmem>>[vector<16xi32>], vector<16xi32>,
      %add3A_1398 = arith.addi %gather3A_1397, %unique3A_1396 : vector<16xi32>
      %sub3A_1399 = arith.constant 1 : i32
      %sub3A_1400 = vector.broadcast %sub3A_1399 : i32 to vector<16xi32>
      %sub3A_1401 = arith.subi %add3A_1398, %sub3A_1400 : vector<16xi32>
      %add3A_1402 = arith.constant 1 : i32
      %add3A_1403 = vector.broadcast %add3A_1402 : i32 to vector<16xi32>
      %add3A_1404 = arith.addi %sub3A_1401, %add3A_1403 : vector<16xi32>
      tpu.vector_store_idx %arg8[%get3A_1392], %add3A_1404 masked %unique3A_1395 : memref<64xi32, #tpu.memory_space<vmem>>[vector<16xi32>], vector<16xi32>, vector<16xi1>
      %lt3A_1405 = arith.constant 160 : i32
      %lt3A_1406 = vector.broadcast %lt3A_1405 : i32 to vector<16xi32>
      %lt3A_1407 = arith.cmpi slt, %sub3A_1401, %lt3A_1406 : vector<16xi32>
      %jit3A_1408 = arith.constant 1 : i32
      %jit3A_1409 = arith.constant 0 : i32
      %broadcast_in_dim3A_1410 = vector.broadcast %jit3A_1408 : i32 to vector<16xi32>
      %broadcast_in_dim3A_1411 = vector.broadcast %jit3A_1409 : i32 to vector<16xi32>
      %select_n3A_1412 = arith.select %lt3A_1407, %broadcast_in_dim3A_1410, %broadcast_in_dim3A_1411 : vector<16xi1>, vector<16xi32>
      %swap3A_1413 = arith.constant 928 : index
      %swap3A_1414 = tpu.vector_load %arg7[%swap3A_1413] {strides = array<i32>} : memref<1024xi32, #tpu.memory_space<vmem>>, vector<16xi32>,
      tpu.vector_store %arg7[%swap3A_1413], %select_n3A_1412 {strides = array<i32>} : memref<1024xi32, #tpu.memory_space<vmem>>, vector<16xi32>,
      %get3A_1415 = arith.constant 944 : index
      %get3A_1416 = tpu.vector_load %arg6[%get3A_1415] {strides = array<i32>} : memref<1024xi32, #tpu.memory_space<vmem>>, vector<16xi32>,
      %broadcast_in_dim3A_1417 = arith.constant true
      %broadcast_in_dim3A_1418 = vector.broadcast %broadcast_in_dim3A_1417 : i1 to vector<16xi1>
      %unique3A_1419, %unique3A_1420 = tpu.scan_count mask(%broadcast_in_dim3A_1418 : vector<16xi1>) value(%get3A_1416 : vector<16xi32>) : vector<16xi1>, vector<16xi32>
      %gather3A_1421 = tpu.vector_load_idx %arg8[%get3A_1416] : memref<64xi32, #tpu.memory_space<vmem>>[vector<16xi32>], vector<16xi32>,
      %add3A_1422 = arith.addi %gather3A_1421, %unique3A_1420 : vector<16xi32>
      %sub3A_1423 = arith.constant 1 : i32
      %sub3A_1424 = vector.broadcast %sub3A_1423 : i32 to vector<16xi32>
      %sub3A_1425 = arith.subi %add3A_1422, %sub3A_1424 : vector<16xi32>
      %add3A_1426 = arith.constant 1 : i32
      %add3A_1427 = vector.broadcast %add3A_1426 : i32 to vector<16xi32>
      %add3A_1428 = arith.addi %sub3A_1425, %add3A_1427 : vector<16xi32>
      tpu.vector_store_idx %arg8[%get3A_1416], %add3A_1428 masked %unique3A_1419 : memref<64xi32, #tpu.memory_space<vmem>>[vector<16xi32>], vector<16xi32>, vector<16xi1>
      %lt3A_1429 = arith.constant 160 : i32
      %lt3A_1430 = vector.broadcast %lt3A_1429 : i32 to vector<16xi32>
      %lt3A_1431 = arith.cmpi slt, %sub3A_1425, %lt3A_1430 : vector<16xi32>
      %jit3A_1432 = arith.constant 1 : i32
      %jit3A_1433 = arith.constant 0 : i32
      %broadcast_in_dim3A_1434 = vector.broadcast %jit3A_1432 : i32 to vector<16xi32>
      %broadcast_in_dim3A_1435 = vector.broadcast %jit3A_1433 : i32 to vector<16xi32>
      %select_n3A_1436 = arith.select %lt3A_1431, %broadcast_in_dim3A_1434, %broadcast_in_dim3A_1435 : vector<16xi1>, vector<16xi32>
      %swap3A_1437 = arith.constant 944 : index
      %swap3A_1438 = tpu.vector_load %arg7[%swap3A_1437] {strides = array<i32>} : memref<1024xi32, #tpu.memory_space<vmem>>, vector<16xi32>,
      tpu.vector_store %arg7[%swap3A_1437], %select_n3A_1436 {strides = array<i32>} : memref<1024xi32, #tpu.memory_space<vmem>>, vector<16xi32>,
      %get3A_1439 = arith.constant 960 : index
      %get3A_1440 = tpu.vector_load %arg6[%get3A_1439] {strides = array<i32>} : memref<1024xi32, #tpu.memory_space<vmem>>, vector<16xi32>,
      %broadcast_in_dim3A_1441 = arith.constant true
      %broadcast_in_dim3A_1442 = vector.broadcast %broadcast_in_dim3A_1441 : i1 to vector<16xi1>
      %unique3A_1443, %unique3A_1444 = tpu.scan_count mask(%broadcast_in_dim3A_1442 : vector<16xi1>) value(%get3A_1440 : vector<16xi32>) : vector<16xi1>, vector<16xi32>
      %gather3A_1445 = tpu.vector_load_idx %arg8[%get3A_1440] : memref<64xi32, #tpu.memory_space<vmem>>[vector<16xi32>], vector<16xi32>,
      %add3A_1446 = arith.addi %gather3A_1445, %unique3A_1444 : vector<16xi32>
      %sub3A_1447 = arith.constant 1 : i32
      %sub3A_1448 = vector.broadcast %sub3A_1447 : i32 to vector<16xi32>
      %sub3A_1449 = arith.subi %add3A_1446, %sub3A_1448 : vector<16xi32>
      %add3A_1450 = arith.constant 1 : i32
      %add3A_1451 = vector.broadcast %add3A_1450 : i32 to vector<16xi32>
      %add3A_1452 = arith.addi %sub3A_1449, %add3A_1451 : vector<16xi32>
      tpu.vector_store_idx %arg8[%get3A_1440], %add3A_1452 masked %unique3A_1443 : memref<64xi32, #tpu.memory_space<vmem>>[vector<16xi32>], vector<16xi32>, vector<16xi1>
      %lt3A_1453 = arith.constant 160 : i32
      %lt3A_1454 = vector.broadcast %lt3A_1453 : i32 to vector<16xi32>
      %lt3A_1455 = arith.cmpi slt, %sub3A_1449, %lt3A_1454 : vector<16xi32>
      %jit3A_1456 = arith.constant 1 : i32
      %jit3A_1457 = arith.constant 0 : i32
      %broadcast_in_dim3A_1458 = vector.broadcast %jit3A_1456 : i32 to vector<16xi32>
      %broadcast_in_dim3A_1459 = vector.broadcast %jit3A_1457 : i32 to vector<16xi32>
      %select_n3A_1460 = arith.select %lt3A_1455, %broadcast_in_dim3A_1458, %broadcast_in_dim3A_1459 : vector<16xi1>, vector<16xi32>
      %swap3A_1461 = arith.constant 960 : index
      %swap3A_1462 = tpu.vector_load %arg7[%swap3A_1461] {strides = array<i32>} : memref<1024xi32, #tpu.memory_space<vmem>>, vector<16xi32>,
      tpu.vector_store %arg7[%swap3A_1461], %select_n3A_1460 {strides = array<i32>} : memref<1024xi32, #tpu.memory_space<vmem>>, vector<16xi32>,
      %get3A_1463 = arith.constant 976 : index
      %get3A_1464 = tpu.vector_load %arg6[%get3A_1463] {strides = array<i32>} : memref<1024xi32, #tpu.memory_space<vmem>>, vector<16xi32>,
      %broadcast_in_dim3A_1465 = arith.constant true
      %broadcast_in_dim3A_1466 = vector.broadcast %broadcast_in_dim3A_1465 : i1 to vector<16xi1>
      %unique3A_1467, %unique3A_1468 = tpu.scan_count mask(%broadcast_in_dim3A_1466 : vector<16xi1>) value(%get3A_1464 : vector<16xi32>) : vector<16xi1>, vector<16xi32>
      %gather3A_1469 = tpu.vector_load_idx %arg8[%get3A_1464] : memref<64xi32, #tpu.memory_space<vmem>>[vector<16xi32>], vector<16xi32>,
      %add3A_1470 = arith.addi %gather3A_1469, %unique3A_1468 : vector<16xi32>
      %sub3A_1471 = arith.constant 1 : i32
      %sub3A_1472 = vector.broadcast %sub3A_1471 : i32 to vector<16xi32>
      %sub3A_1473 = arith.subi %add3A_1470, %sub3A_1472 : vector<16xi32>
      %add3A_1474 = arith.constant 1 : i32
      %add3A_1475 = vector.broadcast %add3A_1474 : i32 to vector<16xi32>
      %add3A_1476 = arith.addi %sub3A_1473, %add3A_1475 : vector<16xi32>
      tpu.vector_store_idx %arg8[%get3A_1464], %add3A_1476 masked %unique3A_1467 : memref<64xi32, #tpu.memory_space<vmem>>[vector<16xi32>], vector<16xi32>, vector<16xi1>
      %lt3A_1477 = arith.constant 160 : i32
      %lt3A_1478 = vector.broadcast %lt3A_1477 : i32 to vector<16xi32>
      %lt3A_1479 = arith.cmpi slt, %sub3A_1473, %lt3A_1478 : vector<16xi32>
      %jit3A_1480 = arith.constant 1 : i32
      %jit3A_1481 = arith.constant 0 : i32
      %broadcast_in_dim3A_1482 = vector.broadcast %jit3A_1480 : i32 to vector<16xi32>
      %broadcast_in_dim3A_1483 = vector.broadcast %jit3A_1481 : i32 to vector<16xi32>
      %select_n3A_1484 = arith.select %lt3A_1479, %broadcast_in_dim3A_1482, %broadcast_in_dim3A_1483 : vector<16xi1>, vector<16xi32>
      %swap3A_1485 = arith.constant 976 : index
      %swap3A_1486 = tpu.vector_load %arg7[%swap3A_1485] {strides = array<i32>} : memref<1024xi32, #tpu.memory_space<vmem>>, vector<16xi32>,
      tpu.vector_store %arg7[%swap3A_1485], %select_n3A_1484 {strides = array<i32>} : memref<1024xi32, #tpu.memory_space<vmem>>, vector<16xi32>,
      %get3A_1487 = arith.constant 992 : index
      %get3A_1488 = tpu.vector_load %arg6[%get3A_1487] {strides = array<i32>} : memref<1024xi32, #tpu.memory_space<vmem>>, vector<16xi32>,
      %broadcast_in_dim3A_1489 = arith.constant true
      %broadcast_in_dim3A_1490 = vector.broadcast %broadcast_in_dim3A_1489 : i1 to vector<16xi1>
      %unique3A_1491, %unique3A_1492 = tpu.scan_count mask(%broadcast_in_dim3A_1490 : vector<16xi1>) value(%get3A_1488 : vector<16xi32>) : vector<16xi1>, vector<16xi32>
      %gather3A_1493 = tpu.vector_load_idx %arg8[%get3A_1488] : memref<64xi32, #tpu.memory_space<vmem>>[vector<16xi32>], vector<16xi32>,
      %add3A_1494 = arith.addi %gather3A_1493, %unique3A_1492 : vector<16xi32>
      %sub3A_1495 = arith.constant 1 : i32
      %sub3A_1496 = vector.broadcast %sub3A_1495 : i32 to vector<16xi32>
      %sub3A_1497 = arith.subi %add3A_1494, %sub3A_1496 : vector<16xi32>
      %add3A_1498 = arith.constant 1 : i32
      %add3A_1499 = vector.broadcast %add3A_1498 : i32 to vector<16xi32>
      %add3A_1500 = arith.addi %sub3A_1497, %add3A_1499 : vector<16xi32>
      tpu.vector_store_idx %arg8[%get3A_1488], %add3A_1500 masked %unique3A_1491 : memref<64xi32, #tpu.memory_space<vmem>>[vector<16xi32>], vector<16xi32>, vector<16xi1>
      %lt3A_1501 = arith.constant 160 : i32
      %lt3A_1502 = vector.broadcast %lt3A_1501 : i32 to vector<16xi32>
      %lt3A_1503 = arith.cmpi slt, %sub3A_1497, %lt3A_1502 : vector<16xi32>
      %jit3A_1504 = arith.constant 1 : i32
      %jit3A_1505 = arith.constant 0 : i32
      %broadcast_in_dim3A_1506 = vector.broadcast %jit3A_1504 : i32 to vector<16xi32>
      %broadcast_in_dim3A_1507 = vector.broadcast %jit3A_1505 : i32 to vector<16xi32>
      %select_n3A_1508 = arith.select %lt3A_1503, %broadcast_in_dim3A_1506, %broadcast_in_dim3A_1507 : vector<16xi1>, vector<16xi32>
      %swap3A_1509 = arith.constant 992 : index
      %swap3A_1510 = tpu.vector_load %arg7[%swap3A_1509] {strides = array<i32>} : memref<1024xi32, #tpu.memory_space<vmem>>, vector<16xi32>,
      tpu.vector_store %arg7[%swap3A_1509], %select_n3A_1508 {strides = array<i32>} : memref<1024xi32, #tpu.memory_space<vmem>>, vector<16xi32>,
      %get3A_1511 = arith.constant 1008 : index
      %get3A_1512 = tpu.vector_load %arg6[%get3A_1511] {strides = array<i32>} : memref<1024xi32, #tpu.memory_space<vmem>>, vector<16xi32>,
      %broadcast_in_dim3A_1513 = arith.constant true
      %broadcast_in_dim3A_1514 = vector.broadcast %broadcast_in_dim3A_1513 : i1 to vector<16xi1>
      %unique3A_1515, %unique3A_1516 = tpu.scan_count mask(%broadcast_in_dim3A_1514 : vector<16xi1>) value(%get3A_1512 : vector<16xi32>) : vector<16xi1>, vector<16xi32>
      %gather3A_1517 = tpu.vector_load_idx %arg8[%get3A_1512] : memref<64xi32, #tpu.memory_space<vmem>>[vector<16xi32>], vector<16xi32>,
      %add3A_1518 = arith.addi %gather3A_1517, %unique3A_1516 : vector<16xi32>
      %sub3A_1519 = arith.constant 1 : i32
      %sub3A_1520 = vector.broadcast %sub3A_1519 : i32 to vector<16xi32>
      %sub3A_1521 = arith.subi %add3A_1518, %sub3A_1520 : vector<16xi32>
      %add3A_1522 = arith.constant 1 : i32
      %add3A_1523 = vector.broadcast %add3A_1522 : i32 to vector<16xi32>
      %add3A_1524 = arith.addi %sub3A_1521, %add3A_1523 : vector<16xi32>
      tpu.vector_store_idx %arg8[%get3A_1512], %add3A_1524 masked %unique3A_1515 : memref<64xi32, #tpu.memory_space<vmem>>[vector<16xi32>], vector<16xi32>, vector<16xi1>
      %lt3A_1525 = arith.constant 160 : i32
      %lt3A_1526 = vector.broadcast %lt3A_1525 : i32 to vector<16xi32>
      %lt3A_1527 = arith.cmpi slt, %sub3A_1521, %lt3A_1526 : vector<16xi32>
      %jit3A_1528 = arith.constant 1 : i32
      %jit3A_1529 = arith.constant 0 : i32
      %broadcast_in_dim3A_1530 = vector.broadcast %jit3A_1528 : i32 to vector<16xi32>
      %broadcast_in_dim3A_1531 = vector.broadcast %jit3A_1529 : i32 to vector<16xi32>
      %select_n3A_1532 = arith.select %lt3A_1527, %broadcast_in_dim3A_1530, %broadcast_in_dim3A_1531 : vector<16xi1>, vector<16xi32>
      %swap3A_1533 = arith.constant 1008 : index
      %swap3A_1534 = tpu.vector_load %arg7[%swap3A_1533] {strides = array<i32>} : memref<1024xi32, #tpu.memory_space<vmem>>, vector<16xi32>,
      tpu.vector_store %arg7[%swap3A_1533], %select_n3A_1532 {strides = array<i32>} : memref<1024xi32, #tpu.memory_space<vmem>>, vector<16xi32>,
      "tpu.region"() ({
        %run_scoped3A = tpu.sem_alloc : memref<!tpu.dma_semaphore, #tpu.memory_space<semaphore_mem>>
        %dma_start3A = tpu.memref_slice %arg4[%mul3A_4] : memref<8192xi32, #tpu.memory_space<hbm>> -> memref<1024xi32, #tpu.memory_space<hbm>>
        %dma_start3A_1539 = tpu.memref_slice %arg4[%mul3A_4] : memref<8192xi32, #tpu.memory_space<hbm>> -> memref<1024xi32, #tpu.memory_space<hbm>>
        tpu.enqueue_dma source(%arg7 : memref<1024xi32, #tpu.memory_space<vmem>>) target(%dma_start3A_1539 : memref<1024xi32, #tpu.memory_space<hbm>>) target_semaphore(%run_scoped3A : memref<!tpu.dma_semaphore, #tpu.memory_space<semaphore_mem>>)
        %dma_wait3A = tpu.memref_slice %arg4[%mul3A_4] : memref<8192xi32, #tpu.memory_space<hbm>> -> memref<1024xi32, #tpu.memory_space<hbm>>
        %dma_wait3A_1540 = tpu.memref_slice %arg4[%mul3A_4] : memref<8192xi32, #tpu.memory_space<hbm>> -> memref<1024xi32, #tpu.memory_space<hbm>>
        tpu.wait_dma2 semaphore(%run_scoped3A : memref<!tpu.dma_semaphore, #tpu.memory_space<semaphore_mem>>) src(%arg7 : memref<1024xi32, #tpu.memory_space<vmem>>) dst(%dma_wait3A_1540 : memref<1024xi32, #tpu.memory_space<hbm>>)
        tpu.yield
      }) : () -> ()
      %eq3A = arith.constant 7 : i32
      %eq3A_1535 = arith.cmpi eq, %add3A, %eq3A : i32
      %convert_element_type3A_1536 = arith.extui %eq3A_1535 : i1 to i32
      %cond3A_1537 = arith.constant 0 : i32
      %cond3A_1538 = arith.cmpi ne, %convert_element_type3A_1536, %cond3A_1537 : i32
      scf.if %cond3A_1538 {
        %broadcast_in_dim3A_1539 = arith.constant 0 : i32
        %broadcast_in_dim3A_1540 = vector.broadcast %broadcast_in_dim3A_1539 : i32 to vector<16xi32>
        %get3A_1541 = arith.constant 0 : index
        %get3A_1542 = tpu.vector_load %arg8[%get3A_1541] {strides = array<i32>} : memref<64xi32, #tpu.memory_space<vmem>>, vector<16xi32>,
        %sub3A_1543 = arith.constant 160 : i32
        %sub3A_1544 = vector.broadcast %sub3A_1543 : i32 to vector<16xi32>
        %sub3A_1545 = arith.subi %get3A_1542, %sub3A_1544 : vector<16xi32>
        %max3A = arith.constant 0 : i32
        %max3A_1546 = vector.broadcast %max3A : i32 to vector<16xi32>
        %max3A_1547 = arith.maxsi %sub3A_1545, %max3A_1546 : vector<16xi32>
        %add3A_1548 = arith.addi %broadcast_in_dim3A_1540, %max3A_1547 : vector<16xi32>
        %get3A_1549 = arith.constant 16 : index
        %get3A_1550 = tpu.vector_load %arg8[%get3A_1549] {strides = array<i32>} : memref<64xi32, #tpu.memory_space<vmem>>, vector<16xi32>,
        %sub3A_1551 = arith.constant 160 : i32
        %sub3A_1552 = vector.broadcast %sub3A_1551 : i32 to vector<16xi32>
        %sub3A_1553 = arith.subi %get3A_1550, %sub3A_1552 : vector<16xi32>
        %max3A_1554 = arith.constant 0 : i32
        %max3A_1555 = vector.broadcast %max3A_1554 : i32 to vector<16xi32>
        %max3A_1556 = arith.maxsi %sub3A_1553, %max3A_1555 : vector<16xi32>
        %add3A_1557 = arith.addi %add3A_1548, %max3A_1556 : vector<16xi32>
        %get3A_1558 = arith.constant 32 : index
        %get3A_1559 = tpu.vector_load %arg8[%get3A_1558] {strides = array<i32>} : memref<64xi32, #tpu.memory_space<vmem>>, vector<16xi32>,
        %sub3A_1560 = arith.constant 160 : i32
        %sub3A_1561 = vector.broadcast %sub3A_1560 : i32 to vector<16xi32>
        %sub3A_1562 = arith.subi %get3A_1559, %sub3A_1561 : vector<16xi32>
        %max3A_1563 = arith.constant 0 : i32
        %max3A_1564 = vector.broadcast %max3A_1563 : i32 to vector<16xi32>
        %max3A_1565 = arith.maxsi %sub3A_1562, %max3A_1564 : vector<16xi32>
        %add3A_1566 = arith.addi %add3A_1557, %max3A_1565 : vector<16xi32>
        %get3A_1567 = arith.constant 48 : index
        %get3A_1568 = tpu.vector_load %arg8[%get3A_1567] {strides = array<i32>} : memref<64xi32, #tpu.memory_space<vmem>>, vector<16xi32>,
        %sub3A_1569 = arith.constant 160 : i32
        %sub3A_1570 = vector.broadcast %sub3A_1569 : i32 to vector<16xi32>
        %sub3A_1571 = arith.subi %get3A_1568, %sub3A_1570 : vector<16xi32>
        %max3A_1572 = arith.constant 0 : i32
        %max3A_1573 = vector.broadcast %max3A_1572 : i32 to vector<16xi32>
        %max3A_1574 = arith.maxsi %sub3A_1571, %max3A_1573 : vector<16xi32>
        %add3A_1575 = arith.addi %add3A_1566, %max3A_1574 : vector<16xi32>
        %broadcast_in_dim3A_1576 = arith.constant true
        %broadcast_in_dim3A_1577 = vector.broadcast %broadcast_in_dim3A_1576 : i1 to vector<16xi1>
        %masked_cumsum3A = tpu.scan <sum>, %add3A_1575 masked %broadcast_in_dim3A_1577 : vector<16xi32>, vector<16xi1> -> vector<16xi32>
        %swap3A_1578 = arith.constant 0 : index
        %swap3A_1579 = tpu.vector_load %arg9[%swap3A_1578] {strides = array<i32>} : memref<16xi32, #tpu.memory_space<vmem>>, vector<16xi32>,
        tpu.vector_store %arg9[%swap3A_1578], %masked_cumsum3A {strides = array<i32>} : memref<16xi32, #tpu.memory_space<vmem>>, vector<16xi32>,
        "tpu.region"() ({
          %run_scoped3A = tpu.sem_alloc : memref<!tpu.dma_semaphore, #tpu.memory_space<semaphore_mem>>
          %dma_start3A = arith.constant 8 : i32
          %dma_start3A_1580 = tpu.memref_slice %arg9[%dma_start3A] : memref<16xi32, #tpu.memory_space<vmem>> -> memref<8xi32, #tpu.memory_space<vmem>>
          %dma_start3A_1581 = arith.constant 8 : i32
          %dma_start3A_1582 = tpu.memref_slice %arg9[%dma_start3A_1581] : memref<16xi32, #tpu.memory_space<vmem>> -> memref<8xi32, #tpu.memory_space<vmem>>
          tpu.enqueue_dma source(%dma_start3A_1582 : memref<8xi32, #tpu.memory_space<vmem>>) target(%arg5 : memref<8xi32, #tpu.memory_space<hbm>>) target_semaphore(%run_scoped3A : memref<!tpu.dma_semaphore, #tpu.memory_space<semaphore_mem>>)
          %dma_wait3A = arith.constant 8 : i32
          %dma_wait3A_1583 = tpu.memref_slice %arg9[%dma_wait3A] : memref<16xi32, #tpu.memory_space<vmem>> -> memref<8xi32, #tpu.memory_space<vmem>>
          %dma_wait3A_1584 = arith.constant 8 : i32
          %dma_wait3A_1585 = tpu.memref_slice %arg9[%dma_wait3A_1584] : memref<16xi32, #tpu.memory_space<vmem>> -> memref<8xi32, #tpu.memory_space<vmem>>
          tpu.wait_dma2 semaphore(%run_scoped3A : memref<!tpu.dma_semaphore, #tpu.memory_space<semaphore_mem>>) src(%dma_wait3A_1585 : memref<8xi32, #tpu.memory_space<vmem>>) dst(%arg5 : memref<8xi32, #tpu.memory_space<hbm>>)
          tpu.yield
        }) : () -> ()
      } else {
      }
    } else {
    }
    return
  }
}

module attributes {stable_mosaic.version = 14 : i64} {
  func.func @_router_body(%arg0: i32, %arg1: memref<1024x2048xf32, #tpu.memory_space<vmem>>, %arg2: memref<2048x64xf32, #tpu.memory_space<vmem>>, %arg3: memref<1024x64xf32, #tpu.memory_space<vmem>>, %arg4: memref<1024xi32, #tpu.memory_space<vmem>>, %arg5: memref<1x64x1xi32, #tpu.memory_space<vmem>>, %arg6: memref<64x128xf32, #tpu.memory_space<vmem>>) attributes {dimension_semantics = [#tpu.dimension_semantics<arbitrary>], iteration_bounds = array<i64: 8>, scalar_prefetch = 0 : i64, scratch_operands = 1 : i64, tpu.core_type = #tpu.core_type<tc>, window_params = [{transform_indices = @transform_0, window_bounds = array<i64: 1024, 2048>}, {pipeline_mode = #tpu.pipeline_mode<synchronous>, transform_indices = @transform_1, window_bounds = array<i64: 2048, 64>}, {transform_indices = @transform_2, window_bounds = array<i64: 1024, 64>}, {transform_indices = @transform_3, window_bounds = array<i64: 1024>}, {transform_indices = @transform_4, window_bounds = array<i64: 1, 64, 1>}]} {
    %eq3A = arith.constant 0 : i32
    %eq3A_0 = arith.cmpi eq, %arg0, %eq3A : i32
    %convert_element_type3A = arith.extui %eq3A_0 : i1 to i32
    %cond3A = arith.constant 0 : i32
    %cond3A_1 = arith.cmpi ne, %convert_element_type3A, %cond3A : i32
    scf.if %cond3A_1 {
      %broadcast_in_dim3A_40 = arith.constant 0.000000e+00 : f32
      %broadcast_in_dim3A_41 = vector.broadcast %broadcast_in_dim3A_40 : f32 to vector<64x128xf32>
      %swap3A_42 = arith.constant 0 : index
      %swap3A_43 = arith.constant 0 : index
      %swap3A_44 = vector.load %arg6[%swap3A_42, %swap3A_43] : memref<64x128xf32, #tpu.memory_space<vmem>>, vector<64x128xf32>
      tpu.vector_store %arg6[%swap3A_42, %swap3A_43], %broadcast_in_dim3A_41 {strides = array<i32>} : memref<64x128xf32, #tpu.memory_space<vmem>>, vector<64x128xf32>,
    } else {
    }
    %get3A = arith.constant 0 : index
    %get3A_2 = arith.constant 0 : index
    %get3A_3 = vector.load %arg1[%get3A, %get3A_2] : memref<1024x2048xf32, #tpu.memory_space<vmem>>, vector<1024x2048xf32>
    %get3A_4 = arith.constant 0 : index
    %get3A_5 = arith.constant 0 : index
    %get3A_6 = vector.load %arg2[%get3A_4, %get3A_5] : memref<2048x64xf32, #tpu.memory_space<vmem>>, vector<2048x64xf32>
    %dot_general3A = arith.constant dense<0.000000e+00> : vector<1024x64xf32>
    %dot_general3A_7 = tpu.matmul %get3A_3, %get3A_6, %dot_general3A {dimension_numbers = #tpu.dot_dimension_numbers<[1], [0], [0], [1], [0, 0, 1, 1], [], []>, transpose_lhs_hint = false} : vector<1024x2048xf32>, vector<2048x64xf32>, vector<1024x64xf32> -> vector<1024x64xf32>
    %reduce_max3A = arith.constant dense<0xFF800000> : vector<1024xf32>
    %reduce_max3A_8 = vector.multi_reduction <maximumf>, %dot_general3A_7, %reduce_max3A [1] : vector<1024x64xf32> to vector<1024xf32>
    %broadcast_in_dim3A = vector.shape_cast %reduce_max3A_8 : vector<1024xf32> to vector<1024x1xf32>
    %sub3A = vector.broadcast %broadcast_in_dim3A : vector<1024x1xf32> to vector<1024x64xf32>
    %sub3A_9 = arith.subf %dot_general3A_7, %sub3A : vector<1024x64xf32>
    %exp3A = math.exp %sub3A_9 : vector<1024x64xf32>
    %reduce_sum3A = arith.constant dense<0.000000e+00> : vector<1024xf32>
    %reduce_sum3A_10 = vector.multi_reduction <add>, %exp3A, %reduce_sum3A [1] : vector<1024x64xf32> to vector<1024xf32>
    %broadcast_in_dim3A_11 = vector.shape_cast %reduce_sum3A_10 : vector<1024xf32> to vector<1024x1xf32>
    %div3A = vector.broadcast %broadcast_in_dim3A_11 : vector<1024x1xf32> to vector<1024x64xf32>
    %div3A_12 = arith.divf %exp3A, %div3A : vector<1024x64xf32>
    %swap3A = arith.constant 0 : index
    %swap3A_13 = arith.constant 0 : index
    %swap3A_14 = vector.load %arg3[%swap3A, %swap3A_13] : memref<1024x64xf32, #tpu.memory_space<vmem>>, vector<1024x64xf32>
    tpu.vector_store %arg3[%swap3A, %swap3A_13], %div3A_12 {strides = array<i32>} : memref<1024x64xf32, #tpu.memory_space<vmem>>, vector<1024x64xf32>,
    %transpose3A = tpu.transpose %div3A_12, [1, 0] : vector<1024x64xf32> -> vector<64x1024xf32>
    %argmax3A = tpu.reduce_index %transpose3A {axis = 0 : i32, kind = #tpu.reduction_kind<arg_max>} : vector<64x1024xf32> -> vector<1024xi32>
    %swap3A_15 = arith.constant 0 : index
    %swap3A_16 = vector.load %arg4[%swap3A_15] : memref<1024xi32, #tpu.memory_space<vmem>>, vector<1024xi32>
    tpu.vector_store %arg4[%swap3A_15], %argmax3A {strides = array<i32>} : memref<1024xi32, #tpu.memory_space<vmem>>, vector<1024xi32>,
    %iota3A = tpu.iota {dimensions = array<i32: 0>} : vector<64x1024xi32>
    %broadcast_in_dim3A_17 = vector.shape_cast %argmax3A : vector<1024xi32> to vector<1x1024xi32>
    %eq3A_18 = vector.broadcast %broadcast_in_dim3A_17 : vector<1x1024xi32> to vector<64x1024xi32>
    %eq3A_19 = arith.cmpi eq, %iota3A, %eq3A_18 : vector<64x1024xi32>
    %convert_element_type3A_20 = arith.extui %eq3A_19 : vector<64x1024xi1> to vector<64x1024xi32>
    %convert_element_type3A_21 = arith.sitofp %convert_element_type3A_20 : vector<64x1024xi32> to vector<64x1024xf32>
    %reduce_sum3A_22 = arith.constant dense<0.000000e+00> : vector<64xf32>
    %reduce_sum3A_23 = vector.multi_reduction <add>, %convert_element_type3A_21, %reduce_sum3A_22 [1] : vector<64x1024xf32> to vector<64xf32>
    %broadcast_in_dim3A_24 = vector.shape_cast %reduce_sum3A_23 : vector<64xf32> to vector<64x1xf32>
    %get3A_25 = arith.constant 0 : index
    %get3A_26 = arith.constant 0 : index
    %get3A_27 = vector.load %arg6[%get3A_25, %get3A_26] : memref<64x128xf32, #tpu.memory_space<vmem>>, vector<64x128xf32>
    %slice3A = vector.extract_strided_slice %get3A_27 {offsets = [0, 0], sizes = [64, 1], strides = [1, 1]} : vector<64x128xf32> to vector<64x1xf32>
    %convert_element_type3A_28 = arith.fptosi %slice3A : vector<64x1xf32> to vector<64x1xi32>
    %reshape3A = vector.shape_cast %convert_element_type3A_28 : vector<64x1xi32> to vector<1x64x1xi32>
    %swap3A_29 = arith.constant 0 : index
    %swap3A_30 = arith.constant 0 : index
    %swap3A_31 = arith.constant 0 : index
    %swap3A_32 = vector.load %arg5[%swap3A_29, %swap3A_30, %swap3A_31] : memref<1x64x1xi32, #tpu.memory_space<vmem>>, vector<1x64x1xi32>
    tpu.vector_store %arg5[%swap3A_29, %swap3A_30, %swap3A_31], %reshape3A {strides = array<i32>} : memref<1x64x1xi32, #tpu.memory_space<vmem>>, vector<1x64x1xi32>,
    %get3A_33 = arith.constant 0 : index
    %get3A_34 = arith.constant 0 : index
    %get3A_35 = vector.load %arg6[%get3A_33, %get3A_34] : memref<64x128xf32, #tpu.memory_space<vmem>>, vector<64x128xf32>
    %add3A = vector.broadcast %broadcast_in_dim3A_24 : vector<64x1xf32> to vector<64x128xf32>
    %add3A_36 = arith.addf %get3A_35, %add3A : vector<64x128xf32>
    %swap3A_37 = arith.constant 0 : index
    %swap3A_38 = arith.constant 0 : index
    %swap3A_39 = vector.load %arg6[%swap3A_37, %swap3A_38] : memref<64x128xf32, #tpu.memory_space<vmem>>, vector<64x128xf32>
    tpu.vector_store %arg6[%swap3A_37, %swap3A_38], %add3A_36 {strides = array<i32>} : memref<64x128xf32, #tpu.memory_space<vmem>>, vector<64x128xf32>,
    return
  }
  func.func @transform_0(%arg0: i32) -> (i32, i32) {
    %c0_i32 = arith.constant 0 : i32
    %c0_i32_0 = arith.constant 0 : i32
    return %arg0, %c0_i32 : i32, i32
  }
  func.func @transform_1(%arg0: i32) -> (i32, i32) {
    %c0_i32 = arith.constant 0 : i32
    %c0_i32_0 = arith.constant 0 : i32
    %c0_i32_1 = arith.constant 0 : i32
    return %c0_i32, %c0_i32_0 : i32, i32
  }
  func.func @transform_2(%arg0: i32) -> (i32, i32) {
    %c0_i32 = arith.constant 0 : i32
    %c0_i32_0 = arith.constant 0 : i32
    return %arg0, %c0_i32 : i32, i32
  }
  func.func @transform_3(%arg0: i32) -> i32 {
    %c0_i32 = arith.constant 0 : i32
    return %arg0 : i32
  }
  func.func @transform_4(%arg0: i32) -> (i32, i32, i32) {
    %c0_i32 = arith.constant 0 : i32
    %c0_i32_0 = arith.constant 0 : i32
    %c0_i32_1 = arith.constant 0 : i32
    return %arg0, %c0_i32, %c0_i32_0 : i32, i32, i32
  }
}

</mosaic_0001>

<sc_bundles>
// kernel: kernel.4.cloned.1.call-start
scs
__scs_entry_jumppad:
0x0: {  	(pc) =	sbr.rel $0x88, $3  }
0x1: {  	(tag) =	ssettag $0x0;
	lr =	simm.s32 $0x1  }
0x2: {  	[smem:$0x3F9F] =	sst lr;
	_ =	strace $0xD0000000  }
0x3: {  	_ = 	snop  }
0x4: {  	_ = 	snop  }
0x5: {  	_ = 	snop  }
0x6: {  	_ = 	snop  }
0x7: {  	_ = 	snop  }
__scs_overlays_trampoline_lowered:
0x8: {  	[smem:$0x3FAE] =	sst s0  }
0x9: {  	[smem:$0x3FAF] =	sst s1  }
0xa: {  	[smem:$0x3FB0] =	sst s2  }
0xb: {  	[smem:$0x3FB1] =	sst s3  }
0xc: {  	[smem:$0x3FB2] =	sst s4  }
0xd: {  	[smem:$0x3FB3] =	sst s5  }
0xe: {  	[smem:$0x3FB4] =	sst s6  }
0xf: {  	[smem:$0x3FB5] =	sst s7  }
0x10: {  	[smem:$0x3FB6] =	sst s8  }
0x11: {  	[smem:$0x3FB7] =	sst s9;
	s0 =	simm.s32 @!p0 $0x0  }
0x12: {  	s1 =	sld [smem:$0x3F9D];
	s0 =	simm.s32 @p0 $0x1  }
0x13: {  	[smem:$0x3FB8] =	sst s0;
	s0 =	simm.s32 @!p1 $0x0  }
0x14: {  	s2 =	sld [smem:$0x3F9C];
	s0 =	simm.s32 @p1 $0x1  }
0x15: {  	[smem:$0x3FB9] =	sst s0;
	s0 =	simm.s32 @!p2 $0x0  }
0x16: {  	s3 =	sld [smem:$0x3FDB];
	s0 =	simm.s32 @p2 $0x1  }
0x17: {  	s4 =	simm.s32 $0x1BF5;
	[smem:$0x3FBB] =	sst s0  }
0x18: {  	s0 =	sld [smem:$0x3F9E];
	_ =	swait.ge [sflag:s4], $0x0  }
0x19: {  	s7 =	sld [smem:$0x3F9F]  }
0x1a: {  	s8 =	sadd.s32 $0xFFFFE003, lr  }
0x1b: {  	s9 =	sadd.s32 $0xFFFFFEF7, lr;
	s5 =	simm.s32 $0xFFFFFFFF;
	p2 =	slt.u32 s8, $0xFFFFF086  }
0x1c: {  	p1 =	slt.u32 s9, $0xF7A;
	s5 =	simm.s32 @!p2 $0x0  }
0x1d: {  	s5 =	simm.s32 @p1 $0x1;
	p0 =	seq.s32 s7, s2  }
0x1e: {  	s7 =	smul.u32 @!p0 $0xF7A, s2;
	p2 =	seq.s32 @!p0 s5, $0x0  }
0x1f: {  	s9 =	smul.u32 $0xF7A, s1;
	s8 =	simm.s32 @!p0 $0x1BF5;
	p2 =	por !p2, p0  }
0x20: {  	[sflag:s8] =	ssyncset.s32 @!p0 $0xFFFFF086;
	s6 =	sadd.s32 @!p0 s3, s7;
	s7 =	simm.s32 @!p0 $0x108  }
0x21: {  	s3 =	sadd.s32 s3, s9;
	s6 =	sadd.s32 @!p0 $0x88, s6;
	s7 =	simm.s32 @p2 $0x1082  }
0x22: {  	[simem:s7], [sflag:s8] =	dma.local @!p0 [hbm:s6], $0xF7A  }
0x23: {  	s9 =	sor.u32 $0xD0000000, s2;
	s6 =	simm.s32 $0x108;
	_ =	swait.ge @!p0 [sflag:s8], $0x0  }
0x24: {  	s3 =	sadd.s32 $0x88, s3;
	s6 =	simm.s32 @!p1 $0x1082;
	[sflag:s4] =	ssyncset.s32 $0xFFFFF086  }
0x25: {  	[simem:s6], [sflag:s4] =	dma.local [hbm:s3], $0xF7A  }
0x26: {  	[smem:$0x3F9F] =	sst s1;
	(tag) =	ssettag s2;
	_ =	strace s9  }
0x27: {  	s1 =	sld [smem:$0x3FAF]  }
0x28: {  	s2 =	sld [smem:$0x3FB0]  }
0x29: {  	s4 =	sld [smem:$0x3FB2]  }
0x2a: {  	p0 =	seq.s32 s5, $0x0;
	s5 =	sld [smem:$0x3FB3]  }
0x2b: {  	s6 =	sld [smem:$0x3FB4]  }
0x2c: {  	s7 =	sld [smem:$0x3FB5]  }
0x2d: {  	s3 =	simm.s32 $0x108;
	s8 =	sld [smem:$0x3FB6]  }
0x2e: {  	s3 =	simm.s32 @!p0 $0x1082;
	s9 =	sld [smem:$0x3FB7]  }
0x2f: {  	lr =	sadd.s32 s0, s3;
	s0 =	sld [smem:$0x3FAE]  }
0x30: {  	s3 =	sld [smem:$0x3FB1]  }
0x31: {  	[smem:$0x3FBA] =	sst s10  }
0x32: {  	s10 =	sld [smem:$0x3FB8];
	_ =	sdelay $0x3  }
0x33: {  	p0 =	seq.s32 s10, $0x1;
	s10 =	sld [smem:$0x3FBA];
	_ =	sdelay $0x3  }
0x34: {  	[smem:$0x3FBA] =	sst s10  }
0x35: {  	s10 =	sld [smem:$0x3FB9];
	_ =	sdelay $0x3  }
0x36: {  	p1 =	seq.s32 s10, $0x1;
	s10 =	sld [smem:$0x3FBA];
	_ =	sdelay $0x3  }
0x37: {  	[smem:$0x3FBA] =	sst s10  }
0x38: {  	s10 =	sld [smem:$0x3FBB]  }
0x39: {  	_ = 	snop;
	(pc) =	sbr.ind lr, $3  }
0x3a: {  	_ = 	snop  }
0x3b: {  	_ = 	snop  }
0x3c: {  	p2 =	seq.s32 s10, $0x1;
	s10 =	sld [smem:$0x3FBA]  }
0x3d: {  	_ =	shalt  }
0x3e: {  	_ =	shalt  }
0x3f: {  	_ =	shalt  }
0x40: {  	_ =	shalt  }
0x41: {  	_ =	shalt  }
0x42: {  	_ =	shalt  }
0x43: {  	_ =	shalt  }
0x44: {  	_ =	shalt  }
0x45: {  	_ =	shalt  }
0x46: {  	_ =	shalt  }
0x47: {  	_ =	shalt  }
0x48: {  	_ =	shalt  }
0x49: {  	_ =	shalt  }
0x4a: {  	_ =	shalt  }
0x4b: {  	_ =	shalt  }
0x4c: {  	_ =	shalt  }
0x4d: {  	_ =	shalt  }
0x4e: {  	_ =	shalt  }
0x4f: {  	_ =	shalt  }
0x50: {  	_ =	shalt  }
0x51: {  	_ =	shalt  }
0x52: {  	_ =	shalt  }
0x53: {  	_ =	shalt  }
0x54: {  	_ =	shalt  }
0x55: {  	_ =	shalt  }
0x56: {  	_ =	shalt  }
0x57: {  	_ =	shalt  }
0x58: {  	_ =	shalt  }
0x59: {  	_ =	shalt  }
0x5a: {  	_ =	shalt  }
0x5b: {  	_ =	shalt  }
0x5c: {  	_ =	shalt  }
0x5d: {  	_ =	shalt  }
0x5e: {  	_ =	shalt  }
0x5f: {  	_ =	shalt  }
0x60: {  	_ =	shalt  }
0x61: {  	_ =	shalt  }
0x62: {  	_ =	shalt  }
0x63: {  	_ =	shalt  }
0x64: {  	_ =	shalt  }
0x65: {  	_ =	shalt  }
0x66: {  	_ =	shalt  }
0x67: {  	_ =	shalt  }
0x68: {  	_ =	shalt  }
0x69: {  	_ =	shalt  }
0x6a: {  	_ =	shalt  }
0x6b: {  	_ =	shalt  }
0x6c: {  	_ =	shalt  }
0x6d: {  	_ =	shalt  }
0x6e: {  	_ =	shalt  }
0x6f: {  	_ =	shalt  }
0x70: {  	_ =	shalt  }
0x71: {  	_ =	shalt  }
0x72: {  	_ =	shalt  }
0x73: {  	_ =	shalt  }
0x74: {  	_ =	shalt  }
0x75: {  	_ =	shalt  }
0x76: {  	_ =	shalt  }
0x77: {  	_ =	shalt  }
0x78: {  	_ =	shalt  }
0x79: {  	_ =	shalt  }
0x7a: {  	_ =	shalt  }
0x7b: {  	_ =	shalt  }
0x7c: {  	_ =	shalt  }
0x7d: {  	_ =	shalt  }
0x7e: {  	_ =	shalt  }
0x7f: {  	_ =	shalt  }
0x80: {  	_ =	shalt  }
0x81: {  	_ =	shalt  }
0x82: {  	_ =	shalt  }
0x83: {  	_ =	shalt  }
0x84: {  	_ =	shalt  }
0x85: {  	_ =	shalt  }
0x86: {  	_ =	shalt  }
0x87: {  	_ =	shalt  }
.Lfunc_end0:
.L_simem_size_0:
called_computation_lowered:
.L_overlay_start_0:
0x88: {  	s0 =	sld [smem:$0x3FD9]  }
0x89: {  	s1 =	sld [smem:$0x3FFE];
	_ =	sdelay $0x3  }
0x8a: {  	s0 =	sadd.s32 s1, s0  }
0x8b: {  	[smem:$0x3FC6] =	sst s0  }
0x8c: {  	_ = 	snop  }
0x8d: {  	s0 =	sld [smem:$0x3FD0];
	_ =	sdelay $0x2  }
0x8e: {  	s13 =	simm.s32 $0xA;
	s2 =	simm.s32 $0x10  }
0x8f: {  	[smem:s2], [sflag:s13] =	dma.local [hbm:s0], $0x1  }
0x90: {  	_ =	swait.eq [sflag:s13], $0x1  }
0x91: {  	[sflag:s13] =	ssyncset.done $0x0  }
0x92: {  	s14 =	sld [smem:$0x11];
	[sflag:s13] =	ssyncadd.s32 $0xFFFFFFFF  }
0x93: {  	s15 =	sld [smem:$0x12];
	(tm) =	ssettm $0x1  }
0x94: {  	s16 =	sld [smem:$0x3FFB];
	_ =	sdelay $0x3  }
0x95: {  	_ =	strace s16  }
0x96: {  	s2 =	sld [smem:$0x3FFC];
	_ =	sdelay $0x3  }
0x97: {  	_ =	strace s2  }
0x98: {  	s2 =	sld [smem:$0x3FFD];
	_ =	sdelay $0x3  }
0x99: {  	_ =	strace s2  }
0x9a: {  	_ =	strace $0x8FFFFFFF  }
0x9b: {  	s17 =	sld [smem:$0x3FDB];
	_ =	sdelay $0x1  }
0x9c: {  	s3 =	simm.s32 $_scs_section_size  }
0x9d: {  	s4 =	simm.s32 $_size__tile_overlayer_lowered;
	s5 =	simm.s32 $_tile_overlayer_lowered  }
0x9e: {  	s20 =	simm.s32 $0x1BFF;
	s19 =	sshll.u32 s5, $0x1;
	s2 =	sadd.s32 s3, s17  }
0x9f: {  	s6 =	simm.s32 $0x0;
	s18 =	sshll.u32 s4, $0x1;
	s4 =	sadd.s32 s19, s2  }
0xa0: {  	[timem:s6], [sflag:s20] =	dma.local [hbm:s4], s18  }
0xa1: {  	_ =	swait.ge [sflag:s20], s18  }
0xa2: {  	s3 =	ssub.s32 $0x0, s18;
	[sflag:s20] =	ssyncset.done $0x0  }
0xa3: {  	[sflag:s20] =	ssyncadd.s32 s3;
	_ =	sdelay $0x1  }
0xa4: {  	s21 =	simm.s32 $0x1B8B  }
0xa5: {  	_ =	swait.ge [sflag:s21], $0x1  }
0xa6: {  	[sflag:s21] =	ssyncset.done $0x0  }
0xa7: {  	s23 =	simm.s32 $0x1B8E;
	s22 =	sld [smem:$0x3FFE];
	[sflag:s21] =	ssyncadd.s32 $0xFFFFFFFF  }
0xa8: {  	s24 =	simm.s32 $execute0_lowered;
	[smem:$0x3FD2] =	sst s23  }
0xa9: {  	s4 =	sshll.u32 s24, $0x1;
	_ =	strace $0x80000046;
	[dreg:$0x1] =	wrdreg $0xFFFFFFFF  }
0xaa: {  	s25 =	simm.s32 $_size_execute0_lowered;
	s2 =	sadd.s32 s2, s4;
	[dreg:$0x0] =	wrdreg $0x0  }
0xab: {  	s4 =	sshll.u32 s25, $0x1;
	[dreg:$0x2] =	wrdreg s2  }
0xac: {  	[dreg:$0x3] =	wrdreg s4  }
0xad: {  	[dreg:$0x4] =	wrdreg $0xC0  }
0xae: {  	_ =	task [dreg:s6], $0x5FFFF  }
0xaf: {  	[dreg:$0x1] =	wrdreg $0xFFFFFFFF  }
0xb0: {  	[dreg:$0x0] =	wrdreg $0x60  }
0xb1: {  	[dreg:$0x2] =	wrdreg s14  }
0xb2: {  	[dreg:$0x3] =	wrdreg s15  }
0xb3: {  	[dreg:$0x4] =	wrdreg s22  }
0xb4: {  	[dreg:$0x5] =	wrdreg $0x9  }
0xb5: {  	_ =	task.clear_ibuf [dreg:s6], $0x6FFFF;
	_ =	strace $0x90000046  }
0xb6: {  	s26 =	simm.s32 $0x9;
	_ =	strace $0x80000048  }
0xb7: {  	_ =	swait.ge [sflag:s26], $0x1  }
0xb8: {  	[sflag:s26] =	ssyncadd.s32 $0xFFFFFFFF  }
0xb9: {  	_ =	strace $0x90000048  }
0xba: {  	_ =	sfence  }
0xbb: {  	s28 =	sld [smem:$0x0];
	_ =	sdelay $0x1  }
0xbc: {  	s29 =	srdreg.scid  }
0xbd: {  	s30 =	sshll.u32 s29, $0xD;
	s31 =	sshrl.u32 s29, $0x2  }
0xbe: {  	s1 =	sand.u32 $0x1, s29;
	s2 =	sand.u32 $0x4000, s30;
	s0 =	sadd.s32 s31, s28  }
0xbf: {  	s1 =	sor.u32 s2, s1;
	s0 =	sshll.u32 s0, $0x11  }
0xc0: {  	s0 =	sor.u32 s0, s1  }
0xc1: {  	s0 =	sadd.s32 $0x8F2B, s0  }
0xc2: {  	[sflag:s0] =	ssyncadd.remote.s32 $0x1  }
0xc3: {  	_ =	sfence.sel $0xFFFF  }
0xc4: {  	[dreg:$0x0] =	wrdreg $0xFFFFFFFF;
	(pc) =	sbr.abs _section_cstart, $3  }
0xc5: {  	[dreg:$0x1] =	wrdreg $0xFFFFFFFF  }
0xc6: {  	_ =	task.clear_ibuf [dreg:s6], $0x2FFFF;
	_ =	strace $0x9FFFFFFF  }
0xc7: {  	(tm) =	ssettm $0x7FFFFFFF  }
tec
execute0_lowered:
.L_overlay_start_1:
0x0: {  	(tag) =	ssettag $0x1  }
0x1: {  	s1 =	stileid.u32  }
0x2: {  	p0 =	sgt.u32 s1, $0x7  }
.Ltmp0:
0x3: {  	s4 =	rddreg [dreg:$0x0];
	(pc) =	sbr.rel @p0 .LBB2_2-.Ltmp0, $4  }
0x4: {  	s6 =	rddreg [dreg:$0x1]  }
0x5: {  	s2 =	rddreg [dreg:$0x2];
	s3 =	simm.s32 $0x0  }
0x6: {  	[smem:$0x7FF] =	sst s3  }
0x7: {  	s0 =	rddreg [dreg:$0x3];
	_ =	strace $0x80000047  }
0x8: {  	s5 =	sshll.u32 s1, $0x7  }
0x9: {  	s28 =	simm.s32 $0x1;
	s4 =	sadd.s32 s4, s5  }
0xa: {  	[tilespmem:s3], [sflag:$0x1] =	stream.linear.gather [hbm4b:s4+s3], $0x400, $0x38;
	[tilespmem:$0x900] =	vst v63  }
0xb: {  	_ =	swait.ge [sflag:s28], $0x400  }
0xc: {  	s7 =	sshll.u32 s1, $0x3;
	[sflag:s28] =	ssyncset.done $0x0  }
0xd: {  	s29 =	simm.s32 $0x800;
	s7 =	sadd.s32 s6, s7;
	[sflag:s28] =	ssyncadd.s32 $0xFFFFFC00  }
0xe: {  	[tilespmem:s29], [sflag:$0x1] =	stream.linear.gather [hbm4b:s7+s3], $0x40, $0x38;
	[tilespmem:$0x900] =	vst v63  }
0xf: {  	_ =	swait.ge [sflag:s28], $0x40  }
0x10: {  	[sflag:s28] =	ssyncset.done $0x0  }
0x11: {  	[sflag:s28] =	ssyncadd.s32 $0xFFFFFFC0  }
0x12: {  	v0 =	vld [tilespmem:$0x0];
	_ =	sdelay $0x4  }
0x13: {  	(xrf1) =	vunique.msk.u32 $0xffff, v0;
	_ =	sdelay $0xd  }
0x14: {  	v2 =	vld.idx.msk [tilespmem:v0+s29+$0x0], $0xffff;
	_, v1, vm0 =	vpop (xrf1);
	_ =	sdelay $0x4  }
0x15: {  	v1 =	vadd.s32 v2, v1  }
0x16: {  	[tilespmem:v0+s29+$0x0] =	vst.idx.msk vm0, v1  }
0x17: {  	v53 =	vld [tilespmem:$0x10];
	_ =	sdelay $0x4  }
0x18: {  	(xrf1) =	vunique.msk.u32 $0xffff, v53;
	_ =	sdelay $0x9  }
0x19: {  	v54 =	vadd.s32 $0xFFFFFFFF, v1  }
0x1a: {  	vm12 =	vlt.s32 v54, $0xA0;
	v0 =	vimm.s32 $0x0  }
0x1b: {  	v55 =	vsel vm12, $0x1, v0  }
0x1c: {  	[tilespmem:$0x400] =	vst v55  }
0x1d: {  	v3 =	vld.idx.msk [tilespmem:v53+s29+$0x0], $0xffff;
	_, v56, vm0 =	vpop (xrf1);
	_ =	sdelay $0x4  }
0x1e: {  	v1 =	vadd.s32 v3, v56  }
0x1f: {  	[tilespmem:v53+s29+$0x0] =	vst.idx.msk vm0, v1  }
0x20: {  	v2 =	vld [tilespmem:$0x20];
	_ =	sdelay $0x4  }
0x21: {  	(xrf1) =	vunique.msk.u32 $0xffff, v2;
	_ =	sdelay $0x9  }
0x22: {  	v1 =	vadd.s32 $0xFFFFFFFF, v1  }
0x23: {  	vm13 =	vlt.s32 v1, $0xA0  }
0x24: {  	v1 =	vsel vm13, $0x1, v0  }
0x25: {  	[tilespmem:$0x410] =	vst v1  }
0x26: {  	v58 =	vld.idx.msk [tilespmem:v2+s29+$0x0], $0xffff;
	_, v57, vm0 =	vpop (xrf1);
	_ =	sdelay $0x4  }
0x27: {  	v1 =	vadd.s32 v58, v57  }
0x28: {  	[tilespmem:v2+s29+$0x0] =	vst.idx.msk vm0, v1  }
0x29: {  	v2 =	vld [tilespmem:$0x30];
	_ =	sdelay $0x4  }
0x2a: {  	(xrf1) =	vunique.msk.u32 $0xffff, v2;
	_ =	sdelay $0x9  }
0x2b: {  	v1 =	vadd.s32 $0xFFFFFFFF, v1  }
0x2c: {  	vm14 =	vlt.s32 v1, $0xA0  }
0x2d: {  	v1 =	vsel vm14, $0x1, v0  }
0x2e: {  	[tilespmem:$0x420] =	vst v1  }
0x2f: {  	v60 =	vld.idx.msk [tilespmem:v2+s29+$0x0], $0xffff;
	_, v59, vm0 =	vpop (xrf1);
	_ =	sdelay $0x4  }
0x30: {  	v1 =	vadd.s32 v60, v59  }
0x31: {  	[tilespmem:v2+s29+$0x0] =	vst.idx.msk vm0, v1  }
0x32: {  	v2 =	vld [tilespmem:$0x40];
	_ =	sdelay $0x4  }
0x33: {  	(xrf1) =	vunique.msk.u32 $0xffff, v2;
	_ =	sdelay $0x9  }
0x34: {  	v1 =	vadd.s32 $0xFFFFFFFF, v1  }
0x35: {  	vm15 =	vlt.s32 v1, $0xA0  }
0x36: {  	v1 =	vsel vm15, $0x1, v0  }
0x37: {  	[tilespmem:$0x430] =	vst v1  }
0x38: {  	v62 =	vld.idx.msk [tilespmem:v2+s29+$0x0], $0xffff;
	_, v61, vm0 =	vpop (xrf1);
	_ =	sdelay $0x4  }
0x39: {  	v1 =	vadd.s32 v62, v61  }
0x3a: {  	[tilespmem:v2+s29+$0x0] =	vst.idx.msk vm0, v1  }
0x3b: {  	v2 =	vld [tilespmem:$0x50];
	_ =	sdelay $0x4  }
0x3c: {  	(xrf1) =	vunique.msk.u32 $0xffff, v2;
	_ =	sdelay $0x9  }
0x3d: {  	v1 =	vadd.s32 $0xFFFFFFFF, v1  }
0x3e: {  	vm4 =	vlt.s32 v1, $0xA0  }
0x3f: {  	v1 =	vsel vm4, $0x1, v0  }
0x40: {  	[tilespmem:$0x440] =	vst v1  }
0x41: {  	v6 =	vld.idx.msk [tilespmem:v2+s29+$0x0], $0xffff;
	_, v63, vm0 =	vpop (xrf1);
	_ =	sdelay $0x4  }
0x42: {  	v1 =	vadd.s32 v6, v63  }
0x43: {  	[tilespmem:v2+s29+$0x0] =	vst.idx.msk vm0, v1  }
0x44: {  	v2 =	vld [tilespmem:$0x60];
	_ =	sdelay $0x4  }
0x45: {  	(xrf1) =	vunique.msk.u32 $0xffff, v2;
	_ =	sdelay $0x9  }
0x46: {  	v1 =	vadd.s32 $0xFFFFFFFF, v1  }
0x47: {  	vm5 =	vlt.s32 v1, $0xA0  }
0x48: {  	v1 =	vsel vm5, $0x1, v0  }
0x49: {  	[tilespmem:$0x450] =	vst v1  }
0x4a: {  	v8 =	vld.idx.msk [tilespmem:v2+s29+$0x0], $0xffff;
	_, v7, vm0 =	vpop (xrf1);
	_ =	sdelay $0x4  }
0x4b: {  	v1 =	vadd.s32 v8, v7  }
0x4c: {  	[tilespmem:v2+s29+$0x0] =	vst.idx.msk vm0, v1  }
0x4d: {  	v2 =	vld [tilespmem:$0x70];
	_ =	sdelay $0x4  }
0x4e: {  	(xrf1) =	vunique.msk.u32 $0xffff, v2;
	_ =	sdelay $0x9  }
0x4f: {  	v1 =	vadd.s32 $0xFFFFFFFF, v1  }
0x50: {  	vm6 =	vlt.s32 v1, $0xA0  }
0x51: {  	v1 =	vsel vm6, $0x1, v0  }
0x52: {  	[tilespmem:$0x460] =	vst v1  }
0x53: {  	v10 =	vld.idx.msk [tilespmem:v2+s29+$0x0], $0xffff;
	_, v9, vm0 =	vpop (xrf1);
	_ =	sdelay $0x4  }
0x54: {  	v1 =	vadd.s32 v10, v9  }
0x55: {  	[tilespmem:v2+s29+$0x0] =	vst.idx.msk vm0, v1  }
0x56: {  	v2 =	vld [tilespmem:$0x80];
	_ =	sdelay $0x4  }
0x57: {  	(xrf1) =	vunique.msk.u32 $0xffff, v2;
	_ =	sdelay $0x9  }
0x58: {  	v1 =	vadd.s32 $0xFFFFFFFF, v1  }
0x59: {  	vm7 =	vlt.s32 v1, $0xA0  }
0x5a: {  	v1 =	vsel vm7, $0x1, v0  }
0x5b: {  	[tilespmem:$0x470] =	vst v1  }
0x5c: {  	v12 =	vld.idx.msk [tilespmem:v2+s29+$0x0], $0xffff;
	_, v11, vm0 =	vpop (xrf1);
	_ =	sdelay $0x4  }
0x5d: {  	v1 =	vadd.s32 v12, v11  }
0x5e: {  	[tilespmem:v2+s29+$0x0] =	vst.idx.msk vm0, v1  }
0x5f: {  	v2 =	vld [tilespmem:$0x90];
	_ =	sdelay $0x4  }
0x60: {  	(xrf1) =	vunique.msk.u32 $0xffff, v2;
	_ =	sdelay $0x9  }
0x61: {  	v1 =	vadd.s32 $0xFFFFFFFF, v1  }
0x62: {  	vm8 =	vlt.s32 v1, $0xA0  }
0x63: {  	v1 =	vsel vm8, $0x1, v0  }
0x64: {  	[tilespmem:$0x480] =	vst v1  }
0x65: {  	v14 =	vld.idx.msk [tilespmem:v2+s29+$0x0], $0xffff;
	_, v13, vm0 =	vpop (xrf1);
	_ =	sdelay $0x4  }
0x66: {  	v1 =	vadd.s32 v14, v13  }
0x67: {  	[tilespmem:v2+s29+$0x0] =	vst.idx.msk vm0, v1  }
0x68: {  	v2 =	vld [tilespmem:$0xA0];
	_ =	sdelay $0x4  }
0x69: {  	(xrf1) =	vunique.msk.u32 $0xffff, v2;
	_ =	sdelay $0x9  }
0x6a: {  	v1 =	vadd.s32 $0xFFFFFFFF, v1  }
0x6b: {  	vm9 =	vlt.s32 v1, $0xA0  }
0x6c: {  	v1 =	vsel vm9, $0x1, v0  }
0x6d: {  	[tilespmem:$0x490] =	vst v1  }
0x6e: {  	v16 =	vld.idx.msk [tilespmem:v2+s29+$0x0], $0xffff;
	_, v15, vm0 =	vpop (xrf1);
	_ =	sdelay $0x4  }
0x6f: {  	v1 =	vadd.s32 v16, v15  }
0x70: {  	[tilespmem:v2+s29+$0x0] =	vst.idx.msk vm0, v1  }
0x71: {  	v2 =	vld [tilespmem:$0xB0];
	_ =	sdelay $0x4  }
0x72: {  	(xrf1) =	vunique.msk.u32 $0xffff, v2;
	_ =	sdelay $0x9  }
0x73: {  	v1 =	vadd.s32 $0xFFFFFFFF, v1  }
0x74: {  	vm10 =	vlt.s32 v1, $0xA0  }
0x75: {  	v1 =	vsel vm10, $0x1, v0  }
0x76: {  	[tilespmem:$0x4A0] =	vst v1  }
0x77: {  	v18 =	vld.idx.msk [tilespmem:v2+s29+$0x0], $0xffff;
	_, v17, vm0 =	vpop (xrf1);
	_ =	sdelay $0x4  }
0x78: {  	v1 =	vadd.s32 v18, v17  }
0x79: {  	[tilespmem:v2+s29+$0x0] =	vst.idx.msk vm0, v1  }
0x7a: {  	v2 =	vld [tilespmem:$0xC0];
	_ =	sdelay $0x4  }
0x7b: {  	(xrf1) =	vunique.msk.u32 $0xffff, v2;
	_ =	sdelay $0x9  }
0x7c: {  	v1 =	vadd.s32 $0xFFFFFFFF, v1  }
0x7d: {  	vm11 =	vlt.s32 v1, $0xA0  }
0x7e: {  	v1 =	vsel vm11, $0x1, v0  }
0x7f: {  	[tilespmem:$0x4B0] =	vst v1  }
0x80: {  	v20 =	vld.idx.msk [tilespmem:v2+s29+$0x0], $0xffff;
	_, v19, vm0 =	vpop (xrf1);
	_ =	sdelay $0x4  }
0x81: {  	v1 =	vadd.s32 v20, v19  }
0x82: {  	[tilespmem:v2+s29+$0x0] =	vst.idx.msk vm0, v1  }
0x83: {  	v2 =	vld [tilespmem:$0xD0];
	_ =	sdelay $0x4  }
0x84: {  	(xrf1) =	vunique.msk.u32 $0xffff, v2;
	_ =	sdelay $0x9  }
0x85: {  	v1 =	vadd.s32 $0xFFFFFFFF, v1  }
0x86: {  	vm12 =	vlt.s32 v1, $0xA0  }
0x87: {  	v1 =	vsel vm12, $0x1, v0  }
0x88: {  	[tilespmem:$0x4C0] =	vst v1  }
0x89: {  	v22 =	vld.idx.msk [tilespmem:v2+s29+$0x0], $0xffff;
	_, v21, vm0 =	vpop (xrf1);
	_ =	sdelay $0x4  }
0x8a: {  	v1 =	vadd.s32 v22, v21  }
0x8b: {  	[tilespmem:v2+s29+$0x0] =	vst.idx.msk vm0, v1  }
0x8c: {  	v2 =	vld [tilespmem:$0xE0];
	_ =	sdelay $0x4  }
0x8d: {  	(xrf1) =	vunique.msk.u32 $0xffff, v2;
	_ =	sdelay $0x9  }
0x8e: {  	v1 =	vadd.s32 $0xFFFFFFFF, v1  }
0x8f: {  	vm13 =	vlt.s32 v1, $0xA0  }
0x90: {  	v1 =	vsel vm13, $0x1, v0  }
0x91: {  	[tilespmem:$0x4D0] =	vst v1  }
0x92: {  	v24 =	vld.idx.msk [tilespmem:v2+s29+$0x0], $0xffff;
	_, v23, vm0 =	vpop (xrf1);
	_ =	sdelay $0x4  }
0x93: {  	v1 =	vadd.s32 v24, v23  }
0x94: {  	[tilespmem:v2+s29+$0x0] =	vst.idx.msk vm0, v1  }
0x95: {  	v2 =	vld [tilespmem:$0xF0];
	_ =	sdelay $0x4  }
0x96: {  	(xrf1) =	vunique.msk.u32 $0xffff, v2;
	_ =	sdelay $0x9  }
0x97: {  	v1 =	vadd.s32 $0xFFFFFFFF, v1  }
0x98: {  	vm14 =	vlt.s32 v1, $0xA0  }
0x99: {  	v1 =	vsel vm14, $0x1, v0  }
0x9a: {  	[tilespmem:$0x4E0] =	vst v1  }
0x9b: {  	v26 =	vld.idx.msk [tilespmem:v2+s29+$0x0], $0xffff;
	_, v25, vm0 =	vpop (xrf1);
	_ =	sdelay $0x4  }
0x9c: {  	v1 =	vadd.s32 v26, v25  }
0x9d: {  	[tilespmem:v2+s29+$0x0] =	vst.idx.msk vm0, v1  }
0x9e: {  	v2 =	vld [tilespmem:$0x100];
	_ =	sdelay $0x4  }
0x9f: {  	(xrf1) =	vunique.msk.u32 $0xffff, v2;
	_ =	sdelay $0x9  }
0xa0: {  	v1 =	vadd.s32 $0xFFFFFFFF, v1  }
0xa1: {  	vm15 =	vlt.s32 v1, $0xA0  }
0xa2: {  	v1 =	vsel vm15, $0x1, v0  }
0xa3: {  	[tilespmem:$0x4F0] =	vst v1  }
0xa4: {  	v28 =	vld.idx.msk [tilespmem:v2+s29+$0x0], $0xffff;
	_, v27, vm0 =	vpop (xrf1);
	_ =	sdelay $0x4  }
0xa5: {  	v1 =	vadd.s32 v28, v27  }
0xa6: {  	[tilespmem:v2+s29+$0x0] =	vst.idx.msk vm0, v1  }
0xa7: {  	v2 =	vld [tilespmem:$0x110];
	_ =	sdelay $0x4  }
0xa8: {  	(xrf1) =	vunique.msk.u32 $0xffff, v2;
	_ =	sdelay $0x9  }
0xa9: {  	v1 =	vadd.s32 $0xFFFFFFFF, v1  }
0xaa: {  	vm4 =	vlt.s32 v1, $0xA0  }
0xab: {  	v1 =	vsel vm4, $0x1, v0  }
0xac: {  	[tilespmem:$0x500] =	vst v1  }
0xad: {  	v30 =	vld.idx.msk [tilespmem:v2+s29+$0x0], $0xffff;
	_, v29, vm0 =	vpop (xrf1);
	_ =	sdelay $0x4  }
0xae: {  	v1 =	vadd.s32 v30, v29  }
0xaf: {  	[tilespmem:v2+s29+$0x0] =	vst.idx.msk vm0, v1  }
0xb0: {  	v2 =	vld [tilespmem:$0x120];
	_ =	sdelay $0x4  }
0xb1: {  	(xrf1) =	vunique.msk.u32 $0xffff, v2;
	_ =	sdelay $0x9  }
0xb2: {  	v1 =	vadd.s32 $0xFFFFFFFF, v1  }
0xb3: {  	vm5 =	vlt.s32 v1, $0xA0  }
0xb4: {  	v1 =	vsel vm5, $0x1, v0  }
0xb5: {  	[tilespmem:$0x510] =	vst v1  }
0xb6: {  	v32 =	vld.idx.msk [tilespmem:v2+s29+$0x0], $0xffff;
	_, v31, vm0 =	vpop (xrf1);
	_ =	sdelay $0x4  }
0xb7: {  	v1 =	vadd.s32 v32, v31  }
0xb8: {  	[tilespmem:v2+s29+$0x0] =	vst.idx.msk vm0, v1  }
0xb9: {  	v2 =	vld [tilespmem:$0x130];
	_ =	sdelay $0x4  }
0xba: {  	(xrf1) =	vunique.msk.u32 $0xffff, v2;
	_ =	sdelay $0x9  }
0xbb: {  	v1 =	vadd.s32 $0xFFFFFFFF, v1  }
0xbc: {  	vm6 =	vlt.s32 v1, $0xA0  }
0xbd: {  	v1 =	vsel vm6, $0x1, v0  }
0xbe: {  	[tilespmem:$0x520] =	vst v1  }
0xbf: {  	v34 =	vld.idx.msk [tilespmem:v2+s29+$0x0], $0xffff;
	_, v33, vm0 =	vpop (xrf1);
	_ =	sdelay $0x4  }
0xc0: {  	v1 =	vadd.s32 v34, v33  }
0xc1: {  	[tilespmem:v2+s29+$0x0] =	vst.idx.msk vm0, v1  }
0xc2: {  	v2 =	vld [tilespmem:$0x140];
	_ =	sdelay $0x4  }
0xc3: {  	(xrf1) =	vunique.msk.u32 $0xffff, v2;
	_ =	sdelay $0x9  }
0xc4: {  	v1 =	vadd.s32 $0xFFFFFFFF, v1  }
0xc5: {  	vm7 =	vlt.s32 v1, $0xA0  }
0xc6: {  	v1 =	vsel vm7, $0x1, v0  }
0xc7: {  	[tilespmem:$0x530] =	vst v1  }
0xc8: {  	v36 =	vld.idx.msk [tilespmem:v2+s29+$0x0], $0xffff;
	_, v35, vm0 =	vpop (xrf1);
	_ =	sdelay $0x4  }
0xc9: {  	v1 =	vadd.s32 v36, v35  }
0xca: {  	[tilespmem:v2+s29+$0x0] =	vst.idx.msk vm0, v1  }
0xcb: {  	v2 =	vld [tilespmem:$0x150];
	_ =	sdelay $0x4  }
0xcc: {  	(xrf1) =	vunique.msk.u32 $0xffff, v2;
	_ =	sdelay $0x9  }
0xcd: {  	v1 =	vadd.s32 $0xFFFFFFFF, v1  }
0xce: {  	vm8 =	vlt.s32 v1, $0xA0  }
0xcf: {  	v1 =	vsel vm8, $0x1, v0  }
0xd0: {  	[tilespmem:$0x540] =	vst v1  }
0xd1: {  	v38 =	vld.idx.msk [tilespmem:v2+s29+$0x0], $0xffff;
	_, v37, vm0 =	vpop (xrf1);
	_ =	sdelay $0x4  }
0xd2: {  	v1 =	vadd.s32 v38, v37  }
0xd3: {  	[tilespmem:v2+s29+$0x0] =	vst.idx.msk vm0, v1  }
0xd4: {  	v2 =	vld [tilespmem:$0x160];
	_ =	sdelay $0x4  }
0xd5: {  	(xrf1) =	vunique.msk.u32 $0xffff, v2;
	_ =	sdelay $0x9  }
0xd6: {  	v1 =	vadd.s32 $0xFFFFFFFF, v1  }
0xd7: {  	vm9 =	vlt.s32 v1, $0xA0  }
0xd8: {  	v1 =	vsel vm9, $0x1, v0  }
0xd9: {  	[tilespmem:$0x550] =	vst v1  }
0xda: {  	v40 =	vld.idx.msk [tilespmem:v2+s29+$0x0], $0xffff;
	_, v39, vm0 =	vpop (xrf1);
	_ =	sdelay $0x4  }
0xdb: {  	v1 =	vadd.s32 v40, v39  }
0xdc: {  	[tilespmem:v2+s29+$0x0] =	vst.idx.msk vm0, v1  }
0xdd: {  	v2 =	vld [tilespmem:$0x170];
	_ =	sdelay $0x4  }
0xde: {  	(xrf1) =	vunique.msk.u32 $0xffff, v2;
	_ =	sdelay $0x9  }
0xdf: {  	v1 =	vadd.s32 $0xFFFFFFFF, v1  }
0xe0: {  	vm10 =	vlt.s32 v1, $0xA0  }
0xe1: {  	v1 =	vsel vm10, $0x1, v0  }
0xe2: {  	[tilespmem:$0x560] =	vst v1  }
0xe3: {  	v42 =	vld.idx.msk [tilespmem:v2+s29+$0x0], $0xffff;
	_, v41, vm0 =	vpop (xrf1);
	_ =	sdelay $0x4  }
0xe4: {  	v1 =	vadd.s32 v42, v41  }
0xe5: {  	[tilespmem:v2+s29+$0x0] =	vst.idx.msk vm0, v1  }
0xe6: {  	v2 =	vld [tilespmem:$0x180];
	_ =	sdelay $0x4  }
0xe7: {  	(xrf1) =	vunique.msk.u32 $0xffff, v2;
	_ =	sdelay $0x9  }
0xe8: {  	v1 =	vadd.s32 $0xFFFFFFFF, v1  }
0xe9: {  	vm11 =	vlt.s32 v1, $0xA0  }
0xea: {  	v1 =	vsel vm11, $0x1, v0  }
0xeb: {  	[tilespmem:$0x570] =	vst v1  }
0xec: {  	v44 =	vld.idx.msk [tilespmem:v2+s29+$0x0], $0xffff;
	_, v43, vm0 =	vpop (xrf1);
	_ =	sdelay $0x4  }
0xed: {  	v1 =	vadd.s32 v44, v43  }
0xee: {  	[tilespmem:v2+s29+$0x0] =	vst.idx.msk vm0, v1  }
0xef: {  	v2 =	vld [tilespmem:$0x190];
	_ =	sdelay $0x4  }
0xf0: {  	(xrf1) =	vunique.msk.u32 $0xffff, v2;
	_ =	sdelay $0x9  }
0xf1: {  	v1 =	vadd.s32 $0xFFFFFFFF, v1  }
0xf2: {  	vm12 =	vlt.s32 v1, $0xA0  }
0xf3: {  	v1 =	vsel vm12, $0x1, v0  }
0xf4: {  	[tilespmem:$0x580] =	vst v1  }
0xf5: {  	v46 =	vld.idx.msk [tilespmem:v2+s29+$0x0], $0xffff;
	_, v45, vm0 =	vpop (xrf1);
	_ =	sdelay $0x4  }
0xf6: {  	v1 =	vadd.s32 v46, v45  }
0xf7: {  	[tilespmem:v2+s29+$0x0] =	vst.idx.msk vm0, v1  }
0xf8: {  	v2 =	vld [tilespmem:$0x1A0];
	_ =	sdelay $0x4  }
0xf9: {  	(xrf1) =	vunique.msk.u32 $0xffff, v2;
	_ =	sdelay $0x9  }
0xfa: {  	v1 =	vadd.s32 $0xFFFFFFFF, v1  }
0xfb: {  	vm13 =	vlt.s32 v1, $0xA0  }
0xfc: {  	v1 =	vsel vm13, $0x1, v0  }
0xfd: {  	[tilespmem:$0x590] =	vst v1  }
0xfe: {  	v48 =	vld.idx.msk [tilespmem:v2+s29+$0x0], $0xffff;
	_, v47, vm0 =	vpop (xrf1);
	_ =	sdelay $0x4  }
0xff: {  	v1 =	vadd.s32 v48, v47  }
0x100: {  	[tilespmem:v2+s29+$0x0] =	vst.idx.msk vm0, v1  }
0x101: {  	v2 =	vld [tilespmem:$0x1B0];
	_ =	sdelay $0x4  }
0x102: {  	(xrf1) =	vunique.msk.u32 $0xffff, v2;
	_ =	sdelay $0x9  }
0x103: {  	v1 =	vadd.s32 $0xFFFFFFFF, v1  }
0x104: {  	vm14 =	vlt.s32 v1, $0xA0  }
0x105: {  	v1 =	vsel vm14, $0x1, v0  }
0x106: {  	[tilespmem:$0x5A0] =	vst v1  }
0x107: {  	v50 =	vld.idx.msk [tilespmem:v2+s29+$0x0], $0xffff;
	_, v49, vm0 =	vpop (xrf1);
	_ =	sdelay $0x4  }
0x108: {  	v1 =	vadd.s32 v50, v49  }
0x109: {  	[tilespmem:v2+s29+$0x0] =	vst.idx.msk vm0, v1  }
0x10a: {  	v2 =	vld [tilespmem:$0x1C0];
	_ =	sdelay $0x4  }
0x10b: {  	(xrf1) =	vunique.msk.u32 $0xffff, v2;
	_ =	sdelay $0x9  }
0x10c: {  	v1 =	vadd.s32 $0xFFFFFFFF, v1  }
0x10d: {  	vm15 =	vlt.s32 v1, $0xA0  }
0x10e: {  	v1 =	vsel vm15, $0x1, v0  }
0x10f: {  	[tilespmem:$0x5B0] =	vst v1  }
0x110: {  	v52 =	vld.idx.msk [tilespmem:v2+s29+$0x0], $0xffff;
	_, v51, vm0 =	vpop (xrf1);
	_ =	sdelay $0x4  }
0x111: {  	v1 =	vadd.s32 v52, v51  }
0x112: {  	[tilespmem:v2+s29+$0x0] =	vst.idx.msk vm0, v1  }
0x113: {  	v2 =	vld [tilespmem:$0x1D0];
	_ =	sdelay $0x4  }
0x114: {  	(xrf1) =	vunique.msk.u32 $0xffff, v2;
	_ =	sdelay $0x9  }
0x115: {  	v1 =	vadd.s32 $0xFFFFFFFF, v1  }
0x116: {  	vm4 =	vlt.s32 v1, $0xA0  }
0x117: {  	v1 =	vsel vm4, $0x1, v0  }
0x118: {  	[tilespmem:$0x5C0] =	vst v1  }
0x119: {  	v54 =	vld.idx.msk [tilespmem:v2+s29+$0x0], $0xffff;
	_, v53, vm0 =	vpop (xrf1);
	_ =	sdelay $0x4  }
0x11a: {  	v1 =	vadd.s32 v54, v53  }
0x11b: {  	[tilespmem:v2+s29+$0x0] =	vst.idx.msk vm0, v1  }
0x11c: {  	v2 =	vld [tilespmem:$0x1E0];
	_ =	sdelay $0x4  }
0x11d: {  	(xrf1) =	vunique.msk.u32 $0xffff, v2;
	_ =	sdelay $0x9  }
0x11e: {  	v1 =	vadd.s32 $0xFFFFFFFF, v1  }
0x11f: {  	vm5 =	vlt.s32 v1, $0xA0  }
0x120: {  	v1 =	vsel vm5, $0x1, v0  }
0x121: {  	[tilespmem:$0x5D0] =	vst v1  }
0x122: {  	v56 =	vld.idx.msk [tilespmem:v2+s29+$0x0], $0xffff;
	_, v55, vm0 =	vpop (xrf1);
	_ =	sdelay $0x4  }
0x123: {  	v1 =	vadd.s32 v56, v55  }
0x124: {  	[tilespmem:v2+s29+$0x0] =	vst.idx.msk vm0, v1  }
0x125: {  	v2 =	vld [tilespmem:$0x1F0];
	_ =	sdelay $0x4  }
0x126: {  	(xrf1) =	vunique.msk.u32 $0xffff, v2;
	_ =	sdelay $0x9  }
0x127: {  	v1 =	vadd.s32 $0xFFFFFFFF, v1  }
0x128: {  	vm6 =	vlt.s32 v1, $0xA0  }
0x129: {  	v1 =	vsel vm6, $0x1, v0  }
0x12a: {  	[tilespmem:$0x5E0] =	vst v1  }
0x12b: {  	v58 =	vld.idx.msk [tilespmem:v2+s29+$0x0], $0xffff;
	_, v57, vm0 =	vpop (xrf1);
	_ =	sdelay $0x4  }
0x12c: {  	v1 =	vadd.s32 v58, v57  }
0x12d: {  	[tilespmem:v2+s29+$0x0] =	vst.idx.msk vm0, v1  }
0x12e: {  	v2 =	vld [tilespmem:$0x200];
	_ =	sdelay $0x4  }
0x12f: {  	(xrf1) =	vunique.msk.u32 $0xffff, v2;
	_ =	sdelay $0x9  }
0x130: {  	v1 =	vadd.s32 $0xFFFFFFFF, v1  }
0x131: {  	vm7 =	vlt.s32 v1, $0xA0  }
0x132: {  	v1 =	vsel vm7, $0x1, v0  }
0x133: {  	[tilespmem:$0x5F0] =	vst v1  }
0x134: {  	v60 =	vld.idx.msk [tilespmem:v2+s29+$0x0], $0xffff;
	_, v59, vm0 =	vpop (xrf1);
	_ =	sdelay $0x4  }
0x135: {  	v1 =	vadd.s32 v60, v59  }
0x136: {  	[tilespmem:v2+s29+$0x0] =	vst.idx.msk vm0, v1  }
0x137: {  	v2 =	vld [tilespmem:$0x210];
	_ =	sdelay $0x4  }
0x138: {  	(xrf1) =	vunique.msk.u32 $0xffff, v2;
	_ =	sdelay $0x9  }
0x139: {  	v1 =	vadd.s32 $0xFFFFFFFF, v1  }
0x13a: {  	vm8 =	vlt.s32 v1, $0xA0  }
0x13b: {  	v1 =	vsel vm8, $0x1, v0  }
0x13c: {  	[tilespmem:$0x600] =	vst v1  }
0x13d: {  	v62 =	vld.idx.msk [tilespmem:v2+s29+$0x0], $0xffff;
	_, v61, vm0 =	vpop (xrf1);
	_ =	sdelay $0x4  }
0x13e: {  	v1 =	vadd.s32 v62, v61  }
0x13f: {  	[tilespmem:v2+s29+$0x0] =	vst.idx.msk vm0, v1  }
0x140: {  	v2 =	vld [tilespmem:$0x220];
	_ =	sdelay $0x4  }
0x141: {  	(xrf1) =	vunique.msk.u32 $0xffff, v2;
	_ =	sdelay $0x9  }
0x142: {  	v1 =	vadd.s32 $0xFFFFFFFF, v1  }
0x143: {  	vm9 =	vlt.s32 v1, $0xA0  }
0x144: {  	v1 =	vsel vm9, $0x1, v0  }
0x145: {  	[tilespmem:$0x610] =	vst v1  }
0x146: {  	v6 =	vld.idx.msk [tilespmem:v2+s29+$0x0], $0xffff;
	_, v63, vm0 =	vpop (xrf1);
	_ =	sdelay $0x4  }
0x147: {  	v1 =	vadd.s32 v6, v63  }
0x148: {  	[tilespmem:v2+s29+$0x0] =	vst.idx.msk vm0, v1  }
0x149: {  	v2 =	vld [tilespmem:$0x230];
	_ =	sdelay $0x4  }
0x14a: {  	(xrf1) =	vunique.msk.u32 $0xffff, v2;
	_ =	sdelay $0x9  }
0x14b: {  	v1 =	vadd.s32 $0xFFFFFFFF, v1  }
0x14c: {  	vm10 =	vlt.s32 v1, $0xA0  }
0x14d: {  	v1 =	vsel vm10, $0x1, v0  }
0x14e: {  	[tilespmem:$0x620] =	vst v1  }
0x14f: {  	v8 =	vld.idx.msk [tilespmem:v2+s29+$0x0], $0xffff;
	_, v7, vm0 =	vpop (xrf1);
	_ =	sdelay $0x4  }
0x150: {  	v1 =	vadd.s32 v8, v7  }
0x151: {  	[tilespmem:v2+s29+$0x0] =	vst.idx.msk vm0, v1  }
0x152: {  	v2 =	vld [tilespmem:$0x240];
	_ =	sdelay $0x4  }
0x153: {  	(xrf1) =	vunique.msk.u32 $0xffff, v2;
	_ =	sdelay $0x9  }
0x154: {  	v1 =	vadd.s32 $0xFFFFFFFF, v1  }
0x155: {  	vm11 =	vlt.s32 v1, $0xA0  }
0x156: {  	v1 =	vsel vm11, $0x1, v0  }
0x157: {  	[tilespmem:$0x630] =	vst v1  }
0x158: {  	v10 =	vld.idx.msk [tilespmem:v2+s29+$0x0], $0xffff;
	_, v9, vm0 =	vpop (xrf1);
	_ =	sdelay $0x4  }
0x159: {  	v1 =	vadd.s32 v10, v9  }
0x15a: {  	[tilespmem:v2+s29+$0x0] =	vst.idx.msk vm0, v1  }
0x15b: {  	v2 =	vld [tilespmem:$0x250];
	_ =	sdelay $0x4  }
0x15c: {  	(xrf1) =	vunique.msk.u32 $0xffff, v2;
	_ =	sdelay $0x9  }
0x15d: {  	v1 =	vadd.s32 $0xFFFFFFFF, v1  }
0x15e: {  	vm12 =	vlt.s32 v1, $0xA0  }
0x15f: {  	v1 =	vsel vm12, $0x1, v0  }
0x160: {  	[tilespmem:$0x640] =	vst v1  }
0x161: {  	v12 =	vld.idx.msk [tilespmem:v2+s29+$0x0], $0xffff;
	_, v11, vm0 =	vpop (xrf1);
	_ =	sdelay $0x4  }
0x162: {  	v1 =	vadd.s32 v12, v11  }
0x163: {  	[tilespmem:v2+s29+$0x0] =	vst.idx.msk vm0, v1  }
0x164: {  	v2 =	vld [tilespmem:$0x260];
	_ =	sdelay $0x4  }
0x165: {  	(xrf1) =	vunique.msk.u32 $0xffff, v2;
	_ =	sdelay $0x9  }
0x166: {  	v1 =	vadd.s32 $0xFFFFFFFF, v1  }
0x167: {  	vm13 =	vlt.s32 v1, $0xA0  }
0x168: {  	v1 =	vsel vm13, $0x1, v0  }
0x169: {  	[tilespmem:$0x650] =	vst v1  }
0x16a: {  	v14 =	vld.idx.msk [tilespmem:v2+s29+$0x0], $0xffff;
	_, v13, vm0 =	vpop (xrf1);
	_ =	sdelay $0x4  }
0x16b: {  	v1 =	vadd.s32 v14, v13  }
0x16c: {  	[tilespmem:v2+s29+$0x0] =	vst.idx.msk vm0, v1  }
0x16d: {  	v2 =	vld [tilespmem:$0x270];
	_ =	sdelay $0x4  }
0x16e: {  	(xrf1) =	vunique.msk.u32 $0xffff, v2;
	_ =	sdelay $0x9  }
0x16f: {  	v1 =	vadd.s32 $0xFFFFFFFF, v1  }
0x170: {  	vm14 =	vlt.s32 v1, $0xA0  }
0x171: {  	v1 =	vsel vm14, $0x1, v0  }
0x172: {  	[tilespmem:$0x660] =	vst v1  }
0x173: {  	v16 =	vld.idx.msk [tilespmem:v2+s29+$0x0], $0xffff;
	_, v15, vm0 =	vpop (xrf1);
	_ =	sdelay $0x4  }
0x174: {  	v1 =	vadd.s32 v16, v15  }
0x175: {  	[tilespmem:v2+s29+$0x0] =	vst.idx.msk vm0, v1  }
0x176: {  	v2 =	vld [tilespmem:$0x280];
	_ =	sdelay $0x4  }
0x177: {  	(xrf1) =	vunique.msk.u32 $0xffff, v2;
	_ =	sdelay $0x9  }
0x178: {  	v1 =	vadd.s32 $0xFFFFFFFF, v1  }
0x179: {  	vm15 =	vlt.s32 v1, $0xA0  }
0x17a: {  	v1 =	vsel vm15, $0x1, v0  }
0x17b: {  	[tilespmem:$0x670] =	vst v1  }
0x17c: {  	v18 =	vld.idx.msk [tilespmem:v2+s29+$0x0], $0xffff;
	_, v17, vm0 =	vpop (xrf1);
	_ =	sdelay $0x4  }
0x17d: {  	v1 =	vadd.s32 v18, v17  }
0x17e: {  	[tilespmem:v2+s29+$0x0] =	vst.idx.msk vm0, v1  }
0x17f: {  	v2 =	vld [tilespmem:$0x290];
	_ =	sdelay $0x4  }
0x180: {  	(xrf1) =	vunique.msk.u32 $0xffff, v2;
	_ =	sdelay $0x9  }
0x181: {  	v1 =	vadd.s32 $0xFFFFFFFF, v1  }
0x182: {  	vm4 =	vlt.s32 v1, $0xA0  }
0x183: {  	v1 =	vsel vm4, $0x1, v0  }
0x184: {  	[tilespmem:$0x680] =	vst v1  }
0x185: {  	v20 =	vld.idx.msk [tilespmem:v2+s29+$0x0], $0xffff;
	_, v19, vm0 =	vpop (xrf1);
	_ =	sdelay $0x4  }
0x186: {  	v1 =	vadd.s32 v20, v19  }
0x187: {  	[tilespmem:v2+s29+$0x0] =	vst.idx.msk vm0, v1  }
0x188: {  	v2 =	vld [tilespmem:$0x2A0];
	_ =	sdelay $0x4  }
0x189: {  	(xrf1) =	vunique.msk.u32 $0xffff, v2;
	_ =	sdelay $0x9  }
0x18a: {  	v1 =	vadd.s32 $0xFFFFFFFF, v1  }
0x18b: {  	vm5 =	vlt.s32 v1, $0xA0  }
0x18c: {  	v1 =	vsel vm5, $0x1, v0  }
0x18d: {  	[tilespmem:$0x690] =	vst v1  }
0x18e: {  	v22 =	vld.idx.msk [tilespmem:v2+s29+$0x0], $0xffff;
	_, v21, vm0 =	vpop (xrf1);
	_ =	sdelay $0x4  }
0x18f: {  	v1 =	vadd.s32 v22, v21  }
0x190: {  	[tilespmem:v2+s29+$0x0] =	vst.idx.msk vm0, v1  }
0x191: {  	v2 =	vld [tilespmem:$0x2B0];
	_ =	sdelay $0x4  }
0x192: {  	(xrf1) =	vunique.msk.u32 $0xffff, v2;
	_ =	sdelay $0x9  }
0x193: {  	v1 =	vadd.s32 $0xFFFFFFFF, v1  }
0x194: {  	vm6 =	vlt.s32 v1, $0xA0  }
0x195: {  	v1 =	vsel vm6, $0x1, v0  }
0x196: {  	[tilespmem:$0x6A0] =	vst v1  }
0x197: {  	v24 =	vld.idx.msk [tilespmem:v2+s29+$0x0], $0xffff;
	_, v23, vm0 =	vpop (xrf1);
	_ =	sdelay $0x4  }
0x198: {  	v1 =	vadd.s32 v24, v23  }
0x199: {  	[tilespmem:v2+s29+$0x0] =	vst.idx.msk vm0, v1  }
0x19a: {  	v2 =	vld [tilespmem:$0x2C0];
	_ =	sdelay $0x4  }
0x19b: {  	(xrf1) =	vunique.msk.u32 $0xffff, v2;
	_ =	sdelay $0x9  }
0x19c: {  	v1 =	vadd.s32 $0xFFFFFFFF, v1  }
0x19d: {  	vm7 =	vlt.s32 v1, $0xA0  }
0x19e: {  	v1 =	vsel vm7, $0x1, v0  }
0x19f: {  	[tilespmem:$0x6B0] =	vst v1  }
0x1a0: {  	v26 =	vld.idx.msk [tilespmem:v2+s29+$0x0], $0xffff;
	_, v25, vm0 =	vpop (xrf1);
	_ =	sdelay $0x4  }
0x1a1: {  	v1 =	vadd.s32 v26, v25  }
0x1a2: {  	[tilespmem:v2+s29+$0x0] =	vst.idx.msk vm0, v1  }
0x1a3: {  	v2 =	vld [tilespmem:$0x2D0];
	_ =	sdelay $0x4  }
0x1a4: {  	(xrf1) =	vunique.msk.u32 $0xffff, v2;
	_ =	sdelay $0x9  }
0x1a5: {  	v1 =	vadd.s32 $0xFFFFFFFF, v1  }
0x1a6: {  	vm8 =	vlt.s32 v1, $0xA0  }
0x1a7: {  	v1 =	vsel vm8, $0x1, v0  }
0x1a8: {  	[tilespmem:$0x6C0] =	vst v1  }
0x1a9: {  	v28 =	vld.idx.msk [tilespmem:v2+s29+$0x0], $0xffff;
	_, v27, vm0 =	vpop (xrf1);
	_ =	sdelay $0x4  }
0x1aa: {  	v1 =	vadd.s32 v28, v27  }
0x1ab: {  	[tilespmem:v2+s29+$0x0] =	vst.idx.msk vm0, v1  }
0x1ac: {  	v2 =	vld [tilespmem:$0x2E0];
	_ =	sdelay $0x4  }
0x1ad: {  	(xrf1) =	vunique.msk.u32 $0xffff, v2;
	_ =	sdelay $0x9  }
0x1ae: {  	v1 =	vadd.s32 $0xFFFFFFFF, v1  }
0x1af: {  	vm9 =	vlt.s32 v1, $0xA0  }
0x1b0: {  	v1 =	vsel vm9, $0x1, v0  }
0x1b1: {  	[tilespmem:$0x6D0] =	vst v1  }
0x1b2: {  	v30 =	vld.idx.msk [tilespmem:v2+s29+$0x0], $0xffff;
	_, v29, vm0 =	vpop (xrf1);
	_ =	sdelay $0x4  }
0x1b3: {  	v1 =	vadd.s32 v30, v29  }
0x1b4: {  	[tilespmem:v2+s29+$0x0] =	vst.idx.msk vm0, v1  }
0x1b5: {  	v2 =	vld [tilespmem:$0x2F0];
	_ =	sdelay $0x4  }
0x1b6: {  	(xrf1) =	vunique.msk.u32 $0xffff, v2;
	_ =	sdelay $0x9  }
0x1b7: {  	v1 =	vadd.s32 $0xFFFFFFFF, v1  }
0x1b8: {  	vm10 =	vlt.s32 v1, $0xA0  }
0x1b9: {  	v1 =	vsel vm10, $0x1, v0  }
0x1ba: {  	[tilespmem:$0x6E0] =	vst v1  }
0x1bb: {  	v32 =	vld.idx.msk [tilespmem:v2+s29+$0x0], $0xffff;
	_, v31, vm0 =	vpop (xrf1);
	_ =	sdelay $0x4  }
0x1bc: {  	v1 =	vadd.s32 v32, v31  }
0x1bd: {  	[tilespmem:v2+s29+$0x0] =	vst.idx.msk vm0, v1  }
0x1be: {  	v2 =	vld [tilespmem:$0x300];
	_ =	sdelay $0x4  }
0x1bf: {  	(xrf1) =	vunique.msk.u32 $0xffff, v2;
	_ =	sdelay $0x9  }
0x1c0: {  	v1 =	vadd.s32 $0xFFFFFFFF, v1  }
0x1c1: {  	vm11 =	vlt.s32 v1, $0xA0  }
0x1c2: {  	v1 =	vsel vm11, $0x1, v0  }
0x1c3: {  	[tilespmem:$0x6F0] =	vst v1  }
0x1c4: {  	v34 =	vld.idx.msk [tilespmem:v2+s29+$0x0], $0xffff;
	_, v33, vm0 =	vpop (xrf1);
	_ =	sdelay $0x4  }
0x1c5: {  	v1 =	vadd.s32 v34, v33  }
0x1c6: {  	[tilespmem:v2+s29+$0x0] =	vst.idx.msk vm0, v1  }
0x1c7: {  	v2 =	vld [tilespmem:$0x310];
	_ =	sdelay $0x4  }
0x1c8: {  	(xrf1) =	vunique.msk.u32 $0xffff, v2;
	_ =	sdelay $0x9  }
0x1c9: {  	v1 =	vadd.s32 $0xFFFFFFFF, v1  }
0x1ca: {  	vm12 =	vlt.s32 v1, $0xA0  }
0x1cb: {  	v1 =	vsel vm12, $0x1, v0  }
0x1cc: {  	[tilespmem:$0x700] =	vst v1  }
0x1cd: {  	v36 =	vld.idx.msk [tilespmem:v2+s29+$0x0], $0xffff;
	_, v35, vm0 =	vpop (xrf1);
	_ =	sdelay $0x4  }
0x1ce: {  	v1 =	vadd.s32 v36, v35  }
0x1cf: {  	[tilespmem:v2+s29+$0x0] =	vst.idx.msk vm0, v1  }
0x1d0: {  	v2 =	vld [tilespmem:$0x320];
	_ =	sdelay $0x4  }
0x1d1: {  	(xrf1) =	vunique.msk.u32 $0xffff, v2;
	_ =	sdelay $0x9  }
0x1d2: {  	v1 =	vadd.s32 $0xFFFFFFFF, v1  }
0x1d3: {  	vm13 =	vlt.s32 v1, $0xA0  }
0x1d4: {  	v1 =	vsel vm13, $0x1, v0  }
0x1d5: {  	[tilespmem:$0x710] =	vst v1  }
0x1d6: {  	v38 =	vld.idx.msk [tilespmem:v2+s29+$0x0], $0xffff;
	_, v37, vm0 =	vpop (xrf1);
	_ =	sdelay $0x4  }
0x1d7: {  	v1 =	vadd.s32 v38, v37  }
0x1d8: {  	[tilespmem:v2+s29+$0x0] =	vst.idx.msk vm0, v1  }
0x1d9: {  	v2 =	vld [tilespmem:$0x330];
	_ =	sdelay $0x4  }
0x1da: {  	(xrf1) =	vunique.msk.u32 $0xffff, v2;
	_ =	sdelay $0x9  }
0x1db: {  	v1 =	vadd.s32 $0xFFFFFFFF, v1  }
0x1dc: {  	vm14 =	vlt.s32 v1, $0xA0  }
0x1dd: {  	v1 =	vsel vm14, $0x1, v0  }
0x1de: {  	[tilespmem:$0x720] =	vst v1  }
0x1df: {  	v40 =	vld.idx.msk [tilespmem:v2+s29+$0x0], $0xffff;
	_, v39, vm0 =	vpop (xrf1);
	_ =	sdelay $0x4  }
0x1e0: {  	v1 =	vadd.s32 v40, v39  }
0x1e1: {  	[tilespmem:v2+s29+$0x0] =	vst.idx.msk vm0, v1  }
0x1e2: {  	v2 =	vld [tilespmem:$0x340];
	_ =	sdelay $0x4  }
0x1e3: {  	(xrf1) =	vunique.msk.u32 $0xffff, v2;
	_ =	sdelay $0x9  }
0x1e4: {  	v1 =	vadd.s32 $0xFFFFFFFF, v1  }
0x1e5: {  	vm15 =	vlt.s32 v1, $0xA0  }
0x1e6: {  	v1 =	vsel vm15, $0x1, v0  }
0x1e7: {  	[tilespmem:$0x730] =	vst v1  }
0x1e8: {  	v42 =	vld.idx.msk [tilespmem:v2+s29+$0x0], $0xffff;
	_, v41, vm0 =	vpop (xrf1);
	_ =	sdelay $0x4  }
0x1e9: {  	v1 =	vadd.s32 v42, v41  }
0x1ea: {  	[tilespmem:v2+s29+$0x0] =	vst.idx.msk vm0, v1  }
0x1eb: {  	v2 =	vld [tilespmem:$0x350];
	_ =	sdelay $0x4  }
0x1ec: {  	(xrf1) =	vunique.msk.u32 $0xffff, v2;
	_ =	sdelay $0x9  }
0x1ed: {  	v1 =	vadd.s32 $0xFFFFFFFF, v1  }
0x1ee: {  	vm4 =	vlt.s32 v1, $0xA0  }
0x1ef: {  	v1 =	vsel vm4, $0x1, v0  }
0x1f0: {  	[tilespmem:$0x740] =	vst v1  }
0x1f1: {  	v44 =	vld.idx.msk [tilespmem:v2+s29+$0x0], $0xffff;
	_, v43, vm0 =	vpop (xrf1);
	_ =	sdelay $0x4  }
0x1f2: {  	v1 =	vadd.s32 v44, v43  }
0x1f3: {  	[tilespmem:v2+s29+$0x0] =	vst.idx.msk vm0, v1  }
0x1f4: {  	v2 =	vld [tilespmem:$0x360];
	_ =	sdelay $0x4  }
0x1f5: {  	(xrf1) =	vunique.msk.u32 $0xffff, v2;
	_ =	sdelay $0x9  }
0x1f6: {  	v1 =	vadd.s32 $0xFFFFFFFF, v1  }
0x1f7: {  	vm5 =	vlt.s32 v1, $0xA0  }
0x1f8: {  	v1 =	vsel vm5, $0x1, v0  }
0x1f9: {  	[tilespmem:$0x750] =	vst v1  }
0x1fa: {  	v46 =	vld.idx.msk [tilespmem:v2+s29+$0x0], $0xffff;
	_, v45, vm0 =	vpop (xrf1);
	_ =	sdelay $0x4  }
0x1fb: {  	v1 =	vadd.s32 v46, v45  }
0x1fc: {  	[tilespmem:v2+s29+$0x0] =	vst.idx.msk vm0, v1  }
0x1fd: {  	v2 =	vld [tilespmem:$0x370];
	_ =	sdelay $0x4  }
0x1fe: {  	(xrf1) =	vunique.msk.u32 $0xffff, v2;
	_ =	sdelay $0x9  }
0x1ff: {  	v1 =	vadd.s32 $0xFFFFFFFF, v1  }
0x200: {  	vm6 =	vlt.s32 v1, $0xA0  }
0x201: {  	v1 =	vsel vm6, $0x1, v0  }
0x202: {  	[tilespmem:$0x760] =	vst v1  }
0x203: {  	v48 =	vld.idx.msk [tilespmem:v2+s29+$0x0], $0xffff;
	_, v47, vm0 =	vpop (xrf1);
	_ =	sdelay $0x4  }
0x204: {  	v1 =	vadd.s32 v48, v47  }
0x205: {  	[tilespmem:v2+s29+$0x0] =	vst.idx.msk vm0, v1  }
0x206: {  	v2 =	vld [tilespmem:$0x380];
	_ =	sdelay $0x4  }
0x207: {  	(xrf1) =	vunique.msk.u32 $0xffff, v2;
	_ =	sdelay $0x9  }
0x208: {  	v1 =	vadd.s32 $0xFFFFFFFF, v1  }
0x209: {  	vm7 =	vlt.s32 v1, $0xA0  }
0x20a: {  	v1 =	vsel vm7, $0x1, v0  }
0x20b: {  	[tilespmem:$0x770] =	vst v1  }
0x20c: {  	v50 =	vld.idx.msk [tilespmem:v2+s29+$0x0], $0xffff;
	_, v49, vm0 =	vpop (xrf1);
	_ =	sdelay $0x4  }
0x20d: {  	v1 =	vadd.s32 v50, v49  }
0x20e: {  	[tilespmem:v2+s29+$0x0] =	vst.idx.msk vm0, v1  }
0x20f: {  	v2 =	vld [tilespmem:$0x390];
	_ =	sdelay $0x4  }
0x210: {  	(xrf1) =	vunique.msk.u32 $0xffff, v2;
	_ =	sdelay $0x9  }
0x211: {  	v1 =	vadd.s32 $0xFFFFFFFF, v1  }
0x212: {  	vm8 =	vlt.s32 v1, $0xA0  }
0x213: {  	v1 =	vsel vm8, $0x1, v0  }
0x214: {  	[tilespmem:$0x780] =	vst v1  }
0x215: {  	v52 =	vld.idx.msk [tilespmem:v2+s29+$0x0], $0xffff;
	_, v51, vm0 =	vpop (xrf1);
	_ =	sdelay $0x4  }
0x216: {  	v1 =	vadd.s32 v52, v51  }
0x217: {  	[tilespmem:v2+s29+$0x0] =	vst.idx.msk vm0, v1  }
0x218: {  	v2 =	vld [tilespmem:$0x3A0];
	_ =	sdelay $0x4  }
0x219: {  	(xrf1) =	vunique.msk.u32 $0xffff, v2;
	_ =	sdelay $0x9  }
0x21a: {  	v1 =	vadd.s32 $0xFFFFFFFF, v1  }
0x21b: {  	vm9 =	vlt.s32 v1, $0xA0  }
0x21c: {  	v1 =	vsel vm9, $0x1, v0  }
0x21d: {  	[tilespmem:$0x790] =	vst v1  }
0x21e: {  	v54 =	vld.idx.msk [tilespmem:v2+s29+$0x0], $0xffff;
	_, v53, vm0 =	vpop (xrf1);
	_ =	sdelay $0x4  }
0x21f: {  	v1 =	vadd.s32 v54, v53  }
0x220: {  	[tilespmem:v2+s29+$0x0] =	vst.idx.msk vm0, v1  }
0x221: {  	v2 =	vld [tilespmem:$0x3B0];
	_ =	sdelay $0x4  }
0x222: {  	(xrf1) =	vunique.msk.u32 $0xffff, v2;
	_ =	sdelay $0x9  }
0x223: {  	v1 =	vadd.s32 $0xFFFFFFFF, v1  }
0x224: {  	vm10 =	vlt.s32 v1, $0xA0  }
0x225: {  	v1 =	vsel vm10, $0x1, v0  }
0x226: {  	[tilespmem:$0x7A0] =	vst v1  }
0x227: {  	v56 =	vld.idx.msk [tilespmem:v2+s29+$0x0], $0xffff;
	_, v55, vm0 =	vpop (xrf1);
	_ =	sdelay $0x4  }
0x228: {  	v1 =	vadd.s32 v56, v55  }
0x229: {  	[tilespmem:v2+s29+$0x0] =	vst.idx.msk vm0, v1  }
0x22a: {  	v2 =	vld [tilespmem:$0x3C0];
	_ =	sdelay $0x4  }
0x22b: {  	(xrf1) =	vunique.msk.u32 $0xffff, v2;
	_ =	sdelay $0x9  }
0x22c: {  	v1 =	vadd.s32 $0xFFFFFFFF, v1  }
0x22d: {  	vm11 =	vlt.s32 v1, $0xA0  }
0x22e: {  	v1 =	vsel vm11, $0x1, v0  }
0x22f: {  	[tilespmem:$0x7B0] =	vst v1  }
0x230: {  	v58 =	vld.idx.msk [tilespmem:v2+s29+$0x0], $0xffff;
	_, v57, vm0 =	vpop (xrf1);
	_ =	sdelay $0x4  }
0x231: {  	v1 =	vadd.s32 v58, v57  }
0x232: {  	[tilespmem:v2+s29+$0x0] =	vst.idx.msk vm0, v1  }
0x233: {  	v2 =	vld [tilespmem:$0x3D0];
	_ =	sdelay $0x4  }
0x234: {  	(xrf1) =	vunique.msk.u32 $0xffff, v2;
	_ =	sdelay $0x9  }
0x235: {  	v1 =	vadd.s32 $0xFFFFFFFF, v1  }
0x236: {  	vm12 =	vlt.s32 v1, $0xA0  }
0x237: {  	v1 =	vsel vm12, $0x1, v0  }
0x238: {  	[tilespmem:$0x7C0] =	vst v1  }
0x239: {  	v60 =	vld.idx.msk [tilespmem:v2+s29+$0x0], $0xffff;
	_, v59, vm0 =	vpop (xrf1);
	_ =	sdelay $0x4  }
0x23a: {  	v1 =	vadd.s32 v60, v59  }
0x23b: {  	[tilespmem:v2+s29+$0x0] =	vst.idx.msk vm0, v1  }
0x23c: {  	v2 =	vld [tilespmem:$0x3E0];
	_ =	sdelay $0x4  }
0x23d: {  	(xrf1) =	vunique.msk.u32 $0xffff, v2;
	_ =	sdelay $0x9  }
0x23e: {  	v1 =	vadd.s32 $0xFFFFFFFF, v1  }
0x23f: {  	vm13 =	vlt.s32 v1, $0xA0  }
0x240: {  	v1 =	vsel vm13, $0x1, v0  }
0x241: {  	[tilespmem:$0x7D0] =	vst v1  }
0x242: {  	v62 =	vld.idx.msk [tilespmem:v2+s29+$0x0], $0xffff;
	_, v61, vm0 =	vpop (xrf1);
	_ =	sdelay $0x4  }
0x243: {  	v1 =	vadd.s32 v62, v61  }
0x244: {  	[tilespmem:v2+s29+$0x0] =	vst.idx.msk vm0, v1  }
0x245: {  	v2 =	vld [tilespmem:$0x3F0];
	_ =	sdelay $0x4  }
0x246: {  	(xrf1) =	vunique.msk.u32 $0xffff, v2;
	_ =	sdelay $0x7  }
0x247: {  	v1 =	vadd.s32 $0xFFFFFFFF, v1  }
0x248: {  	vm14 =	vlt.s32 v1, $0xA0  }
0x249: {  	v1 =	vsel vm14, $0x1, v0  }
0x24a: {  	[tilespmem:$0x7E0] =	vst v1  }
0x24b: {  	v1 =	vld.idx.msk [tilespmem:v2+s29+$0x0], $0xffff;
	_ =	sdelay $0x1  }
0x24c: {  	_, v63, vm15 =	vpop (xrf1);
	_ =	sdelay $0x2  }
0x24d: {  	v1 =	vadd.s32 v1, v63  }
0x24e: {  	v3 =	vadd.s32 $0xFFFFFFFF, v1  }
0x24f: {  	vm1 =	vlt.s32 v3, $0xA0  }
0x250: {  	s30 =	sadd.s32 $0x600, s2;
	v0 =	vsel vm1, $0x1, v0;
	[tilespmem:v2+s29+$0x0] =	vst.idx.msk vm15, v1  }
0x251: {  	s31 =	simm.s32 $0x400;
	s5 =	sadd.s32 s30, s5;
	[tilespmem:$0x7F0] =	vst v0  }
0x252: {  	[hbm4b:s5+s3] =	stream.linear.scatter [tilespmem:s31], [sflag:$0x1], $0x400, $0x38;
	[tilespmem:$0x900] =	vst v63  }
0x253: {  	_ =	swait.ge [sflag:s28], $0x400  }
0x254: {  	[sflag:s28] =	ssyncset.done $0x0  }
0x255: {  	p0 =	sne.s32 s1, $0x7;
	[sflag:s28] =	ssyncadd.s32 $0xFFFFFC00  }
0x256: {  	v0 =	vld @!p0 [tilespmem:$0x800]  }
0x257: {  	v1 =	vld @!p0 [tilespmem:$0x810]  }
0x258: {  	v2 =	vld @!p0 [tilespmem:$0x820]  }
0x259: {  	v3 =	vld @!p0 [tilespmem:$0x830];
	_ =	sdelay $0x1  }
0x25a: {  	v0 =	vadd.s32 @!p0 $0xFFFFFF60, v0  }
0x25b: {  	v1 =	vadd.s32 @!p0 $0xFFFFFF60, v1;
	vm0 =	vgt.s32 @!p0 v0, $0x0  }
0x25c: {  	v2 =	vadd.s32 @!p0 $0xFFFFFF60, v2;
	v0 =	vnsel @!p0 vm0, $0x0, v0;
	vm0 =	vgt.s32 @!p0 v1, $0x0  }
0x25d: {  	v3 =	vadd.s32 @!p0 $0xFFFFFF60, v3;
	v1 =	vnsel @!p0 vm0, $0x0, v1;
	vm0 =	vgt.s32 @!p0 v2, $0x0  }
0x25e: {  	v0 =	vadd.s32 @!p0 v0, v1;
	v1 =	vnsel @!p0 vm0, $0x0, v2;
	vm0 =	vgt.s32 @!p0 v3, $0x0  }
0x25f: {  	v0 =	vadd.s32 @!p0 v1, v0;
	v1 =	vnsel @!p0 vm0, $0x0, v3  }
0x260: {  	v0 =	vadd.s32 @!p0 v1, v0  }
0x261: {  	(xrf0) =	vadd.scan.msk.s32 @!p0 $0xffff, v0;
	_ =	sdelay $0x5  }
0x262: {  	v0, _, _ =	vpop @!p0 (xrf0)  }
0x263: {  	s2 =	sadd.s32 $0xA00, s2;
	s4 =	simm.s32 @!p0 $0x888;
	s3 =	simm.s32 @!p0 $0x0;
	[tilespmem:$0x880] =	vst @!p0 v0  }
0x264: {  	[hbm4b:s2+s3] =	stream.linear.scatter @!p0 [tilespmem:s4], [sflag:$0x1], $0x8, $0x38;
	[tilespmem:$0x900] =	vst v63  }
0x265: {  	s2 =	simm.s32 @!p0 $0x1  }
0x266: {  	_ =	swait.ge @!p0 [sflag:s2], $0x8  }
0x267: {  	[sflag:s2] =	ssyncset.done @!p0 $0x0  }
0x268: {  	[sflag:s2] =	ssyncadd.s32 @!p0 $0xFFFFFFF8  }
.LBB2_2:
0x269: {  	_ =	sfence.sel $0x180000  }
0x26a: {  	[bflag:$0x0] =	sbarrier.arrive $0xFFFF  }
0x26b: {  	p0 =	sne.s32 s1, $0x0;
	_ =	strace $0x90000047  }
0x26c: {  	s0 =	sadd.s32 @!p0 $0x100000, s0;
	[bflag:$0x2] =	sbarrier.arrive $0xFFFF  }
0x26d: {  	[sflag:s0] =	ssyncadd.tile.s32 @!p0 $0x1;
	_ =	shalt  }
.Lfunc_end2:
_tile_overlayer_lowered:
.L_overlay_start_2:
0x26e: {  	(tag) =	ssettag $0x2  }
0x26f: {  	s0 =	rddreg [dreg:$0x0];
	s2 =	stileid.u32  }
0x270: {  	s1 =	rddreg [dreg:$0x1];
	p0 =	sne.s32 s2, $0x0  }
0x271: {  	s3 =	rddreg [dreg:$0x2];
	[bflag:$0x3] =	sbarrier.arrive $0xFFFF;
	s2 =	simm.s32 @!p0 $0x1C01  }
0x272: {  	[timem:s3], [sflag:s2] =	dma.local @!p0 [hbm:s0], s1  }
0x273: {  	s0 =	simm.s32 @!p0 $0x1  }
0x274: {  	_ =	swait.ge @!p0 [sflag:s0], s1  }
0x275: {  	s1 =	ssub.s32 @!p0 $0x0, s1;
	[sflag:s0] =	ssyncset.done @!p0 $0x0  }
0x276: {  	[sflag:s0] =	ssyncadd.s32 @!p0 s1  }
0x277: {  	[bflag:$0x3] =	sbarrier.arrive $0xFFFF  }
0x278: {  	_ =	shalt  }

</sc_bundles>
